<compile_context>
chip_gen: v7x
topology: tpu7x:2x2x1
jax: 0.10.2.dev20260603
libtpu: 0.0.44.dev20260713+nightly
codegen_flags: <defaults>
</compile_context>

<pallas_src>
import functools
import math

import jax
import jax.numpy as jnp
from jax import lax
from jax.experimental import pallas as pl
from jax.experimental.pallas import tpu as pltpu
from jax.experimental.pallas import tpu_sc as plsc

_BATCH = 4096
_WINDOW = 200
_EMBED = 64
_NC, _NS = 2, 16
_NW = _NC * _NS
_BSL = _BATCH // _NW
_SCALE = math.sqrt(_EMBED)
_L = 16
_ET = _EMBED // 8
_WB = 2
_NBLK = _WINDOW // _WB
_PITCH = 133

_mesh = plsc.VectorSubcoreMesh(core_axis_name="c", subcore_axis_name="s")


@functools.partial(
    pl.kernel,
    out_type=jax.ShapeDtypeStruct((_WINDOW, _ET, _NW, 8, _BSL), jnp.float32),
    mesh=_mesh,
    scratch_types=[
        pltpu.VMEM((_WINDOW * _BSL,), jnp.int32),
        pltpu.VMEM((_WB * _BSL, _EMBED), jnp.float32),
        pltpu.VMEM((_WB * _BSL, _EMBED), jnp.float32),
        pltpu.VMEM((_WB, _ET, 8, _PITCH), jnp.float32),
        pltpu.VMEM((_WB, _ET, 8, _PITCH), jnp.float32),
        pltpu.VMEM((_WINDOW, _EMBED), jnp.float32),
        pltpu.SemaphoreType.DMA,
        pltpu.SemaphoreType.DMA,
        pltpu.SemaphoreType.DMA,
        pltpu.SemaphoreType.DMA,
    ],
    compiler_params=pltpu.CompilerParams(
        use_tc_tiling_on_sc=False, needs_layout_passes=False),
)
def _emb_pe_kernel(xt_hbm, table_hbm, pos_hbm, out_hbm,
                   idx_v, gbuf0, gbuf1, obuf0, obuf1, pos_v,
                   sg0, sg1, so0, so1):
    wid = lax.axis_index("s") * _NC + lax.axis_index("c")
    b0 = wid * _BSL
    gbufs, obufs = (gbuf0, gbuf1), (obuf0, obuf1)
    sgs, sos = (sg0, sg1), (so0, so1)

    pltpu.sync_copy(pos_hbm, pos_v)

    @pl.loop(0, _WINDOW)
    def _stage_idx(w):
        pltpu.async_copy(xt_hbm.at[w, pl.ds(b0, _BSL)],
                         idx_v.at[pl.ds(w * _BSL, _BSL)], so0)

    @pl.loop(0, _WINDOW)
    def _drain_idx(w):
        pltpu.make_async_copy(xt_hbm.at[w, pl.ds(b0, _BSL)],
                              idx_v.at[pl.ds(w * _BSL, _BSL)], so0).wait()

    iota = jnp.arange(_L, dtype=jnp.int32)
    i0s = [(s * _L + iota) >> 3 for s in range(_EMBED // _L)]
    i1s = [(s * _L + iota) & 7 for s in range(_EMBED // _L)]

    def fire_gathers(g, b):
        pltpu.async_copy(
            table_hbm.at[idx_v.at[pl.ds(g * _WB * _BSL, _WB * _BSL)]],
            gbufs[b], sgs[b])

    def wait_gathers(g, b):
        pltpu.make_async_copy(
            table_hbm.at[idx_v.at[pl.ds(g * _WB * _BSL, _WB * _BSL)]],
            gbufs[b], sgs[b]).wait()

    def fire_out(g, b):
        for j in range(_WB):
            pltpu.async_copy(
                obufs[b].at[j, :, :, pl.ds(0, _BSL)],
                out_hbm.at[g * _WB + j, :, wid], sos[b])

    def drain_out(g, b):
        for j in range(_WB):
            pltpu.make_async_copy(
                obufs[b].at[j, :, :, pl.ds(0, _BSL)],
                out_hbm.at[g * _WB + j, :, wid], sos[b]).wait()

    def compute(g, b):
        for j in range(_WB):
            gbuf = gbufs[b]
            obuf = obufs[b].at[j]
            w = g * _WB + j
            ps = [pos_v[w, pl.ds(s * _L, _L)] for s in range(_EMBED // _L)]

            @pl.loop(0, _BSL, unroll=4)
            def _col(c):
                i2 = jnp.full((_L,), c, jnp.int32)
                for s in range(_EMBED // _L):
                    v = gbuf[j * _BSL + c, pl.ds(s * _L, _L)] * _SCALE + ps[s]
                    plsc.store_scatter(obuf, (i0s[s], i1s[s], i2), v)

    fire_gathers(0, 0)

    @pl.loop(0, _NBLK, step=2)
    def _gloop(gb):
        for b in range(2):
            g = gb + b

            @pl.when(g + 1 < _NBLK)
            def _():
                fire_gathers(g + 1, 1 - b)

            wait_gathers(g, b)

            @pl.when(g >= 2)
            def _():
                drain_out(g - 2, b)

            compute(g, b)
            fire_out(g, b)

    drain_out(_NBLK - 2, 0)
    drain_out(_NBLK - 1, 1)


def kernel(x, table, pos_encoding):
    out5 = _emb_pe_kernel(x.T, table, pos_encoding)
    return out5.transpose(2, 4, 0, 1, 3).reshape(_BATCH, _WINDOW, _EMBED)

# --- scband reference (transcript-rebuilt; emitter-appended) ---
"""Pipeline reference for scband-positional-encoding-11751030522645 (READ-ONLY COPY).

The authoritative reference and input builder live on the scoring server;
editing this copy changes nothing except your own understanding.
"""

import math
import jax, jax.numpy as jnp
import numpy as np

VOCAB = 1000000
EMBED = 64
WINDOW = 200
BATCH = 4096


def _positional_encoding(length, depth):
    position = jnp.arange(length, dtype=jnp.float32)[:, None]
    div_term = jnp.exp(jnp.arange(0, depth, 2, dtype=jnp.float32) * -(math.log(10000.0) / depth))
    ang = position * div_term  # [length, depth//2]
    pe = jnp.concatenate([jnp.sin(ang), jnp.cos(ang)], axis=1)  # halved layout: sin first half, cos second half
    return pe.astype(jnp.float32)


def setup_inputs(seed: int = 0):
    key = jax.random.key(seed)
    k1, k2 = jax.random.split(key)
    x = jax.random.randint(k1, (BATCH, WINDOW), 0, VOCAB, dtype=jnp.int32)
    table = jax.random.normal(k2, (VOCAB, EMBED), dtype=jnp.float32)
    pos_encoding = _positional_encoding(WINDOW, EMBED)
    return {"x": x, "table": table, "pos_encoding": pos_encoding}


def reference(x, table, pos_encoding):
    # 1. embed
    emb = jnp.take(table, x, axis=0)  # [B, W, E]
    # 2. scale by sqrt(embed_size)
    emb = emb * math.sqrt(EMBED)
    # 3. add positional encoding broadcast over batch
    seq_len = x.shape[1]
    emb = emb + pos_encoding[:seq_len, :]
    # 4. dropout: identity in eval / deterministic mode (p=0.0)
    return emb

if __name__ == "__main__":
    import jax
    _d = setup_inputs()
    print(jax.jit(kernel)(*tuple(_d.values())))

</pallas_src>

<mosaic_0001>
#map = affine_map<(d0, d1) -> (0, 0)>
#map1 = affine_map<(d0, d1) -> (0, 0, 0, 0, 0)>
module attributes {stable_mosaic.version = 14 : i64} {
  func.func @_emb_pe_kernel(%arg0: i32, %arg1: i32, %arg2: memref<200x4096xi32, #tpu.memory_space<hbm>>, %arg3: memref<1000000x64xf32, #tpu.memory_space<hbm>>, %arg4: memref<200x64xf32, #tpu.memory_space<hbm>>, %arg5: memref<200x8x32x8x128xf32, #tpu.memory_space<hbm>>, %arg6: memref<25600xi32, #tpu.memory_space<vmem>>, %arg7: memref<256x64xf32, #tpu.memory_space<vmem>>, %arg8: memref<256x64xf32, #tpu.memory_space<vmem>>, %arg9: memref<2x8x8x133xf32, #tpu.memory_space<vmem>>, %arg10: memref<2x8x8x133xf32, #tpu.memory_space<vmem>>, %arg11: memref<200x64xf32, #tpu.memory_space<vmem>>, %arg12: memref<!tpu.dma_semaphore, #tpu.memory_space<semaphore_mem>>, %arg13: memref<!tpu.dma_semaphore, #tpu.memory_space<semaphore_mem>>, %arg14: memref<!tpu.dma_semaphore, #tpu.memory_space<semaphore_mem>>, %arg15: memref<!tpu.dma_semaphore, #tpu.memory_space<semaphore_mem>>) attributes {dimension_semantics = [#tpu.dimension_semantics<core_parallel>, #tpu.dimension_semantics<subcore_parallel>], iteration_bounds = array<i64: 2, 16>, scalar_prefetch = 0 : i64, scratch_operands = 10 : i64, tpu.core_type = #tpu.core_type<sc_vector_subcore>, window_params = [{transform_indices = #map}, {transform_indices = #map}, {transform_indices = #map}, {transform_indices = #map1}]} {
    %mul3A = arith.constant 2 : i32
    %mul3A_0 = arith.muli %arg1, %mul3A : i32
    %add3A = arith.addi %mul3A_0, %arg0 : i32
    %mul3A_1 = arith.constant 128 : i32
    %mul3A_2 = arith.muli %add3A, %mul3A_1 : i32
    "tpu.region"() ({
      %run_scoped3A = tpu.sem_alloc : memref<!tpu.dma_semaphore, #tpu.memory_space<semaphore_mem>>
      tpu.enqueue_dma source(%arg4 : memref<200x64xf32, #tpu.memory_space<hbm>>) target(%arg11 : memref<200x64xf32, #tpu.memory_space<vmem>>) target_semaphore(%run_scoped3A : memref<!tpu.dma_semaphore, #tpu.memory_space<semaphore_mem>>)
      tpu.wait_dma2 semaphore(%run_scoped3A : memref<!tpu.dma_semaphore, #tpu.memory_space<semaphore_mem>>) src(%arg4 : memref<200x64xf32, #tpu.memory_space<hbm>>) dst(%arg11 : memref<200x64xf32, #tpu.memory_space<vmem>>)
      tpu.yield
    }) : () -> ()
    %scan3A = arith.constant 0 : i32
    %scan3A_3 = arith.constant 200 : i32
    %scan3A_4 = arith.addi %scan3A, %scan3A_3 : i32
    %scan3A_5 = arith.constant 1 : i32
    scf.for %scan3A_154 = %scan3A to %scan3A_4 step %scan3A_5  : i32 {
      %mul3A_155 = arith.constant 1 : i32
      %mul3A_156 = arith.muli %scan3A_154, %mul3A_155 : i32
      %add3A_157 = arith.constant 0 : i32
      %add3A_158 = arith.addi %add3A_157, %mul3A_156 : i32
      %mul3A_159 = arith.constant 128 : i32
      %mul3A_160 = arith.muli %add3A_158, %mul3A_159 : i32
      %dma_start3A_161 = tpu.memref_slice %arg6[%mul3A_160] : memref<25600xi32, #tpu.memory_space<vmem>> -> memref<128xi32, #tpu.memory_space<vmem>>
      %dma_start3A_162 = tpu.memref_slice %arg2[%add3A_158, %mul3A_2] : memref<200x4096xi32, #tpu.memory_space<hbm>> -> memref<1x128xi32, #tpu.memory_space<hbm>>
      %dma_start3A_163 = tpu.memref_squeeze %dma_start3A_162 : memref<1x128xi32, #tpu.memory_space<hbm>> -> memref<128xi32, #tpu.memory_space<hbm>>
      %dma_start3A_164 = tpu.memref_slice %arg6[%mul3A_160] : memref<25600xi32, #tpu.memory_space<vmem>> -> memref<128xi32, #tpu.memory_space<vmem>>
      %dma_start3A_165 = tpu.memref_slice %arg2[%add3A_158, %mul3A_2] : memref<200x4096xi32, #tpu.memory_space<hbm>> -> memref<1x128xi32, #tpu.memory_space<hbm>>
      %dma_start3A_166 = tpu.memref_squeeze %dma_start3A_165 : memref<1x128xi32, #tpu.memory_space<hbm>> -> memref<128xi32, #tpu.memory_space<hbm>>
      tpu.enqueue_dma source(%dma_start3A_166 : memref<128xi32, #tpu.memory_space<hbm>>) target(%dma_start3A_164 : memref<128xi32, #tpu.memory_space<vmem>>) target_semaphore(%arg14 : memref<!tpu.dma_semaphore, #tpu.memory_space<semaphore_mem>>)
    }
    %scan3A_6 = arith.constant 200 : i32
    %scan3A_7 = arith.constant 0 : i32
    %scan3A_8 = arith.constant 200 : i32
    %scan3A_9 = arith.addi %scan3A_7, %scan3A_8 : i32
    %scan3A_10 = arith.constant 1 : i32
    scf.for %scan3A_154 = %scan3A_7 to %scan3A_9 step %scan3A_10  : i32 {
      %mul3A_155 = arith.constant 1 : i32
      %mul3A_156 = arith.muli %scan3A_154, %mul3A_155 : i32
      %add3A_157 = arith.constant 0 : i32
      %add3A_158 = arith.addi %add3A_157, %mul3A_156 : i32
      %mul3A_159 = arith.constant 128 : i32
      %mul3A_160 = arith.muli %add3A_158, %mul3A_159 : i32
      %dma_wait3A_161 = tpu.memref_slice %arg6[%mul3A_160] : memref<25600xi32, #tpu.memory_space<vmem>> -> memref<128xi32, #tpu.memory_space<vmem>>
      %dma_wait3A_162 = tpu.memref_slice %arg2[%add3A_158, %mul3A_2] : memref<200x4096xi32, #tpu.memory_space<hbm>> -> memref<1x128xi32, #tpu.memory_space<hbm>>
      %dma_wait3A_163 = tpu.memref_squeeze %dma_wait3A_162 : memref<1x128xi32, #tpu.memory_space<hbm>> -> memref<128xi32, #tpu.memory_space<hbm>>
      %dma_wait3A_164 = tpu.memref_slice %arg6[%mul3A_160] : memref<25600xi32, #tpu.memory_space<vmem>> -> memref<128xi32, #tpu.memory_space<vmem>>
      %dma_wait3A_165 = tpu.memref_slice %arg2[%add3A_158, %mul3A_2] : memref<200x4096xi32, #tpu.memory_space<hbm>> -> memref<1x128xi32, #tpu.memory_space<hbm>>
      %dma_wait3A_166 = tpu.memref_squeeze %dma_wait3A_165 : memref<1x128xi32, #tpu.memory_space<hbm>> -> memref<128xi32, #tpu.memory_space<hbm>>
      tpu.wait_dma2 semaphore(%arg14 : memref<!tpu.dma_semaphore, #tpu.memory_space<semaphore_mem>>) src(%dma_wait3A_166 : memref<128xi32, #tpu.memory_space<hbm>>) dst(%dma_wait3A_164 : memref<128xi32, #tpu.memory_space<vmem>>)
    }
    %scan3A_11 = arith.constant 200 : i32
    %iota3A = tpu.iota {dimensions = array<i32: 0>} : vector<16xi32>
    %add3A_12 = arith.constant 0 : i32
    %add3A_13 = vector.broadcast %add3A_12 : i32 to vector<16xi32>
    %add3A_14 = arith.addi %add3A_13, %iota3A : vector<16xi32>
    %shift_right_arithmetic3A = arith.constant 3 : i32
    %shift_right_arithmetic3A_15 = vector.broadcast %shift_right_arithmetic3A : i32 to vector<16xi32>
    %shift_right_arithmetic3A_16 = arith.shrsi %add3A_14, %shift_right_arithmetic3A_15 : vector<16xi32>
    %add3A_17 = arith.constant 16 : i32
    %add3A_18 = vector.broadcast %add3A_17 : i32 to vector<16xi32>
    %add3A_19 = arith.addi %add3A_18, %iota3A : vector<16xi32>
    %shift_right_arithmetic3A_20 = arith.constant 3 : i32
    %shift_right_arithmetic3A_21 = vector.broadcast %shift_right_arithmetic3A_20 : i32 to vector<16xi32>
    %shift_right_arithmetic3A_22 = arith.shrsi %add3A_19, %shift_right_arithmetic3A_21 : vector<16xi32>
    %add3A_23 = arith.constant 32 : i32
    %add3A_24 = vector.broadcast %add3A_23 : i32 to vector<16xi32>
    %add3A_25 = arith.addi %add3A_24, %iota3A : vector<16xi32>
    %shift_right_arithmetic3A_26 = arith.constant 3 : i32
    %shift_right_arithmetic3A_27 = vector.broadcast %shift_right_arithmetic3A_26 : i32 to vector<16xi32>
    %shift_right_arithmetic3A_28 = arith.shrsi %add3A_25, %shift_right_arithmetic3A_27 : vector<16xi32>
    %add3A_29 = arith.constant 48 : i32
    %add3A_30 = vector.broadcast %add3A_29 : i32 to vector<16xi32>
    %add3A_31 = arith.addi %add3A_30, %iota3A : vector<16xi32>
    %shift_right_arithmetic3A_32 = arith.constant 3 : i32
    %shift_right_arithmetic3A_33 = vector.broadcast %shift_right_arithmetic3A_32 : i32 to vector<16xi32>
    %shift_right_arithmetic3A_34 = arith.shrsi %add3A_31, %shift_right_arithmetic3A_33 : vector<16xi32>
    %add3A_35 = arith.constant 0 : i32
    %add3A_36 = vector.broadcast %add3A_35 : i32 to vector<16xi32>
    %add3A_37 = arith.addi %add3A_36, %iota3A : vector<16xi32>
    %and3A = arith.constant 7 : i32
    %and3A_38 = vector.broadcast %and3A : i32 to vector<16xi32>
    %and3A_39 = arith.andi %add3A_37, %and3A_38 : vector<16xi32>
    %add3A_40 = arith.constant 16 : i32
    %add3A_41 = vector.broadcast %add3A_40 : i32 to vector<16xi32>
    %add3A_42 = arith.addi %add3A_41, %iota3A : vector<16xi32>
    %and3A_43 = arith.constant 7 : i32
    %and3A_44 = vector.broadcast %and3A_43 : i32 to vector<16xi32>
    %and3A_45 = arith.andi %add3A_42, %and3A_44 : vector<16xi32>
    %add3A_46 = arith.constant 32 : i32
    %add3A_47 = vector.broadcast %add3A_46 : i32 to vector<16xi32>
    %add3A_48 = arith.addi %add3A_47, %iota3A : vector<16xi32>
    %and3A_49 = arith.constant 7 : i32
    %and3A_50 = vector.broadcast %and3A_49 : i32 to vector<16xi32>
    %and3A_51 = arith.andi %add3A_48, %and3A_50 : vector<16xi32>
    %add3A_52 = arith.constant 48 : i32
    %add3A_53 = vector.broadcast %add3A_52 : i32 to vector<16xi32>
    %add3A_54 = arith.addi %add3A_53, %iota3A : vector<16xi32>
    %and3A_55 = arith.constant 7 : i32
    %and3A_56 = vector.broadcast %and3A_55 : i32 to vector<16xi32>
    %and3A_57 = arith.andi %add3A_54, %and3A_56 : vector<16xi32>
    %dma_start3A = arith.constant 0 : i32
    %dma_start3A_58 = tpu.memref_slice %arg6[%dma_start3A] : memref<25600xi32, #tpu.memory_space<vmem>> -> memref<256xi32, #tpu.memory_space<vmem>>
    %dma_start3A_59 = arith.constant 0 : i32
    %dma_start3A_60 = arith.constant 0 : i32
    %dma_start3A_61 = tpu.memref_slice %arg3[%dma_start3A_59, %dma_start3A_60] : memref<1000000x64xf32, #tpu.memory_space<hbm>> -> memref<1000000x64xf32, #tpu.memory_space<hbm>>
    tpu.enqueue_indirect_dma source(%dma_start3A_61 : memref<1000000x64xf32, #tpu.memory_space<hbm>>) target(%arg7 : memref<256x64xf32, #tpu.memory_space<vmem>>) offsets(%dma_start3A_58 : memref<256xi32, #tpu.memory_space<vmem>>) semaphore(%arg12 : memref<!tpu.dma_semaphore, #tpu.memory_space<semaphore_mem>>)
    %scan3A_62 = arith.constant 0 : i32
    %scan3A_63 = arith.constant 50 : i32
    %scan3A_64 = arith.addi %scan3A_62, %scan3A_63 : i32
    %scan3A_65 = arith.constant 1 : i32
    scf.for %scan3A_154 = %scan3A_62 to %scan3A_64 step %scan3A_65  : i32 {
      %mul3A_155 = arith.constant 2 : i32
      %mul3A_156 = arith.muli %scan3A_154, %mul3A_155 : i32
      %add3A_157 = arith.constant 0 : i32
      %add3A_158 = arith.addi %add3A_157, %mul3A_156 : i32
      %add3A_159 = arith.constant 0 : i32
      %add3A_160 = arith.addi %add3A_158, %add3A_159 : i32
      %add3A_161 = arith.constant 1 : i32
      %add3A_162 = arith.addi %add3A_160, %add3A_161 : i32
      %lt3A = arith.constant 100 : i32
      %lt3A_163 = arith.cmpi slt, %add3A_162, %lt3A : i32
      %convert_element_type3A = arith.extui %lt3A_163 : i1 to i32
      %cond3A = arith.constant 0 : i32
      %cond3A_164 = arith.cmpi ne, %convert_element_type3A, %cond3A : i32
      scf.if %cond3A_164 {
        %add3A_386 = arith.constant 1 : i32
        %add3A_387 = arith.addi %add3A_160, %add3A_386 : i32
        %mul3A_388 = arith.constant 2 : i32
        %mul3A_389 = arith.muli %add3A_387, %mul3A_388 : i32
        %mul3A_390 = arith.constant 128 : i32
        %mul3A_391 = arith.muli %mul3A_389, %mul3A_390 : i32
        %dma_start3A_392 = tpu.memref_slice %arg6[%mul3A_391] : memref<25600xi32, #tpu.memory_space<vmem>> -> memref<256xi32, #tpu.memory_space<vmem>>
        %dma_start3A_393 = arith.constant 0 : i32
        %dma_start3A_394 = arith.constant 0 : i32
        %dma_start3A_395 = tpu.memref_slice %arg3[%dma_start3A_393, %dma_start3A_394] : memref<1000000x64xf32, #tpu.memory_space<hbm>> -> memref<1000000x64xf32, #tpu.memory_space<hbm>>
        tpu.enqueue_indirect_dma source(%dma_start3A_395 : memref<1000000x64xf32, #tpu.memory_space<hbm>>) target(%arg8 : memref<256x64xf32, #tpu.memory_space<vmem>>) offsets(%dma_start3A_392 : memref<256xi32, #tpu.memory_space<vmem>>) semaphore(%arg13 : memref<!tpu.dma_semaphore, #tpu.memory_space<semaphore_mem>>)
      } else {
      }
      %mul3A_165 = arith.constant 2 : i32
      %mul3A_166 = arith.muli %add3A_160, %mul3A_165 : i32
      %mul3A_167 = arith.constant 128 : i32
      %mul3A_168 = arith.muli %mul3A_166, %mul3A_167 : i32
      %dma_wait3A_169 = tpu.memref_slice %arg6[%mul3A_168] : memref<25600xi32, #tpu.memory_space<vmem>> -> memref<256xi32, #tpu.memory_space<vmem>>
      %dma_wait3A_170 = arith.constant 0 : i32
      %dma_wait3A_171 = arith.constant 0 : i32
      %dma_wait3A_172 = tpu.memref_slice %arg3[%dma_wait3A_170, %dma_wait3A_171] : memref<1000000x64xf32, #tpu.memory_space<hbm>> -> memref<1000000x64xf32, #tpu.memory_space<hbm>>
      tpu.wait_indirect_dma semaphore(%arg12 : memref<!tpu.dma_semaphore, #tpu.memory_space<semaphore_mem>>) src(%dma_wait3A_172 : memref<1000000x64xf32, #tpu.memory_space<hbm>>) dst(%arg7 : memref<256x64xf32, #tpu.memory_space<vmem>>)
      %ge3A = arith.constant 2 : i32
      %ge3A_173 = arith.cmpi sge, %add3A_160, %ge3A : i32
      %convert_element_type3A_174 = arith.extui %ge3A_173 : i1 to i32
      %cond3A_175 = arith.constant 0 : i32
      %cond3A_176 = arith.cmpi ne, %convert_element_type3A_174, %cond3A_175 : i32
      scf.if %cond3A_176 {
        %sub3A = arith.constant 2 : i32
        %sub3A_386 = arith.subi %add3A_160, %sub3A : i32
        %mul3A_387 = arith.constant 2 : i32
        %mul3A_388 = arith.muli %sub3A_386, %mul3A_387 : i32
        %add3A_389 = arith.constant 0 : i32
        %add3A_390 = arith.addi %mul3A_388, %add3A_389 : i32
        %dma_wait3A_391 = arith.constant 0 : i32
        %dma_wait3A_392 = arith.constant 0 : i32
        %dma_wait3A_393 = arith.constant 0 : i32
        %dma_wait3A_394 = arith.constant 0 : i32
        %dma_wait3A_395 = tpu.memref_slice %arg9[%dma_wait3A_391, %dma_wait3A_392, %dma_wait3A_393, %dma_wait3A_394] : memref<2x8x8x133xf32, #tpu.memory_space<vmem>> -> memref<1x8x8x128xf32, #tpu.memory_space<vmem>>
        %dma_wait3A_396 = tpu.memref_squeeze %dma_wait3A_395 : memref<1x8x8x128xf32, #tpu.memory_space<vmem>> -> memref<8x8x128xf32, #tpu.memory_space<vmem>>
        %dma_wait3A_397 = arith.constant 0 : i32
        %dma_wait3A_398 = arith.constant 0 : i32
        %dma_wait3A_399 = arith.constant 0 : i32
        %dma_wait3A_400 = tpu.memref_slice %arg5[%add3A_390, %dma_wait3A_397, %add3A, %dma_wait3A_398, %dma_wait3A_399] : memref<200x8x32x8x128xf32, #tpu.memory_space<hbm>> -> memref<1x8x1x8x128xf32, #tpu.memory_space<hbm>>
        %dma_wait3A_401 = tpu.memref_squeeze %dma_wait3A_400 : memref<1x8x1x8x128xf32, #tpu.memory_space<hbm>> -> memref<8x8x128xf32, #tpu.memory_space<hbm>>
        %dma_wait3A_402 = arith.constant 0 : i32
        %dma_wait3A_403 = arith.constant 0 : i32
        %dma_wait3A_404 = arith.constant 0 : i32
        %dma_wait3A_405 = tpu.memref_slice %arg5[%add3A_390, %dma_wait3A_402, %add3A, %dma_wait3A_403, %dma_wait3A_404] : memref<200x8x32x8x128xf32, #tpu.memory_space<hbm>> -> memref<1x8x1x8x128xf32, #tpu.memory_space<hbm>>
        %dma_wait3A_406 = tpu.memref_squeeze %dma_wait3A_405 : memref<1x8x1x8x128xf32, #tpu.memory_space<hbm>> -> memref<8x8x128xf32, #tpu.memory_space<hbm>>
        %dma_wait3A_407 = arith.constant 0 : i32
        %dma_wait3A_408 = arith.constant 0 : i32
        %dma_wait3A_409 = arith.constant 0 : i32
        %dma_wait3A_410 = tpu.memref_slice %arg9[%dma_wait3A_391, %dma_wait3A_407, %dma_wait3A_408, %dma_wait3A_409] : memref<2x8x8x133xf32, #tpu.memory_space<vmem>> -> memref<1x8x8x128xf32, #tpu.memory_space<vmem>>
        %dma_wait3A_411 = tpu.memref_squeeze %dma_wait3A_410 : memref<1x8x8x128xf32, #tpu.memory_space<vmem>> -> memref<8x8x128xf32, #tpu.memory_space<vmem>>
        tpu.wait_dma2 semaphore(%arg14 : memref<!tpu.dma_semaphore, #tpu.memory_space<semaphore_mem>>) src(%dma_wait3A_411 : memref<8x8x128xf32, #tpu.memory_space<vmem>>) dst(%dma_wait3A_406 : memref<8x8x128xf32, #tpu.memory_space<hbm>>)
        %mul3A_412 = arith.constant 2 : i32
        %mul3A_413 = arith.muli %sub3A_386, %mul3A_412 : i32
        %add3A_414 = arith.constant 1 : i32
        %add3A_415 = arith.addi %mul3A_413, %add3A_414 : i32
        %dma_wait3A_416 = arith.constant 1 : i32
        %dma_wait3A_417 = arith.constant 0 : i32
        %dma_wait3A_418 = arith.constant 0 : i32
        %dma_wait3A_419 = arith.constant 0 : i32
        %dma_wait3A_420 = tpu.memref_slice %arg9[%dma_wait3A_416, %dma_wait3A_417, %dma_wait3A_418, %dma_wait3A_419] : memref<2x8x8x133xf32, #tpu.memory_space<vmem>> -> memref<1x8x8x128xf32, #tpu.memory_space<vmem>>
        %dma_wait3A_421 = tpu.memref_squeeze %dma_wait3A_420 : memref<1x8x8x128xf32, #tpu.memory_space<vmem>> -> memref<8x8x128xf32, #tpu.memory_space<vmem>>
        %dma_wait3A_422 = arith.constant 0 : i32
        %dma_wait3A_423 = arith.constant 0 : i32
        %dma_wait3A_424 = arith.constant 0 : i32
        %dma_wait3A_425 = tpu.memref_slice %arg5[%add3A_415, %dma_wait3A_422, %add3A, %dma_wait3A_423, %dma_wait3A_424] : memref<200x8x32x8x128xf32, #tpu.memory_space<hbm>> -> memref<1x8x1x8x128xf32, #tpu.memory_space<hbm>>
        %dma_wait3A_426 = tpu.memref_squeeze %dma_wait3A_425 : memref<1x8x1x8x128xf32, #tpu.memory_space<hbm>> -> memref<8x8x128xf32, #tpu.memory_space<hbm>>
        %dma_wait3A_427 = arith.constant 0 : i32
        %dma_wait3A_428 = arith.constant 0 : i32
        %dma_wait3A_429 = arith.constant 0 : i32
        %dma_wait3A_430 = tpu.memref_slice %arg5[%add3A_415, %dma_wait3A_427, %add3A, %dma_wait3A_428, %dma_wait3A_429] : memref<200x8x32x8x128xf32, #tpu.memory_space<hbm>> -> memref<1x8x1x8x128xf32, #tpu.memory_space<hbm>>
        %dma_wait3A_431 = tpu.memref_squeeze %dma_wait3A_430 : memref<1x8x1x8x128xf32, #tpu.memory_space<hbm>> -> memref<8x8x128xf32, #tpu.memory_space<hbm>>
        %dma_wait3A_432 = arith.constant 0 : i32
        %dma_wait3A_433 = arith.constant 0 : i32
        %dma_wait3A_434 = arith.constant 0 : i32
        %dma_wait3A_435 = tpu.memref_slice %arg9[%dma_wait3A_416, %dma_wait3A_432, %dma_wait3A_433, %dma_wait3A_434] : memref<2x8x8x133xf32, #tpu.memory_space<vmem>> -> memref<1x8x8x128xf32, #tpu.memory_space<vmem>>
        %dma_wait3A_436 = tpu.memref_squeeze %dma_wait3A_435 : memref<1x8x8x128xf32, #tpu.memory_space<vmem>> -> memref<8x8x128xf32, #tpu.memory_space<vmem>>
        tpu.wait_dma2 semaphore(%arg14 : memref<!tpu.dma_semaphore, #tpu.memory_space<semaphore_mem>>) src(%dma_wait3A_436 : memref<8x8x128xf32, #tpu.memory_space<vmem>>) dst(%dma_wait3A_431 : memref<8x8x128xf32, #tpu.memory_space<hbm>>)
      } else {
      }
      %mul3A_177 = arith.constant 2 : i32
      %mul3A_178 = arith.muli %add3A_160, %mul3A_177 : i32
      %add3A_179 = arith.constant 0 : i32
      %add3A_180 = arith.addi %mul3A_178, %add3A_179 : i32
      %get3A = arith.index_cast %add3A_180 : i32 to index
      %get3A_181 = arith.constant 0 : index
      %get3A_182 = tpu.vector_load %arg11[%get3A, %get3A_181] {strides = array<i32>} : memref<200x64xf32, #tpu.memory_space<vmem>>, vector<16xf32>,
      %get3A_183 = arith.index_cast %add3A_180 : i32 to index
      %get3A_184 = arith.constant 16 : index
      %get3A_185 = tpu.vector_load %arg11[%get3A_183, %get3A_184] {strides = array<i32>} : memref<200x64xf32, #tpu.memory_space<vmem>>, vector<16xf32>,
      %get3A_186 = arith.index_cast %add3A_180 : i32 to index
      %get3A_187 = arith.constant 32 : index
      %get3A_188 = tpu.vector_load %arg11[%get3A_186, %get3A_187] {strides = array<i32>} : memref<200x64xf32, #tpu.memory_space<vmem>>, vector<16xf32>,
      %get3A_189 = arith.index_cast %add3A_180 : i32 to index
      %get3A_190 = arith.constant 48 : index
      %get3A_191 = tpu.vector_load %arg11[%get3A_189, %get3A_190] {strides = array<i32>} : memref<200x64xf32, #tpu.memory_space<vmem>>, vector<16xf32>,
      %scan3A_192 = arith.constant 0 : i32
      %scan3A_193 = arith.constant 0 : i32
      %scan3A_194 = arith.constant 128 : i32
      %scan3A_195 = arith.addi %scan3A_193, %scan3A_194 : i32
      %scan3A_196 = arith.constant 4 : i32
      scf.for %scan3A_386 = %scan3A_193 to %scan3A_195 step %scan3A_196  : i32 {
        %mul3A_387 = arith.constant 1 : i32
        %mul3A_388 = arith.muli %scan3A_386, %mul3A_387 : i32
        %add3A_389 = arith.constant 0 : i32
        %add3A_390 = arith.addi %add3A_389, %mul3A_388 : i32
        %broadcast_in_dim3A = vector.broadcast %add3A_390 : i32 to vector<16xi32>
        %add3A_391 = arith.constant 0 : i32
        %add3A_392 = arith.addi %add3A_391, %add3A_390 : i32
        %get3A_393 = arith.index_cast %add3A_392 : i32 to index
        %get3A_394 = arith.constant 0 : index
        %get3A_395 = tpu.vector_load %arg7[%get3A_393, %get3A_394] {strides = array<i32>} : memref<256x64xf32, #tpu.memory_space<vmem>>, vector<16xf32>,
        %mul3A_396 = arith.constant 8.000000e+00 : f32
        %mul3A_397 = vector.broadcast %mul3A_396 : f32 to vector<16xf32>
        %mul3A_398 = arith.mulf %get3A_395, %mul3A_397 : vector<16xf32>
        %add3A_399 = arith.addf %mul3A_398, %get3A_182 : vector<16xf32>
        %scatter3A = arith.constant 0 : i32
        %scatter3A_400 = arith.constant 0 : i32
        %scatter3A_401 = arith.constant 0 : i32
        %scatter3A_402 = tpu.memref_slice %arg9[%scan3A_192, %scatter3A, %scatter3A_400, %scatter3A_401] : memref<2x8x8x133xf32, #tpu.memory_space<vmem>> -> memref<1x8x8x133xf32, #tpu.memory_space<vmem>>
        %scatter3A_403 = tpu.memref_squeeze %scatter3A_402 : memref<1x8x8x133xf32, #tpu.memory_space<vmem>> -> memref<8x8x133xf32, #tpu.memory_space<vmem>>
        tpu.vector_store_idx %scatter3A_403[%shift_right_arithmetic3A_16, %and3A_39, %broadcast_in_dim3A], %add3A_399 : memref<8x8x133xf32, #tpu.memory_space<vmem>>[vector<16xi32>, vector<16xi32>, vector<16xi32>], vector<16xf32>,
        %add3A_404 = arith.constant 0 : i32
        %add3A_405 = arith.addi %add3A_404, %add3A_390 : i32
        %get3A_406 = arith.index_cast %add3A_405 : i32 to index
        %get3A_407 = arith.constant 16 : index
        %get3A_408 = tpu.vector_load %arg7[%get3A_406, %get3A_407] {strides = array<i32>} : memref<256x64xf32, #tpu.memory_space<vmem>>, vector<16xf32>,
        %mul3A_409 = arith.constant 8.000000e+00 : f32
        %mul3A_410 = vector.broadcast %mul3A_409 : f32 to vector<16xf32>
        %mul3A_411 = arith.mulf %get3A_408, %mul3A_410 : vector<16xf32>
        %add3A_412 = arith.addf %mul3A_411, %get3A_185 : vector<16xf32>
        %scatter3A_413 = arith.constant 0 : i32
        %scatter3A_414 = arith.constant 0 : i32
        %scatter3A_415 = arith.constant 0 : i32
        %scatter3A_416 = tpu.memref_slice %arg9[%scan3A_192, %scatter3A_413, %scatter3A_414, %scatter3A_415] : memref<2x8x8x133xf32, #tpu.memory_space<vmem>> -> memref<1x8x8x133xf32, #tpu.memory_space<vmem>>
        %scatter3A_417 = tpu.memref_squeeze %scatter3A_416 : memref<1x8x8x133xf32, #tpu.memory_space<vmem>> -> memref<8x8x133xf32, #tpu.memory_space<vmem>>
        tpu.vector_store_idx %scatter3A_417[%shift_right_arithmetic3A_22, %and3A_45, %broadcast_in_dim3A], %add3A_412 : memref<8x8x133xf32, #tpu.memory_space<vmem>>[vector<16xi32>, vector<16xi32>, vector<16xi32>], vector<16xf32>,
        %add3A_418 = arith.constant 0 : i32
        %add3A_419 = arith.addi %add3A_418, %add3A_390 : i32
        %get3A_420 = arith.index_cast %add3A_419 : i32 to index
        %get3A_421 = arith.constant 32 : index
        %get3A_422 = tpu.vector_load %arg7[%get3A_420, %get3A_421] {strides = array<i32>} : memref<256x64xf32, #tpu.memory_space<vmem>>, vector<16xf32>,
        %mul3A_423 = arith.constant 8.000000e+00 : f32
        %mul3A_424 = vector.broadcast %mul3A_423 : f32 to vector<16xf32>
        %mul3A_425 = arith.mulf %get3A_422, %mul3A_424 : vector<16xf32>
        %add3A_426 = arith.addf %mul3A_425, %get3A_188 : vector<16xf32>
        %scatter3A_427 = arith.constant 0 : i32
        %scatter3A_428 = arith.constant 0 : i32
        %scatter3A_429 = arith.constant 0 : i32
        %scatter3A_430 = tpu.memref_slice %arg9[%scan3A_192, %scatter3A_427, %scatter3A_428, %scatter3A_429] : memref<2x8x8x133xf32, #tpu.memory_space<vmem>> -> memref<1x8x8x133xf32, #tpu.memory_space<vmem>>
        %scatter3A_431 = tpu.memref_squeeze %scatter3A_430 : memref<1x8x8x133xf32, #tpu.memory_space<vmem>> -> memref<8x8x133xf32, #tpu.memory_space<vmem>>
        tpu.vector_store_idx %scatter3A_431[%shift_right_arithmetic3A_28, %and3A_51, %broadcast_in_dim3A], %add3A_426 : memref<8x8x133xf32, #tpu.memory_space<vmem>>[vector<16xi32>, vector<16xi32>, vector<16xi32>], vector<16xf32>,
        %add3A_432 = arith.constant 0 : i32
        %add3A_433 = arith.addi %add3A_432, %add3A_390 : i32
        %get3A_434 = arith.index_cast %add3A_433 : i32 to index
        %get3A_435 = arith.constant 48 : index
        %get3A_436 = tpu.vector_load %arg7[%get3A_434, %get3A_435] {strides = array<i32>} : memref<256x64xf32, #tpu.memory_space<vmem>>, vector<16xf32>,
        %mul3A_437 = arith.constant 8.000000e+00 : f32
        %mul3A_438 = vector.broadcast %mul3A_437 : f32 to vector<16xf32>
        %mul3A_439 = arith.mulf %get3A_436, %mul3A_438 : vector<16xf32>
        %add3A_440 = arith.addf %mul3A_439, %get3A_191 : vector<16xf32>
        %scatter3A_441 = arith.constant 0 : i32
        %scatter3A_442 = arith.constant 0 : i32
        %scatter3A_443 = arith.constant 0 : i32
        %scatter3A_444 = tpu.memref_slice %arg9[%scan3A_192, %scatter3A_441, %scatter3A_442, %scatter3A_443] : memref<2x8x8x133xf32, #tpu.memory_space<vmem>> -> memref<1x8x8x133xf32, #tpu.memory_space<vmem>>
        %scatter3A_445 = tpu.memref_squeeze %scatter3A_444 : memref<1x8x8x133xf32, #tpu.memory_space<vmem>> -> memref<8x8x133xf32, #tpu.memory_space<vmem>>
        tpu.vector_store_idx %scatter3A_445[%shift_right_arithmetic3A_34, %and3A_57, %broadcast_in_dim3A], %add3A_440 : memref<8x8x133xf32, #tpu.memory_space<vmem>>[vector<16xi32>, vector<16xi32>, vector<16xi32>], vector<16xf32>,
        %scan3A_446 = arith.constant 1 : i32
        %scan3A_447 = arith.addi %scan3A_386, %scan3A_446 : i32
        %mul3A_448 = arith.constant 1 : i32
        %mul3A_449 = arith.muli %scan3A_447, %mul3A_448 : i32
        %add3A_450 = arith.constant 0 : i32
        %add3A_451 = arith.addi %add3A_450, %mul3A_449 : i32
        %broadcast_in_dim3A_452 = vector.broadcast %add3A_451 : i32 to vector<16xi32>
        %add3A_453 = arith.constant 0 : i32
        %add3A_454 = arith.addi %add3A_453, %add3A_451 : i32
        %get3A_455 = arith.index_cast %add3A_454 : i32 to index
        %get3A_456 = arith.constant 0 : index
        %get3A_457 = tpu.vector_load %arg7[%get3A_455, %get3A_456] {strides = array<i32>} : memref<256x64xf32, #tpu.memory_space<vmem>>, vector<16xf32>,
        %mul3A_458 = arith.constant 8.000000e+00 : f32
        %mul3A_459 = vector.broadcast %mul3A_458 : f32 to vector<16xf32>
        %mul3A_460 = arith.mulf %get3A_457, %mul3A_459 : vector<16xf32>
        %add3A_461 = arith.addf %mul3A_460, %get3A_182 : vector<16xf32>
        %scatter3A_462 = arith.constant 0 : i32
        %scatter3A_463 = arith.constant 0 : i32
        %scatter3A_464 = arith.constant 0 : i32
        %scatter3A_465 = tpu.memref_slice %arg9[%scan3A_192, %scatter3A_462, %scatter3A_463, %scatter3A_464] : memref<2x8x8x133xf32, #tpu.memory_space<vmem>> -> memref<1x8x8x133xf32, #tpu.memory_space<vmem>>
        %scatter3A_466 = tpu.memref_squeeze %scatter3A_465 : memref<1x8x8x133xf32, #tpu.memory_space<vmem>> -> memref<8x8x133xf32, #tpu.memory_space<vmem>>
        tpu.vector_store_idx %scatter3A_466[%shift_right_arithmetic3A_16, %and3A_39, %broadcast_in_dim3A_452], %add3A_461 : memref<8x8x133xf32, #tpu.memory_space<vmem>>[vector<16xi32>, vector<16xi32>, vector<16xi32>], vector<16xf32>,
        %add3A_467 = arith.constant 0 : i32
        %add3A_468 = arith.addi %add3A_467, %add3A_451 : i32
        %get3A_469 = arith.index_cast %add3A_468 : i32 to index
        %get3A_470 = arith.constant 16 : index
        %get3A_471 = tpu.vector_load %arg7[%get3A_469, %get3A_470] {strides = array<i32>} : memref<256x64xf32, #tpu.memory_space<vmem>>, vector<16xf32>,
        %mul3A_472 = arith.constant 8.000000e+00 : f32
        %mul3A_473 = vector.broadcast %mul3A_472 : f32 to vector<16xf32>
        %mul3A_474 = arith.mulf %get3A_471, %mul3A_473 : vector<16xf32>
        %add3A_475 = arith.addf %mul3A_474, %get3A_185 : vector<16xf32>
        %scatter3A_476 = arith.constant 0 : i32
        %scatter3A_477 = arith.constant 0 : i32
        %scatter3A_478 = arith.constant 0 : i32
        %scatter3A_479 = tpu.memref_slice %arg9[%scan3A_192, %scatter3A_476, %scatter3A_477, %scatter3A_478] : memref<2x8x8x133xf32, #tpu.memory_space<vmem>> -> memref<1x8x8x133xf32, #tpu.memory_space<vmem>>
        %scatter3A_480 = tpu.memref_squeeze %scatter3A_479 : memref<1x8x8x133xf32, #tpu.memory_space<vmem>> -> memref<8x8x133xf32, #tpu.memory_space<vmem>>
        tpu.vector_store_idx %scatter3A_480[%shift_right_arithmetic3A_22, %and3A_45, %broadcast_in_dim3A_452], %add3A_475 : memref<8x8x133xf32, #tpu.memory_space<vmem>>[vector<16xi32>, vector<16xi32>, vector<16xi32>], vector<16xf32>,
        %add3A_481 = arith.constant 0 : i32
        %add3A_482 = arith.addi %add3A_481, %add3A_451 : i32
        %get3A_483 = arith.index_cast %add3A_482 : i32 to index
        %get3A_484 = arith.constant 32 : index
        %get3A_485 = tpu.vector_load %arg7[%get3A_483, %get3A_484] {strides = array<i32>} : memref<256x64xf32, #tpu.memory_space<vmem>>, vector<16xf32>,
        %mul3A_486 = arith.constant 8.000000e+00 : f32
        %mul3A_487 = vector.broadcast %mul3A_486 : f32 to vector<16xf32>
        %mul3A_488 = arith.mulf %get3A_485, %mul3A_487 : vector<16xf32>
        %add3A_489 = arith.addf %mul3A_488, %get3A_188 : vector<16xf32>
        %scatter3A_490 = arith.constant 0 : i32
        %scatter3A_491 = arith.constant 0 : i32
        %scatter3A_492 = arith.constant 0 : i32
        %scatter3A_493 = tpu.memref_slice %arg9[%scan3A_192, %scatter3A_490, %scatter3A_491, %scatter3A_492] : memref<2x8x8x133xf32, #tpu.memory_space<vmem>> -> memref<1x8x8x133xf32, #tpu.memory_space<vmem>>
        %scatter3A_494 = tpu.memref_squeeze %scatter3A_493 : memref<1x8x8x133xf32, #tpu.memory_space<vmem>> -> memref<8x8x133xf32, #tpu.memory_space<vmem>>
        tpu.vector_store_idx %scatter3A_494[%shift_right_arithmetic3A_28, %and3A_51, %broadcast_in_dim3A_452], %add3A_489 : memref<8x8x133xf32, #tpu.memory_space<vmem>>[vector<16xi32>, vector<16xi32>, vector<16xi32>], vector<16xf32>,
        %add3A_495 = arith.constant 0 : i32
        %add3A_496 = arith.addi %add3A_495, %add3A_451 : i32
        %get3A_497 = arith.index_cast %add3A_496 : i32 to index
        %get3A_498 = arith.constant 48 : index
        %get3A_499 = tpu.vector_load %arg7[%get3A_497, %get3A_498] {strides = array<i32>} : memref<256x64xf32, #tpu.memory_space<vmem>>, vector<16xf32>,
        %mul3A_500 = arith.constant 8.000000e+00 : f32
        %mul3A_501 = vector.broadcast %mul3A_500 : f32 to vector<16xf32>
        %mul3A_502 = arith.mulf %get3A_499, %mul3A_501 : vector<16xf32>
        %add3A_503 = arith.addf %mul3A_502, %get3A_191 : vector<16xf32>
        %scatter3A_504 = arith.constant 0 : i32
        %scatter3A_505 = arith.constant 0 : i32
        %scatter3A_506 = arith.constant 0 : i32
        %scatter3A_507 = tpu.memref_slice %arg9[%scan3A_192, %scatter3A_504, %scatter3A_505, %scatter3A_506] : memref<2x8x8x133xf32, #tpu.memory_space<vmem>> -> memref<1x8x8x133xf32, #tpu.memory_space<vmem>>
        %scatter3A_508 = tpu.memref_squeeze %scatter3A_507 : memref<1x8x8x133xf32, #tpu.memory_space<vmem>> -> memref<8x8x133xf32, #tpu.memory_space<vmem>>
        tpu.vector_store_idx %scatter3A_508[%shift_right_arithmetic3A_34, %and3A_57, %broadcast_in_dim3A_452], %add3A_503 : memref<8x8x133xf32, #tpu.memory_space<vmem>>[vector<16xi32>, vector<16xi32>, vector<16xi32>], vector<16xf32>,
        %scan3A_509 = arith.constant 2 : i32
        %scan3A_510 = arith.addi %scan3A_386, %scan3A_509 : i32
        %mul3A_511 = arith.constant 1 : i32
        %mul3A_512 = arith.muli %scan3A_510, %mul3A_511 : i32
        %add3A_513 = arith.constant 0 : i32
        %add3A_514 = arith.addi %add3A_513, %mul3A_512 : i32
        %broadcast_in_dim3A_515 = vector.broadcast %add3A_514 : i32 to vector<16xi32>
        %add3A_516 = arith.constant 0 : i32
        %add3A_517 = arith.addi %add3A_516, %add3A_514 : i32
        %get3A_518 = arith.index_cast %add3A_517 : i32 to index
        %get3A_519 = arith.constant 0 : index
        %get3A_520 = tpu.vector_load %arg7[%get3A_518, %get3A_519] {strides = array<i32>} : memref<256x64xf32, #tpu.memory_space<vmem>>, vector<16xf32>,
        %mul3A_521 = arith.constant 8.000000e+00 : f32
        %mul3A_522 = vector.broadcast %mul3A_521 : f32 to vector<16xf32>
        %mul3A_523 = arith.mulf %get3A_520, %mul3A_522 : vector<16xf32>
        %add3A_524 = arith.addf %mul3A_523, %get3A_182 : vector<16xf32>
        %scatter3A_525 = arith.constant 0 : i32
        %scatter3A_526 = arith.constant 0 : i32
        %scatter3A_527 = arith.constant 0 : i32
        %scatter3A_528 = tpu.memref_slice %arg9[%scan3A_192, %scatter3A_525, %scatter3A_526, %scatter3A_527] : memref<2x8x8x133xf32, #tpu.memory_space<vmem>> -> memref<1x8x8x133xf32, #tpu.memory_space<vmem>>
        %scatter3A_529 = tpu.memref_squeeze %scatter3A_528 : memref<1x8x8x133xf32, #tpu.memory_space<vmem>> -> memref<8x8x133xf32, #tpu.memory_space<vmem>>
        tpu.vector_store_idx %scatter3A_529[%shift_right_arithmetic3A_16, %and3A_39, %broadcast_in_dim3A_515], %add3A_524 : memref<8x8x133xf32, #tpu.memory_space<vmem>>[vector<16xi32>, vector<16xi32>, vector<16xi32>], vector<16xf32>,
        %add3A_530 = arith.constant 0 : i32
        %add3A_531 = arith.addi %add3A_530, %add3A_514 : i32
        %get3A_532 = arith.index_cast %add3A_531 : i32 to index
        %get3A_533 = arith.constant 16 : index
        %get3A_534 = tpu.vector_load %arg7[%get3A_532, %get3A_533] {strides = array<i32>} : memref<256x64xf32, #tpu.memory_space<vmem>>, vector<16xf32>,
        %mul3A_535 = arith.constant 8.000000e+00 : f32
        %mul3A_536 = vector.broadcast %mul3A_535 : f32 to vector<16xf32>
        %mul3A_537 = arith.mulf %get3A_534, %mul3A_536 : vector<16xf32>
        %add3A_538 = arith.addf %mul3A_537, %get3A_185 : vector<16xf32>
        %scatter3A_539 = arith.constant 0 : i32
        %scatter3A_540 = arith.constant 0 : i32
        %scatter3A_541 = arith.constant 0 : i32
        %scatter3A_542 = tpu.memref_slice %arg9[%scan3A_192, %scatter3A_539, %scatter3A_540, %scatter3A_541] : memref<2x8x8x133xf32, #tpu.memory_space<vmem>> -> memref<1x8x8x133xf32, #tpu.memory_space<vmem>>
        %scatter3A_543 = tpu.memref_squeeze %scatter3A_542 : memref<1x8x8x133xf32, #tpu.memory_space<vmem>> -> memref<8x8x133xf32, #tpu.memory_space<vmem>>
        tpu.vector_store_idx %scatter3A_543[%shift_right_arithmetic3A_22, %and3A_45, %broadcast_in_dim3A_515], %add3A_538 : memref<8x8x133xf32, #tpu.memory_space<vmem>>[vector<16xi32>, vector<16xi32>, vector<16xi32>], vector<16xf32>,
        %add3A_544 = arith.constant 0 : i32
        %add3A_545 = arith.addi %add3A_544, %add3A_514 : i32
        %get3A_546 = arith.index_cast %add3A_545 : i32 to index
        %get3A_547 = arith.constant 32 : index
        %get3A_548 = tpu.vector_load %arg7[%get3A_546, %get3A_547] {strides = array<i32>} : memref<256x64xf32, #tpu.memory_space<vmem>>, vector<16xf32>,
        %mul3A_549 = arith.constant 8.000000e+00 : f32
        %mul3A_550 = vector.broadcast %mul3A_549 : f32 to vector<16xf32>
        %mul3A_551 = arith.mulf %get3A_548, %mul3A_550 : vector<16xf32>
        %add3A_552 = arith.addf %mul3A_551, %get3A_188 : vector<16xf32>
        %scatter3A_553 = arith.constant 0 : i32
        %scatter3A_554 = arith.constant 0 : i32
        %scatter3A_555 = arith.constant 0 : i32
        %scatter3A_556 = tpu.memref_slice %arg9[%scan3A_192, %scatter3A_553, %scatter3A_554, %scatter3A_555] : memref<2x8x8x133xf32, #tpu.memory_space<vmem>> -> memref<1x8x8x133xf32, #tpu.memory_space<vmem>>
        %scatter3A_557 = tpu.memref_squeeze %scatter3A_556 : memref<1x8x8x133xf32, #tpu.memory_space<vmem>> -> memref<8x8x133xf32, #tpu.memory_space<vmem>>
        tpu.vector_store_idx %scatter3A_557[%shift_right_arithmetic3A_28, %and3A_51, %broadcast_in_dim3A_515], %add3A_552 : memref<8x8x133xf32, #tpu.memory_space<vmem>>[vector<16xi32>, vector<16xi32>, vector<16xi32>], vector<16xf32>,
        %add3A_558 = arith.constant 0 : i32
        %add3A_559 = arith.addi %add3A_558, %add3A_514 : i32
        %get3A_560 = arith.index_cast %add3A_559 : i32 to index
        %get3A_561 = arith.constant 48 : index
        %get3A_562 = tpu.vector_load %arg7[%get3A_560, %get3A_561] {strides = array<i32>} : memref<256x64xf32, #tpu.memory_space<vmem>>, vector<16xf32>,
        %mul3A_563 = arith.constant 8.000000e+00 : f32
        %mul3A_564 = vector.broadcast %mul3A_563 : f32 to vector<16xf32>
        %mul3A_565 = arith.mulf %get3A_562, %mul3A_564 : vector<16xf32>
        %add3A_566 = arith.addf %mul3A_565, %get3A_191 : vector<16xf32>
        %scatter3A_567 = arith.constant 0 : i32
        %scatter3A_568 = arith.constant 0 : i32
        %scatter3A_569 = arith.constant 0 : i32
        %scatter3A_570 = tpu.memref_slice %arg9[%scan3A_192, %scatter3A_567, %scatter3A_568, %scatter3A_569] : memref<2x8x8x133xf32, #tpu.memory_space<vmem>> -> memref<1x8x8x133xf32, #tpu.memory_space<vmem>>
        %scatter3A_571 = tpu.memref_squeeze %scatter3A_570 : memref<1x8x8x133xf32, #tpu.memory_space<vmem>> -> memref<8x8x133xf32, #tpu.memory_space<vmem>>
        tpu.vector_store_idx %scatter3A_571[%shift_right_arithmetic3A_34, %and3A_57, %broadcast_in_dim3A_515], %add3A_566 : memref<8x8x133xf32, #tpu.memory_space<vmem>>[vector<16xi32>, vector<16xi32>, vector<16xi32>], vector<16xf32>,
        %scan3A_572 = arith.constant 3 : i32
        %scan3A_573 = arith.addi %scan3A_386, %scan3A_572 : i32
        %mul3A_574 = arith.constant 1 : i32
        %mul3A_575 = arith.muli %scan3A_573, %mul3A_574 : i32
        %add3A_576 = arith.constant 0 : i32
        %add3A_577 = arith.addi %add3A_576, %mul3A_575 : i32
        %broadcast_in_dim3A_578 = vector.broadcast %add3A_577 : i32 to vector<16xi32>
        %add3A_579 = arith.constant 0 : i32
        %add3A_580 = arith.addi %add3A_579, %add3A_577 : i32
        %get3A_581 = arith.index_cast %add3A_580 : i32 to index
        %get3A_582 = arith.constant 0 : index
        %get3A_583 = tpu.vector_load %arg7[%get3A_581, %get3A_582] {strides = array<i32>} : memref<256x64xf32, #tpu.memory_space<vmem>>, vector<16xf32>,
        %mul3A_584 = arith.constant 8.000000e+00 : f32
        %mul3A_585 = vector.broadcast %mul3A_584 : f32 to vector<16xf32>
        %mul3A_586 = arith.mulf %get3A_583, %mul3A_585 : vector<16xf32>
        %add3A_587 = arith.addf %mul3A_586, %get3A_182 : vector<16xf32>
        %scatter3A_588 = arith.constant 0 : i32
        %scatter3A_589 = arith.constant 0 : i32
        %scatter3A_590 = arith.constant 0 : i32
        %scatter3A_591 = tpu.memref_slice %arg9[%scan3A_192, %scatter3A_588, %scatter3A_589, %scatter3A_590] : memref<2x8x8x133xf32, #tpu.memory_space<vmem>> -> memref<1x8x8x133xf32, #tpu.memory_space<vmem>>
        %scatter3A_592 = tpu.memref_squeeze %scatter3A_591 : memref<1x8x8x133xf32, #tpu.memory_space<vmem>> -> memref<8x8x133xf32, #tpu.memory_space<vmem>>
        tpu.vector_store_idx %scatter3A_592[%shift_right_arithmetic3A_16, %and3A_39, %broadcast_in_dim3A_578], %add3A_587 : memref<8x8x133xf32, #tpu.memory_space<vmem>>[vector<16xi32>, vector<16xi32>, vector<16xi32>], vector<16xf32>,
        %add3A_593 = arith.constant 0 : i32
        %add3A_594 = arith.addi %add3A_593, %add3A_577 : i32
        %get3A_595 = arith.index_cast %add3A_594 : i32 to index
        %get3A_596 = arith.constant 16 : index
        %get3A_597 = tpu.vector_load %arg7[%get3A_595, %get3A_596] {strides = array<i32>} : memref<256x64xf32, #tpu.memory_space<vmem>>, vector<16xf32>,
        %mul3A_598 = arith.constant 8.000000e+00 : f32
        %mul3A_599 = vector.broadcast %mul3A_598 : f32 to vector<16xf32>
        %mul3A_600 = arith.mulf %get3A_597, %mul3A_599 : vector<16xf32>
        %add3A_601 = arith.addf %mul3A_600, %get3A_185 : vector<16xf32>
        %scatter3A_602 = arith.constant 0 : i32
        %scatter3A_603 = arith.constant 0 : i32
        %scatter3A_604 = arith.constant 0 : i32
        %scatter3A_605 = tpu.memref_slice %arg9[%scan3A_192, %scatter3A_602, %scatter3A_603, %scatter3A_604] : memref<2x8x8x133xf32, #tpu.memory_space<vmem>> -> memref<1x8x8x133xf32, #tpu.memory_space<vmem>>
        %scatter3A_606 = tpu.memref_squeeze %scatter3A_605 : memref<1x8x8x133xf32, #tpu.memory_space<vmem>> -> memref<8x8x133xf32, #tpu.memory_space<vmem>>
        tpu.vector_store_idx %scatter3A_606[%shift_right_arithmetic3A_22, %and3A_45, %broadcast_in_dim3A_578], %add3A_601 : memref<8x8x133xf32, #tpu.memory_space<vmem>>[vector<16xi32>, vector<16xi32>, vector<16xi32>], vector<16xf32>,
        %add3A_607 = arith.constant 0 : i32
        %add3A_608 = arith.addi %add3A_607, %add3A_577 : i32
        %get3A_609 = arith.index_cast %add3A_608 : i32 to index
        %get3A_610 = arith.constant 32 : index
        %get3A_611 = tpu.vector_load %arg7[%get3A_609, %get3A_610] {strides = array<i32>} : memref<256x64xf32, #tpu.memory_space<vmem>>, vector<16xf32>,
        %mul3A_612 = arith.constant 8.000000e+00 : f32
        %mul3A_613 = vector.broadcast %mul3A_612 : f32 to vector<16xf32>
        %mul3A_614 = arith.mulf %get3A_611, %mul3A_613 : vector<16xf32>
        %add3A_615 = arith.addf %mul3A_614, %get3A_188 : vector<16xf32>
        %scatter3A_616 = arith.constant 0 : i32
        %scatter3A_617 = arith.constant 0 : i32
        %scatter3A_618 = arith.constant 0 : i32
        %scatter3A_619 = tpu.memref_slice %arg9[%scan3A_192, %scatter3A_616, %scatter3A_617, %scatter3A_618] : memref<2x8x8x133xf32, #tpu.memory_space<vmem>> -> memref<1x8x8x133xf32, #tpu.memory_space<vmem>>
        %scatter3A_620 = tpu.memref_squeeze %scatter3A_619 : memref<1x8x8x133xf32, #tpu.memory_space<vmem>> -> memref<8x8x133xf32, #tpu.memory_space<vmem>>
        tpu.vector_store_idx %scatter3A_620[%shift_right_arithmetic3A_28, %and3A_51, %broadcast_in_dim3A_578], %add3A_615 : memref<8x8x133xf32, #tpu.memory_space<vmem>>[vector<16xi32>, vector<16xi32>, vector<16xi32>], vector<16xf32>,
        %add3A_621 = arith.constant 0 : i32
        %add3A_622 = arith.addi %add3A_621, %add3A_577 : i32
        %get3A_623 = arith.index_cast %add3A_622 : i32 to index
        %get3A_624 = arith.constant 48 : index
        %get3A_625 = tpu.vector_load %arg7[%get3A_623, %get3A_624] {strides = array<i32>} : memref<256x64xf32, #tpu.memory_space<vmem>>, vector<16xf32>,
        %mul3A_626 = arith.constant 8.000000e+00 : f32
        %mul3A_627 = vector.broadcast %mul3A_626 : f32 to vector<16xf32>
        %mul3A_628 = arith.mulf %get3A_625, %mul3A_627 : vector<16xf32>
        %add3A_629 = arith.addf %mul3A_628, %get3A_191 : vector<16xf32>
        %scatter3A_630 = arith.constant 0 : i32
        %scatter3A_631 = arith.constant 0 : i32
        %scatter3A_632 = arith.constant 0 : i32
        %scatter3A_633 = tpu.memref_slice %arg9[%scan3A_192, %scatter3A_630, %scatter3A_631, %scatter3A_632] : memref<2x8x8x133xf32, #tpu.memory_space<vmem>> -> memref<1x8x8x133xf32, #tpu.memory_space<vmem>>
        %scatter3A_634 = tpu.memref_squeeze %scatter3A_633 : memref<1x8x8x133xf32, #tpu.memory_space<vmem>> -> memref<8x8x133xf32, #tpu.memory_space<vmem>>
        tpu.vector_store_idx %scatter3A_634[%shift_right_arithmetic3A_34, %and3A_57, %broadcast_in_dim3A_578], %add3A_629 : memref<8x8x133xf32, #tpu.memory_space<vmem>>[vector<16xi32>, vector<16xi32>, vector<16xi32>], vector<16xf32>,
      }
      %scan3A_197 = arith.constant 128 : i32
      %mul3A_198 = arith.constant 2 : i32
      %mul3A_199 = arith.muli %add3A_160, %mul3A_198 : i32
      %add3A_200 = arith.constant 1 : i32
      %add3A_201 = arith.addi %mul3A_199, %add3A_200 : i32
      %get3A_202 = arith.index_cast %add3A_201 : i32 to index
      %get3A_203 = arith.constant 0 : index
      %get3A_204 = tpu.vector_load %arg11[%get3A_202, %get3A_203] {strides = array<i32>} : memref<200x64xf32, #tpu.memory_space<vmem>>, vector<16xf32>,
      %get3A_205 = arith.index_cast %add3A_201 : i32 to index
      %get3A_206 = arith.constant 16 : index
      %get3A_207 = tpu.vector_load %arg11[%get3A_205, %get3A_206] {strides = array<i32>} : memref<200x64xf32, #tpu.memory_space<vmem>>, vector<16xf32>,
      %get3A_208 = arith.index_cast %add3A_201 : i32 to index
      %get3A_209 = arith.constant 32 : index
      %get3A_210 = tpu.vector_load %arg11[%get3A_208, %get3A_209] {strides = array<i32>} : memref<200x64xf32, #tpu.memory_space<vmem>>, vector<16xf32>,
      %get3A_211 = arith.index_cast %add3A_201 : i32 to index
      %get3A_212 = arith.constant 48 : index
      %get3A_213 = tpu.vector_load %arg11[%get3A_211, %get3A_212] {strides = array<i32>} : memref<200x64xf32, #tpu.memory_space<vmem>>, vector<16xf32>,
      %scan3A_214 = arith.constant 1 : i32
      %scan3A_215 = arith.constant 0 : i32
      %scan3A_216 = arith.constant 128 : i32
      %scan3A_217 = arith.addi %scan3A_215, %scan3A_216 : i32
      %scan3A_218 = arith.constant 4 : i32
      scf.for %scan3A_386 = %scan3A_215 to %scan3A_217 step %scan3A_218  : i32 {
        %mul3A_387 = arith.constant 1 : i32
        %mul3A_388 = arith.muli %scan3A_386, %mul3A_387 : i32
        %add3A_389 = arith.constant 0 : i32
        %add3A_390 = arith.addi %add3A_389, %mul3A_388 : i32
        %broadcast_in_dim3A = vector.broadcast %add3A_390 : i32 to vector<16xi32>
        %add3A_391 = arith.constant 128 : i32
        %add3A_392 = arith.addi %add3A_391, %add3A_390 : i32
        %get3A_393 = arith.index_cast %add3A_392 : i32 to index
        %get3A_394 = arith.constant 0 : index
        %get3A_395 = tpu.vector_load %arg7[%get3A_393, %get3A_394] {strides = array<i32>} : memref<256x64xf32, #tpu.memory_space<vmem>>, vector<16xf32>,
        %mul3A_396 = arith.constant 8.000000e+00 : f32
        %mul3A_397 = vector.broadcast %mul3A_396 : f32 to vector<16xf32>
        %mul3A_398 = arith.mulf %get3A_395, %mul3A_397 : vector<16xf32>
        %add3A_399 = arith.addf %mul3A_398, %get3A_204 : vector<16xf32>
        %scatter3A = arith.constant 0 : i32
        %scatter3A_400 = arith.constant 0 : i32
        %scatter3A_401 = arith.constant 0 : i32
        %scatter3A_402 = tpu.memref_slice %arg9[%scan3A_214, %scatter3A, %scatter3A_400, %scatter3A_401] : memref<2x8x8x133xf32, #tpu.memory_space<vmem>> -> memref<1x8x8x133xf32, #tpu.memory_space<vmem>>
        %scatter3A_403 = tpu.memref_squeeze %scatter3A_402 : memref<1x8x8x133xf32, #tpu.memory_space<vmem>> -> memref<8x8x133xf32, #tpu.memory_space<vmem>>
        tpu.vector_store_idx %scatter3A_403[%shift_right_arithmetic3A_16, %and3A_39, %broadcast_in_dim3A], %add3A_399 : memref<8x8x133xf32, #tpu.memory_space<vmem>>[vector<16xi32>, vector<16xi32>, vector<16xi32>], vector<16xf32>,
        %add3A_404 = arith.constant 128 : i32
        %add3A_405 = arith.addi %add3A_404, %add3A_390 : i32
        %get3A_406 = arith.index_cast %add3A_405 : i32 to index
        %get3A_407 = arith.constant 16 : index
        %get3A_408 = tpu.vector_load %arg7[%get3A_406, %get3A_407] {strides = array<i32>} : memref<256x64xf32, #tpu.memory_space<vmem>>, vector<16xf32>,
        %mul3A_409 = arith.constant 8.000000e+00 : f32
        %mul3A_410 = vector.broadcast %mul3A_409 : f32 to vector<16xf32>
        %mul3A_411 = arith.mulf %get3A_408, %mul3A_410 : vector<16xf32>
        %add3A_412 = arith.addf %mul3A_411, %get3A_207 : vector<16xf32>
        %scatter3A_413 = arith.constant 0 : i32
        %scatter3A_414 = arith.constant 0 : i32
        %scatter3A_415 = arith.constant 0 : i32
        %scatter3A_416 = tpu.memref_slice %arg9[%scan3A_214, %scatter3A_413, %scatter3A_414, %scatter3A_415] : memref<2x8x8x133xf32, #tpu.memory_space<vmem>> -> memref<1x8x8x133xf32, #tpu.memory_space<vmem>>
        %scatter3A_417 = tpu.memref_squeeze %scatter3A_416 : memref<1x8x8x133xf32, #tpu.memory_space<vmem>> -> memref<8x8x133xf32, #tpu.memory_space<vmem>>
        tpu.vector_store_idx %scatter3A_417[%shift_right_arithmetic3A_22, %and3A_45, %broadcast_in_dim3A], %add3A_412 : memref<8x8x133xf32, #tpu.memory_space<vmem>>[vector<16xi32>, vector<16xi32>, vector<16xi32>], vector<16xf32>,
        %add3A_418 = arith.constant 128 : i32
        %add3A_419 = arith.addi %add3A_418, %add3A_390 : i32
        %get3A_420 = arith.index_cast %add3A_419 : i32 to index
        %get3A_421 = arith.constant 32 : index
        %get3A_422 = tpu.vector_load %arg7[%get3A_420, %get3A_421] {strides = array<i32>} : memref<256x64xf32, #tpu.memory_space<vmem>>, vector<16xf32>,
        %mul3A_423 = arith.constant 8.000000e+00 : f32
        %mul3A_424 = vector.broadcast %mul3A_423 : f32 to vector<16xf32>
        %mul3A_425 = arith.mulf %get3A_422, %mul3A_424 : vector<16xf32>
        %add3A_426 = arith.addf %mul3A_425, %get3A_210 : vector<16xf32>
        %scatter3A_427 = arith.constant 0 : i32
        %scatter3A_428 = arith.constant 0 : i32
        %scatter3A_429 = arith.constant 0 : i32
        %scatter3A_430 = tpu.memref_slice %arg9[%scan3A_214, %scatter3A_427, %scatter3A_428, %scatter3A_429] : memref<2x8x8x133xf32, #tpu.memory_space<vmem>> -> memref<1x8x8x133xf32, #tpu.memory_space<vmem>>
        %scatter3A_431 = tpu.memref_squeeze %scatter3A_430 : memref<1x8x8x133xf32, #tpu.memory_space<vmem>> -> memref<8x8x133xf32, #tpu.memory_space<vmem>>
        tpu.vector_store_idx %scatter3A_431[%shift_right_arithmetic3A_28, %and3A_51, %broadcast_in_dim3A], %add3A_426 : memref<8x8x133xf32, #tpu.memory_space<vmem>>[vector<16xi32>, vector<16xi32>, vector<16xi32>], vector<16xf32>,
        %add3A_432 = arith.constant 128 : i32
        %add3A_433 = arith.addi %add3A_432, %add3A_390 : i32
        %get3A_434 = arith.index_cast %add3A_433 : i32 to index
        %get3A_435 = arith.constant 48 : index
        %get3A_436 = tpu.vector_load %arg7[%get3A_434, %get3A_435] {strides = array<i32>} : memref<256x64xf32, #tpu.memory_space<vmem>>, vector<16xf32>,
        %mul3A_437 = arith.constant 8.000000e+00 : f32
        %mul3A_438 = vector.broadcast %mul3A_437 : f32 to vector<16xf32>
        %mul3A_439 = arith.mulf %get3A_436, %mul3A_438 : vector<16xf32>
        %add3A_440 = arith.addf %mul3A_439, %get3A_213 : vector<16xf32>
        %scatter3A_441 = arith.constant 0 : i32
        %scatter3A_442 = arith.constant 0 : i32
        %scatter3A_443 = arith.constant 0 : i32
        %scatter3A_444 = tpu.memref_slice %arg9[%scan3A_214, %scatter3A_441, %scatter3A_442, %scatter3A_443] : memref<2x8x8x133xf32, #tpu.memory_space<vmem>> -> memref<1x8x8x133xf32, #tpu.memory_space<vmem>>
        %scatter3A_445 = tpu.memref_squeeze %scatter3A_444 : memref<1x8x8x133xf32, #tpu.memory_space<vmem>> -> memref<8x8x133xf32, #tpu.memory_space<vmem>>
        tpu.vector_store_idx %scatter3A_445[%shift_right_arithmetic3A_34, %and3A_57, %broadcast_in_dim3A], %add3A_440 : memref<8x8x133xf32, #tpu.memory_space<vmem>>[vector<16xi32>, vector<16xi32>, vector<16xi32>], vector<16xf32>,
        %scan3A_446 = arith.constant 1 : i32
        %scan3A_447 = arith.addi %scan3A_386, %scan3A_446 : i32
        %mul3A_448 = arith.constant 1 : i32
        %mul3A_449 = arith.muli %scan3A_447, %mul3A_448 : i32
        %add3A_450 = arith.constant 0 : i32
        %add3A_451 = arith.addi %add3A_450, %mul3A_449 : i32
        %broadcast_in_dim3A_452 = vector.broadcast %add3A_451 : i32 to vector<16xi32>
        %add3A_453 = arith.constant 128 : i32
        %add3A_454 = arith.addi %add3A_453, %add3A_451 : i32
        %get3A_455 = arith.index_cast %add3A_454 : i32 to index
        %get3A_456 = arith.constant 0 : index
        %get3A_457 = tpu.vector_load %arg7[%get3A_455, %get3A_456] {strides = array<i32>} : memref<256x64xf32, #tpu.memory_space<vmem>>, vector<16xf32>,
        %mul3A_458 = arith.constant 8.000000e+00 : f32
        %mul3A_459 = vector.broadcast %mul3A_458 : f32 to vector<16xf32>
        %mul3A_460 = arith.mulf %get3A_457, %mul3A_459 : vector<16xf32>
        %add3A_461 = arith.addf %mul3A_460, %get3A_204 : vector<16xf32>
        %scatter3A_462 = arith.constant 0 : i32
        %scatter3A_463 = arith.constant 0 : i32
        %scatter3A_464 = arith.constant 0 : i32
        %scatter3A_465 = tpu.memref_slice %arg9[%scan3A_214, %scatter3A_462, %scatter3A_463, %scatter3A_464] : memref<2x8x8x133xf32, #tpu.memory_space<vmem>> -> memref<1x8x8x133xf32, #tpu.memory_space<vmem>>
        %scatter3A_466 = tpu.memref_squeeze %scatter3A_465 : memref<1x8x8x133xf32, #tpu.memory_space<vmem>> -> memref<8x8x133xf32, #tpu.memory_space<vmem>>
        tpu.vector_store_idx %scatter3A_466[%shift_right_arithmetic3A_16, %and3A_39, %broadcast_in_dim3A_452], %add3A_461 : memref<8x8x133xf32, #tpu.memory_space<vmem>>[vector<16xi32>, vector<16xi32>, vector<16xi32>], vector<16xf32>,
        %add3A_467 = arith.constant 128 : i32
        %add3A_468 = arith.addi %add3A_467, %add3A_451 : i32
        %get3A_469 = arith.index_cast %add3A_468 : i32 to index
        %get3A_470 = arith.constant 16 : index
        %get3A_471 = tpu.vector_load %arg7[%get3A_469, %get3A_470] {strides = array<i32>} : memref<256x64xf32, #tpu.memory_space<vmem>>, vector<16xf32>,
        %mul3A_472 = arith.constant 8.000000e+00 : f32
        %mul3A_473 = vector.broadcast %mul3A_472 : f32 to vector<16xf32>
        %mul3A_474 = arith.mulf %get3A_471, %mul3A_473 : vector<16xf32>
        %add3A_475 = arith.addf %mul3A_474, %get3A_207 : vector<16xf32>
        %scatter3A_476 = arith.constant 0 : i32
        %scatter3A_477 = arith.constant 0 : i32
        %scatter3A_478 = arith.constant 0 : i32
        %scatter3A_479 = tpu.memref_slice %arg9[%scan3A_214, %scatter3A_476, %scatter3A_477, %scatter3A_478] : memref<2x8x8x133xf32, #tpu.memory_space<vmem>> -> memref<1x8x8x133xf32, #tpu.memory_space<vmem>>
        %scatter3A_480 = tpu.memref_squeeze %scatter3A_479 : memref<1x8x8x133xf32, #tpu.memory_space<vmem>> -> memref<8x8x133xf32, #tpu.memory_space<vmem>>
        tpu.vector_store_idx %scatter3A_480[%shift_right_arithmetic3A_22, %and3A_45, %broadcast_in_dim3A_452], %add3A_475 : memref<8x8x133xf32, #tpu.memory_space<vmem>>[vector<16xi32>, vector<16xi32>, vector<16xi32>], vector<16xf32>,
        %add3A_481 = arith.constant 128 : i32
        %add3A_482 = arith.addi %add3A_481, %add3A_451 : i32
        %get3A_483 = arith.index_cast %add3A_482 : i32 to index
        %get3A_484 = arith.constant 32 : index
        %get3A_485 = tpu.vector_load %arg7[%get3A_483, %get3A_484] {strides = array<i32>} : memref<256x64xf32, #tpu.memory_space<vmem>>, vector<16xf32>,
        %mul3A_486 = arith.constant 8.000000e+00 : f32
        %mul3A_487 = vector.broadcast %mul3A_486 : f32 to vector<16xf32>
        %mul3A_488 = arith.mulf %get3A_485, %mul3A_487 : vector<16xf32>
        %add3A_489 = arith.addf %mul3A_488, %get3A_210 : vector<16xf32>
        %scatter3A_490 = arith.constant 0 : i32
        %scatter3A_491 = arith.constant 0 : i32
        %scatter3A_492 = arith.constant 0 : i32
        %scatter3A_493 = tpu.memref_slice %arg9[%scan3A_214, %scatter3A_490, %scatter3A_491, %scatter3A_492] : memref<2x8x8x133xf32, #tpu.memory_space<vmem>> -> memref<1x8x8x133xf32, #tpu.memory_space<vmem>>
        %scatter3A_494 = tpu.memref_squeeze %scatter3A_493 : memref<1x8x8x133xf32, #tpu.memory_space<vmem>> -> memref<8x8x133xf32, #tpu.memory_space<vmem>>
        tpu.vector_store_idx %scatter3A_494[%shift_right_arithmetic3A_28, %and3A_51, %broadcast_in_dim3A_452], %add3A_489 : memref<8x8x133xf32, #tpu.memory_space<vmem>>[vector<16xi32>, vector<16xi32>, vector<16xi32>], vector<16xf32>,
        %add3A_495 = arith.constant 128 : i32
        %add3A_496 = arith.addi %add3A_495, %add3A_451 : i32
        %get3A_497 = arith.index_cast %add3A_496 : i32 to index
        %get3A_498 = arith.constant 48 : index
        %get3A_499 = tpu.vector_load %arg7[%get3A_497, %get3A_498] {strides = array<i32>} : memref<256x64xf32, #tpu.memory_space<vmem>>, vector<16xf32>,
        %mul3A_500 = arith.constant 8.000000e+00 : f32
        %mul3A_501 = vector.broadcast %mul3A_500 : f32 to vector<16xf32>
        %mul3A_502 = arith.mulf %get3A_499, %mul3A_501 : vector<16xf32>
        %add3A_503 = arith.addf %mul3A_502, %get3A_213 : vector<16xf32>
        %scatter3A_504 = arith.constant 0 : i32
        %scatter3A_505 = arith.constant 0 : i32
        %scatter3A_506 = arith.constant 0 : i32
        %scatter3A_507 = tpu.memref_slice %arg9[%scan3A_214, %scatter3A_504, %scatter3A_505, %scatter3A_506] : memref<2x8x8x133xf32, #tpu.memory_space<vmem>> -> memref<1x8x8x133xf32, #tpu.memory_space<vmem>>
        %scatter3A_508 = tpu.memref_squeeze %scatter3A_507 : memref<1x8x8x133xf32, #tpu.memory_space<vmem>> -> memref<8x8x133xf32, #tpu.memory_space<vmem>>
        tpu.vector_store_idx %scatter3A_508[%shift_right_arithmetic3A_34, %and3A_57, %broadcast_in_dim3A_452], %add3A_503 : memref<8x8x133xf32, #tpu.memory_space<vmem>>[vector<16xi32>, vector<16xi32>, vector<16xi32>], vector<16xf32>,
        %scan3A_509 = arith.constant 2 : i32
        %scan3A_510 = arith.addi %scan3A_386, %scan3A_509 : i32
        %mul3A_511 = arith.constant 1 : i32
        %mul3A_512 = arith.muli %scan3A_510, %mul3A_511 : i32
        %add3A_513 = arith.constant 0 : i32
        %add3A_514 = arith.addi %add3A_513, %mul3A_512 : i32
        %broadcast_in_dim3A_515 = vector.broadcast %add3A_514 : i32 to vector<16xi32>
        %add3A_516 = arith.constant 128 : i32
        %add3A_517 = arith.addi %add3A_516, %add3A_514 : i32
        %get3A_518 = arith.index_cast %add3A_517 : i32 to index
        %get3A_519 = arith.constant 0 : index
        %get3A_520 = tpu.vector_load %arg7[%get3A_518, %get3A_519] {strides = array<i32>} : memref<256x64xf32, #tpu.memory_space<vmem>>, vector<16xf32>,
        %mul3A_521 = arith.constant 8.000000e+00 : f32
        %mul3A_522 = vector.broadcast %mul3A_521 : f32 to vector<16xf32>
        %mul3A_523 = arith.mulf %get3A_520, %mul3A_522 : vector<16xf32>
        %add3A_524 = arith.addf %mul3A_523, %get3A_204 : vector<16xf32>
        %scatter3A_525 = arith.constant 0 : i32
        %scatter3A_526 = arith.constant 0 : i32
        %scatter3A_527 = arith.constant 0 : i32
        %scatter3A_528 = tpu.memref_slice %arg9[%scan3A_214, %scatter3A_525, %scatter3A_526, %scatter3A_527] : memref<2x8x8x133xf32, #tpu.memory_space<vmem>> -> memref<1x8x8x133xf32, #tpu.memory_space<vmem>>
        %scatter3A_529 = tpu.memref_squeeze %scatter3A_528 : memref<1x8x8x133xf32, #tpu.memory_space<vmem>> -> memref<8x8x133xf32, #tpu.memory_space<vmem>>
        tpu.vector_store_idx %scatter3A_529[%shift_right_arithmetic3A_16, %and3A_39, %broadcast_in_dim3A_515], %add3A_524 : memref<8x8x133xf32, #tpu.memory_space<vmem>>[vector<16xi32>, vector<16xi32>, vector<16xi32>], vector<16xf32>,
        %add3A_530 = arith.constant 128 : i32
        %add3A_531 = arith.addi %add3A_530, %add3A_514 : i32
        %get3A_532 = arith.index_cast %add3A_531 : i32 to index
        %get3A_533 = arith.constant 16 : index
        %get3A_534 = tpu.vector_load %arg7[%get3A_532, %get3A_533] {strides = array<i32>} : memref<256x64xf32, #tpu.memory_space<vmem>>, vector<16xf32>,
        %mul3A_535 = arith.constant 8.000000e+00 : f32
        %mul3A_536 = vector.broadcast %mul3A_535 : f32 to vector<16xf32>
        %mul3A_537 = arith.mulf %get3A_534, %mul3A_536 : vector<16xf32>
        %add3A_538 = arith.addf %mul3A_537, %get3A_207 : vector<16xf32>
        %scatter3A_539 = arith.constant 0 : i32
        %scatter3A_540 = arith.constant 0 : i32
        %scatter3A_541 = arith.constant 0 : i32
        %scatter3A_542 = tpu.memref_slice %arg9[%scan3A_214, %scatter3A_539, %scatter3A_540, %scatter3A_541] : memref<2x8x8x133xf32, #tpu.memory_space<vmem>> -> memref<1x8x8x133xf32, #tpu.memory_space<vmem>>
        %scatter3A_543 = tpu.memref_squeeze %scatter3A_542 : memref<1x8x8x133xf32, #tpu.memory_space<vmem>> -> memref<8x8x133xf32, #tpu.memory_space<vmem>>
        tpu.vector_store_idx %scatter3A_543[%shift_right_arithmetic3A_22, %and3A_45, %broadcast_in_dim3A_515], %add3A_538 : memref<8x8x133xf32, #tpu.memory_space<vmem>>[vector<16xi32>, vector<16xi32>, vector<16xi32>], vector<16xf32>,
        %add3A_544 = arith.constant 128 : i32
        %add3A_545 = arith.addi %add3A_544, %add3A_514 : i32
        %get3A_546 = arith.index_cast %add3A_545 : i32 to index
        %get3A_547 = arith.constant 32 : index
        %get3A_548 = tpu.vector_load %arg7[%get3A_546, %get3A_547] {strides = array<i32>} : memref<256x64xf32, #tpu.memory_space<vmem>>, vector<16xf32>,
        %mul3A_549 = arith.constant 8.000000e+00 : f32
        %mul3A_550 = vector.broadcast %mul3A_549 : f32 to vector<16xf32>
        %mul3A_551 = arith.mulf %get3A_548, %mul3A_550 : vector<16xf32>
        %add3A_552 = arith.addf %mul3A_551, %get3A_210 : vector<16xf32>
        %scatter3A_553 = arith.constant 0 : i32
        %scatter3A_554 = arith.constant 0 : i32
        %scatter3A_555 = arith.constant 0 : i32
        %scatter3A_556 = tpu.memref_slice %arg9[%scan3A_214, %scatter3A_553, %scatter3A_554, %scatter3A_555] : memref<2x8x8x133xf32, #tpu.memory_space<vmem>> -> memref<1x8x8x133xf32, #tpu.memory_space<vmem>>
        %scatter3A_557 = tpu.memref_squeeze %scatter3A_556 : memref<1x8x8x133xf32, #tpu.memory_space<vmem>> -> memref<8x8x133xf32, #tpu.memory_space<vmem>>
        tpu.vector_store_idx %scatter3A_557[%shift_right_arithmetic3A_28, %and3A_51, %broadcast_in_dim3A_515], %add3A_552 : memref<8x8x133xf32, #tpu.memory_space<vmem>>[vector<16xi32>, vector<16xi32>, vector<16xi32>], vector<16xf32>,
        %add3A_558 = arith.constant 128 : i32
        %add3A_559 = arith.addi %add3A_558, %add3A_514 : i32
        %get3A_560 = arith.index_cast %add3A_559 : i32 to index
        %get3A_561 = arith.constant 48 : index
        %get3A_562 = tpu.vector_load %arg7[%get3A_560, %get3A_561] {strides = array<i32>} : memref<256x64xf32, #tpu.memory_space<vmem>>, vector<16xf32>,
        %mul3A_563 = arith.constant 8.000000e+00 : f32
        %mul3A_564 = vector.broadcast %mul3A_563 : f32 to vector<16xf32>
        %mul3A_565 = arith.mulf %get3A_562, %mul3A_564 : vector<16xf32>
        %add3A_566 = arith.addf %mul3A_565, %get3A_213 : vector<16xf32>
        %scatter3A_567 = arith.constant 0 : i32
        %scatter3A_568 = arith.constant 0 : i32
        %scatter3A_569 = arith.constant 0 : i32
        %scatter3A_570 = tpu.memref_slice %arg9[%scan3A_214, %scatter3A_567, %scatter3A_568, %scatter3A_569] : memref<2x8x8x133xf32, #tpu.memory_space<vmem>> -> memref<1x8x8x133xf32, #tpu.memory_space<vmem>>
        %scatter3A_571 = tpu.memref_squeeze %scatter3A_570 : memref<1x8x8x133xf32, #tpu.memory_space<vmem>> -> memref<8x8x133xf32, #tpu.memory_space<vmem>>
        tpu.vector_store_idx %scatter3A_571[%shift_right_arithmetic3A_34, %and3A_57, %broadcast_in_dim3A_515], %add3A_566 : memref<8x8x133xf32, #tpu.memory_space<vmem>>[vector<16xi32>, vector<16xi32>, vector<16xi32>], vector<16xf32>,
        %scan3A_572 = arith.constant 3 : i32
        %scan3A_573 = arith.addi %scan3A_386, %scan3A_572 : i32
        %mul3A_574 = arith.constant 1 : i32
        %mul3A_575 = arith.muli %scan3A_573, %mul3A_574 : i32
        %add3A_576 = arith.constant 0 : i32
        %add3A_577 = arith.addi %add3A_576, %mul3A_575 : i32
        %broadcast_in_dim3A_578 = vector.broadcast %add3A_577 : i32 to vector<16xi32>
        %add3A_579 = arith.constant 128 : i32
        %add3A_580 = arith.addi %add3A_579, %add3A_577 : i32
        %get3A_581 = arith.index_cast %add3A_580 : i32 to index
        %get3A_582 = arith.constant 0 : index
        %get3A_583 = tpu.vector_load %arg7[%get3A_581, %get3A_582] {strides = array<i32>} : memref<256x64xf32, #tpu.memory_space<vmem>>, vector<16xf32>,
        %mul3A_584 = arith.constant 8.000000e+00 : f32
        %mul3A_585 = vector.broadcast %mul3A_584 : f32 to vector<16xf32>
        %mul3A_586 = arith.mulf %get3A_583, %mul3A_585 : vector<16xf32>
        %add3A_587 = arith.addf %mul3A_586, %get3A_204 : vector<16xf32>
        %scatter3A_588 = arith.constant 0 : i32
        %scatter3A_589 = arith.constant 0 : i32
        %scatter3A_590 = arith.constant 0 : i32
        %scatter3A_591 = tpu.memref_slice %arg9[%scan3A_214, %scatter3A_588, %scatter3A_589, %scatter3A_590] : memref<2x8x8x133xf32, #tpu.memory_space<vmem>> -> memref<1x8x8x133xf32, #tpu.memory_space<vmem>>
        %scatter3A_592 = tpu.memref_squeeze %scatter3A_591 : memref<1x8x8x133xf32, #tpu.memory_space<vmem>> -> memref<8x8x133xf32, #tpu.memory_space<vmem>>
        tpu.vector_store_idx %scatter3A_592[%shift_right_arithmetic3A_16, %and3A_39, %broadcast_in_dim3A_578], %add3A_587 : memref<8x8x133xf32, #tpu.memory_space<vmem>>[vector<16xi32>, vector<16xi32>, vector<16xi32>], vector<16xf32>,
        %add3A_593 = arith.constant 128 : i32
        %add3A_594 = arith.addi %add3A_593, %add3A_577 : i32
        %get3A_595 = arith.index_cast %add3A_594 : i32 to index
        %get3A_596 = arith.constant 16 : index
        %get3A_597 = tpu.vector_load %arg7[%get3A_595, %get3A_596] {strides = array<i32>} : memref<256x64xf32, #tpu.memory_space<vmem>>, vector<16xf32>,
        %mul3A_598 = arith.constant 8.000000e+00 : f32
        %mul3A_599 = vector.broadcast %mul3A_598 : f32 to vector<16xf32>
        %mul3A_600 = arith.mulf %get3A_597, %mul3A_599 : vector<16xf32>
        %add3A_601 = arith.addf %mul3A_600, %get3A_207 : vector<16xf32>
        %scatter3A_602 = arith.constant 0 : i32
        %scatter3A_603 = arith.constant 0 : i32
        %scatter3A_604 = arith.constant 0 : i32
        %scatter3A_605 = tpu.memref_slice %arg9[%scan3A_214, %scatter3A_602, %scatter3A_603, %scatter3A_604] : memref<2x8x8x133xf32, #tpu.memory_space<vmem>> -> memref<1x8x8x133xf32, #tpu.memory_space<vmem>>
        %scatter3A_606 = tpu.memref_squeeze %scatter3A_605 : memref<1x8x8x133xf32, #tpu.memory_space<vmem>> -> memref<8x8x133xf32, #tpu.memory_space<vmem>>
        tpu.vector_store_idx %scatter3A_606[%shift_right_arithmetic3A_22, %and3A_45, %broadcast_in_dim3A_578], %add3A_601 : memref<8x8x133xf32, #tpu.memory_space<vmem>>[vector<16xi32>, vector<16xi32>, vector<16xi32>], vector<16xf32>,
        %add3A_607 = arith.constant 128 : i32
        %add3A_608 = arith.addi %add3A_607, %add3A_577 : i32
        %get3A_609 = arith.index_cast %add3A_608 : i32 to index
        %get3A_610 = arith.constant 32 : index
        %get3A_611 = tpu.vector_load %arg7[%get3A_609, %get3A_610] {strides = array<i32>} : memref<256x64xf32, #tpu.memory_space<vmem>>, vector<16xf32>,
        %mul3A_612 = arith.constant 8.000000e+00 : f32
        %mul3A_613 = vector.broadcast %mul3A_612 : f32 to vector<16xf32>
        %mul3A_614 = arith.mulf %get3A_611, %mul3A_613 : vector<16xf32>
        %add3A_615 = arith.addf %mul3A_614, %get3A_210 : vector<16xf32>
        %scatter3A_616 = arith.constant 0 : i32
        %scatter3A_617 = arith.constant 0 : i32
        %scatter3A_618 = arith.constant 0 : i32
        %scatter3A_619 = tpu.memref_slice %arg9[%scan3A_214, %scatter3A_616, %scatter3A_617, %scatter3A_618] : memref<2x8x8x133xf32, #tpu.memory_space<vmem>> -> memref<1x8x8x133xf32, #tpu.memory_space<vmem>>
        %scatter3A_620 = tpu.memref_squeeze %scatter3A_619 : memref<1x8x8x133xf32, #tpu.memory_space<vmem>> -> memref<8x8x133xf32, #tpu.memory_space<vmem>>
        tpu.vector_store_idx %scatter3A_620[%shift_right_arithmetic3A_28, %and3A_51, %broadcast_in_dim3A_578], %add3A_615 : memref<8x8x133xf32, #tpu.memory_space<vmem>>[vector<16xi32>, vector<16xi32>, vector<16xi32>], vector<16xf32>,
        %add3A_621 = arith.constant 128 : i32
        %add3A_622 = arith.addi %add3A_621, %add3A_577 : i32
        %get3A_623 = arith.index_cast %add3A_622 : i32 to index
        %get3A_624 = arith.constant 48 : index
        %get3A_625 = tpu.vector_load %arg7[%get3A_623, %get3A_624] {strides = array<i32>} : memref<256x64xf32, #tpu.memory_space<vmem>>, vector<16xf32>,
        %mul3A_626 = arith.constant 8.000000e+00 : f32
        %mul3A_627 = vector.broadcast %mul3A_626 : f32 to vector<16xf32>
        %mul3A_628 = arith.mulf %get3A_625, %mul3A_627 : vector<16xf32>
        %add3A_629 = arith.addf %mul3A_628, %get3A_213 : vector<16xf32>
        %scatter3A_630 = arith.constant 0 : i32
        %scatter3A_631 = arith.constant 0 : i32
        %scatter3A_632 = arith.constant 0 : i32
        %scatter3A_633 = tpu.memref_slice %arg9[%scan3A_214, %scatter3A_630, %scatter3A_631, %scatter3A_632] : memref<2x8x8x133xf32, #tpu.memory_space<vmem>> -> memref<1x8x8x133xf32, #tpu.memory_space<vmem>>
        %scatter3A_634 = tpu.memref_squeeze %scatter3A_633 : memref<1x8x8x133xf32, #tpu.memory_space<vmem>> -> memref<8x8x133xf32, #tpu.memory_space<vmem>>
        tpu.vector_store_idx %scatter3A_634[%shift_right_arithmetic3A_34, %and3A_57, %broadcast_in_dim3A_578], %add3A_629 : memref<8x8x133xf32, #tpu.memory_space<vmem>>[vector<16xi32>, vector<16xi32>, vector<16xi32>], vector<16xf32>,
      }
      %scan3A_219 = arith.constant 128 : i32
      %mul3A_220 = arith.constant 2 : i32
      %mul3A_221 = arith.muli %add3A_160, %mul3A_220 : i32
      %add3A_222 = arith.constant 0 : i32
      %add3A_223 = arith.addi %mul3A_221, %add3A_222 : i32
      %dma_start3A_224 = arith.constant 0 : i32
      %dma_start3A_225 = arith.constant 0 : i32
      %dma_start3A_226 = arith.constant 0 : i32
      %dma_start3A_227 = arith.constant 0 : i32
      %dma_start3A_228 = tpu.memref_slice %arg9[%dma_start3A_224, %dma_start3A_225, %dma_start3A_226, %dma_start3A_227] : memref<2x8x8x133xf32, #tpu.memory_space<vmem>> -> memref<1x8x8x128xf32, #tpu.memory_space<vmem>>
      %dma_start3A_229 = tpu.memref_squeeze %dma_start3A_228 : memref<1x8x8x128xf32, #tpu.memory_space<vmem>> -> memref<8x8x128xf32, #tpu.memory_space<vmem>>
      %dma_start3A_230 = arith.constant 0 : i32
      %dma_start3A_231 = arith.constant 0 : i32
      %dma_start3A_232 = arith.constant 0 : i32
      %dma_start3A_233 = tpu.memref_slice %arg5[%add3A_223, %dma_start3A_230, %add3A, %dma_start3A_231, %dma_start3A_232] : memref<200x8x32x8x128xf32, #tpu.memory_space<hbm>> -> memref<1x8x1x8x128xf32, #tpu.memory_space<hbm>>
      %dma_start3A_234 = tpu.memref_squeeze %dma_start3A_233 : memref<1x8x1x8x128xf32, #tpu.memory_space<hbm>> -> memref<8x8x128xf32, #tpu.memory_space<hbm>>
      %dma_start3A_235 = arith.constant 0 : i32
      %dma_start3A_236 = arith.constant 0 : i32
      %dma_start3A_237 = arith.constant 0 : i32
      %dma_start3A_238 = tpu.memref_slice %arg5[%add3A_223, %dma_start3A_235, %add3A, %dma_start3A_236, %dma_start3A_237] : memref<200x8x32x8x128xf32, #tpu.memory_space<hbm>> -> memref<1x8x1x8x128xf32, #tpu.memory_space<hbm>>
      %dma_start3A_239 = tpu.memref_squeeze %dma_start3A_238 : memref<1x8x1x8x128xf32, #tpu.memory_space<hbm>> -> memref<8x8x128xf32, #tpu.memory_space<hbm>>
      %dma_start3A_240 = arith.constant 0 : i32
      %dma_start3A_241 = arith.constant 0 : i32
      %dma_start3A_242 = arith.constant 0 : i32
      %dma_start3A_243 = tpu.memref_slice %arg9[%dma_start3A_224, %dma_start3A_240, %dma_start3A_241, %dma_start3A_242] : memref<2x8x8x133xf32, #tpu.memory_space<vmem>> -> memref<1x8x8x128xf32, #tpu.memory_space<vmem>>
      %dma_start3A_244 = tpu.memref_squeeze %dma_start3A_243 : memref<1x8x8x128xf32, #tpu.memory_space<vmem>> -> memref<8x8x128xf32, #tpu.memory_space<vmem>>
      tpu.enqueue_dma source(%dma_start3A_244 : memref<8x8x128xf32, #tpu.memory_space<vmem>>) target(%dma_start3A_239 : memref<8x8x128xf32, #tpu.memory_space<hbm>>) target_semaphore(%arg14 : memref<!tpu.dma_semaphore, #tpu.memory_space<semaphore_mem>>)
      %mul3A_245 = arith.constant 2 : i32
      %mul3A_246 = arith.muli %add3A_160, %mul3A_245 : i32
      %add3A_247 = arith.constant 1 : i32
      %add3A_248 = arith.addi %mul3A_246, %add3A_247 : i32
      %dma_start3A_249 = arith.constant 1 : i32
      %dma_start3A_250 = arith.constant 0 : i32
      %dma_start3A_251 = arith.constant 0 : i32
      %dma_start3A_252 = arith.constant 0 : i32
      %dma_start3A_253 = tpu.memref_slice %arg9[%dma_start3A_249, %dma_start3A_250, %dma_start3A_251, %dma_start3A_252] : memref<2x8x8x133xf32, #tpu.memory_space<vmem>> -> memref<1x8x8x128xf32, #tpu.memory_space<vmem>>
      %dma_start3A_254 = tpu.memref_squeeze %dma_start3A_253 : memref<1x8x8x128xf32, #tpu.memory_space<vmem>> -> memref<8x8x128xf32, #tpu.memory_space<vmem>>
      %dma_start3A_255 = arith.constant 0 : i32
      %dma_start3A_256 = arith.constant 0 : i32
      %dma_start3A_257 = arith.constant 0 : i32
      %dma_start3A_258 = tpu.memref_slice %arg5[%add3A_248, %dma_start3A_255, %add3A, %dma_start3A_256, %dma_start3A_257] : memref<200x8x32x8x128xf32, #tpu.memory_space<hbm>> -> memref<1x8x1x8x128xf32, #tpu.memory_space<hbm>>
      %dma_start3A_259 = tpu.memref_squeeze %dma_start3A_258 : memref<1x8x1x8x128xf32, #tpu.memory_space<hbm>> -> memref<8x8x128xf32, #tpu.memory_space<hbm>>
      %dma_start3A_260 = arith.constant 0 : i32
      %dma_start3A_261 = arith.constant 0 : i32
      %dma_start3A_262 = arith.constant 0 : i32
      %dma_start3A_263 = tpu.memref_slice %arg5[%add3A_248, %dma_start3A_260, %add3A, %dma_start3A_261, %dma_start3A_262] : memref<200x8x32x8x128xf32, #tpu.memory_space<hbm>> -> memref<1x8x1x8x128xf32, #tpu.memory_space<hbm>>
      %dma_start3A_264 = tpu.memref_squeeze %dma_start3A_263 : memref<1x8x1x8x128xf32, #tpu.memory_space<hbm>> -> memref<8x8x128xf32, #tpu.memory_space<hbm>>
      %dma_start3A_265 = arith.constant 0 : i32
      %dma_start3A_266 = arith.constant 0 : i32
      %dma_start3A_267 = arith.constant 0 : i32
      %dma_start3A_268 = tpu.memref_slice %arg9[%dma_start3A_249, %dma_start3A_265, %dma_start3A_266, %dma_start3A_267] : memref<2x8x8x133xf32, #tpu.memory_space<vmem>> -> memref<1x8x8x128xf32, #tpu.memory_space<vmem>>
      %dma_start3A_269 = tpu.memref_squeeze %dma_start3A_268 : memref<1x8x8x128xf32, #tpu.memory_space<vmem>> -> memref<8x8x128xf32, #tpu.memory_space<vmem>>
      tpu.enqueue_dma source(%dma_start3A_269 : memref<8x8x128xf32, #tpu.memory_space<vmem>>) target(%dma_start3A_264 : memref<8x8x128xf32, #tpu.memory_space<hbm>>) target_semaphore(%arg14 : memref<!tpu.dma_semaphore, #tpu.memory_space<semaphore_mem>>)
      %add3A_270 = arith.constant 1 : i32
      %add3A_271 = arith.addi %add3A_158, %add3A_270 : i32
      %add3A_272 = arith.constant 1 : i32
      %add3A_273 = arith.addi %add3A_271, %add3A_272 : i32
      %lt3A_274 = arith.constant 100 : i32
      %lt3A_275 = arith.cmpi slt, %add3A_273, %lt3A_274 : i32
      %convert_element_type3A_276 = arith.extui %lt3A_275 : i1 to i32
      %cond3A_277 = arith.constant 0 : i32
      %cond3A_278 = arith.cmpi ne, %convert_element_type3A_276, %cond3A_277 : i32
      scf.if %cond3A_278 {
        %add3A_386 = arith.constant 1 : i32
        %add3A_387 = arith.addi %add3A_271, %add3A_386 : i32
        %mul3A_388 = arith.constant 2 : i32
        %mul3A_389 = arith.muli %add3A_387, %mul3A_388 : i32
        %mul3A_390 = arith.constant 128 : i32
        %mul3A_391 = arith.muli %mul3A_389, %mul3A_390 : i32
        %dma_start3A_392 = tpu.memref_slice %arg6[%mul3A_391] : memref<25600xi32, #tpu.memory_space<vmem>> -> memref<256xi32, #tpu.memory_space<vmem>>
        %dma_start3A_393 = arith.constant 0 : i32
        %dma_start3A_394 = arith.constant 0 : i32
        %dma_start3A_395 = tpu.memref_slice %arg3[%dma_start3A_393, %dma_start3A_394] : memref<1000000x64xf32, #tpu.memory_space<hbm>> -> memref<1000000x64xf32, #tpu.memory_space<hbm>>
        tpu.enqueue_indirect_dma source(%dma_start3A_395 : memref<1000000x64xf32, #tpu.memory_space<hbm>>) target(%arg7 : memref<256x64xf32, #tpu.memory_space<vmem>>) offsets(%dma_start3A_392 : memref<256xi32, #tpu.memory_space<vmem>>) semaphore(%arg12 : memref<!tpu.dma_semaphore, #tpu.memory_space<semaphore_mem>>)
      } else {
      }
      %mul3A_279 = arith.constant 2 : i32
      %mul3A_280 = arith.muli %add3A_271, %mul3A_279 : i32
      %mul3A_281 = arith.constant 128 : i32
      %mul3A_282 = arith.muli %mul3A_280, %mul3A_281 : i32
      %dma_wait3A_283 = tpu.memref_slice %arg6[%mul3A_282] : memref<25600xi32, #tpu.memory_space<vmem>> -> memref<256xi32, #tpu.memory_space<vmem>>
      %dma_wait3A_284 = arith.constant 0 : i32
      %dma_wait3A_285 = arith.constant 0 : i32
      %dma_wait3A_286 = tpu.memref_slice %arg3[%dma_wait3A_284, %dma_wait3A_285] : memref<1000000x64xf32, #tpu.memory_space<hbm>> -> memref<1000000x64xf32, #tpu.memory_space<hbm>>
      tpu.wait_indirect_dma semaphore(%arg13 : memref<!tpu.dma_semaphore, #tpu.memory_space<semaphore_mem>>) src(%dma_wait3A_286 : memref<1000000x64xf32, #tpu.memory_space<hbm>>) dst(%arg8 : memref<256x64xf32, #tpu.memory_space<vmem>>)
      %ge3A_287 = arith.constant 2 : i32
      %ge3A_288 = arith.cmpi sge, %add3A_271, %ge3A_287 : i32
      %convert_element_type3A_289 = arith.extui %ge3A_288 : i1 to i32
      %cond3A_290 = arith.constant 0 : i32
      %cond3A_291 = arith.cmpi ne, %convert_element_type3A_289, %cond3A_290 : i32
      scf.if %cond3A_291 {
        %sub3A = arith.constant 2 : i32
        %sub3A_386 = arith.subi %add3A_271, %sub3A : i32
        %mul3A_387 = arith.constant 2 : i32
        %mul3A_388 = arith.muli %sub3A_386, %mul3A_387 : i32
        %add3A_389 = arith.constant 0 : i32
        %add3A_390 = arith.addi %mul3A_388, %add3A_389 : i32
        %dma_wait3A_391 = arith.constant 0 : i32
        %dma_wait3A_392 = arith.constant 0 : i32
        %dma_wait3A_393 = arith.constant 0 : i32
        %dma_wait3A_394 = arith.constant 0 : i32
        %dma_wait3A_395 = tpu.memref_slice %arg10[%dma_wait3A_391, %dma_wait3A_392, %dma_wait3A_393, %dma_wait3A_394] : memref<2x8x8x133xf32, #tpu.memory_space<vmem>> -> memref<1x8x8x128xf32, #tpu.memory_space<vmem>>
        %dma_wait3A_396 = tpu.memref_squeeze %dma_wait3A_395 : memref<1x8x8x128xf32, #tpu.memory_space<vmem>> -> memref<8x8x128xf32, #tpu.memory_space<vmem>>
        %dma_wait3A_397 = arith.constant 0 : i32
        %dma_wait3A_398 = arith.constant 0 : i32
        %dma_wait3A_399 = arith.constant 0 : i32
        %dma_wait3A_400 = tpu.memref_slice %arg5[%add3A_390, %dma_wait3A_397, %add3A, %dma_wait3A_398, %dma_wait3A_399] : memref<200x8x32x8x128xf32, #tpu.memory_space<hbm>> -> memref<1x8x1x8x128xf32, #tpu.memory_space<hbm>>
        %dma_wait3A_401 = tpu.memref_squeeze %dma_wait3A_400 : memref<1x8x1x8x128xf32, #tpu.memory_space<hbm>> -> memref<8x8x128xf32, #tpu.memory_space<hbm>>
        %dma_wait3A_402 = arith.constant 0 : i32
        %dma_wait3A_403 = arith.constant 0 : i32
        %dma_wait3A_404 = arith.constant 0 : i32
        %dma_wait3A_405 = tpu.memref_slice %arg5[%add3A_390, %dma_wait3A_402, %add3A, %dma_wait3A_403, %dma_wait3A_404] : memref<200x8x32x8x128xf32, #tpu.memory_space<hbm>> -> memref<1x8x1x8x128xf32, #tpu.memory_space<hbm>>
        %dma_wait3A_406 = tpu.memref_squeeze %dma_wait3A_405 : memref<1x8x1x8x128xf32, #tpu.memory_space<hbm>> -> memref<8x8x128xf32, #tpu.memory_space<hbm>>
        %dma_wait3A_407 = arith.constant 0 : i32
        %dma_wait3A_408 = arith.constant 0 : i32
        %dma_wait3A_409 = arith.constant 0 : i32
        %dma_wait3A_410 = tpu.memref_slice %arg10[%dma_wait3A_391, %dma_wait3A_407, %dma_wait3A_408, %dma_wait3A_409] : memref<2x8x8x133xf32, #tpu.memory_space<vmem>> -> memref<1x8x8x128xf32, #tpu.memory_space<vmem>>
        %dma_wait3A_411 = tpu.memref_squeeze %dma_wait3A_410 : memref<1x8x8x128xf32, #tpu.memory_space<vmem>> -> memref<8x8x128xf32, #tpu.memory_space<vmem>>
        tpu.wait_dma2 semaphore(%arg15 : memref<!tpu.dma_semaphore, #tpu.memory_space<semaphore_mem>>) src(%dma_wait3A_411 : memref<8x8x128xf32, #tpu.memory_space<vmem>>) dst(%dma_wait3A_406 : memref<8x8x128xf32, #tpu.memory_space<hbm>>)
        %mul3A_412 = arith.constant 2 : i32
        %mul3A_413 = arith.muli %sub3A_386, %mul3A_412 : i32
        %add3A_414 = arith.constant 1 : i32
        %add3A_415 = arith.addi %mul3A_413, %add3A_414 : i32
        %dma_wait3A_416 = arith.constant 1 : i32
        %dma_wait3A_417 = arith.constant 0 : i32
        %dma_wait3A_418 = arith.constant 0 : i32
        %dma_wait3A_419 = arith.constant 0 : i32
        %dma_wait3A_420 = tpu.memref_slice %arg10[%dma_wait3A_416, %dma_wait3A_417, %dma_wait3A_418, %dma_wait3A_419] : memref<2x8x8x133xf32, #tpu.memory_space<vmem>> -> memref<1x8x8x128xf32, #tpu.memory_space<vmem>>
        %dma_wait3A_421 = tpu.memref_squeeze %dma_wait3A_420 : memref<1x8x8x128xf32, #tpu.memory_space<vmem>> -> memref<8x8x128xf32, #tpu.memory_space<vmem>>
        %dma_wait3A_422 = arith.constant 0 : i32
        %dma_wait3A_423 = arith.constant 0 : i32
        %dma_wait3A_424 = arith.constant 0 : i32
        %dma_wait3A_425 = tpu.memref_slice %arg5[%add3A_415, %dma_wait3A_422, %add3A, %dma_wait3A_423, %dma_wait3A_424] : memref<200x8x32x8x128xf32, #tpu.memory_space<hbm>> -> memref<1x8x1x8x128xf32, #tpu.memory_space<hbm>>
        %dma_wait3A_426 = tpu.memref_squeeze %dma_wait3A_425 : memref<1x8x1x8x128xf32, #tpu.memory_space<hbm>> -> memref<8x8x128xf32, #tpu.memory_space<hbm>>
        %dma_wait3A_427 = arith.constant 0 : i32
        %dma_wait3A_428 = arith.constant 0 : i32
        %dma_wait3A_429 = arith.constant 0 : i32
        %dma_wait3A_430 = tpu.memref_slice %arg5[%add3A_415, %dma_wait3A_427, %add3A, %dma_wait3A_428, %dma_wait3A_429] : memref<200x8x32x8x128xf32, #tpu.memory_space<hbm>> -> memref<1x8x1x8x128xf32, #tpu.memory_space<hbm>>
        %dma_wait3A_431 = tpu.memref_squeeze %dma_wait3A_430 : memref<1x8x1x8x128xf32, #tpu.memory_space<hbm>> -> memref<8x8x128xf32, #tpu.memory_space<hbm>>
        %dma_wait3A_432 = arith.constant 0 : i32
        %dma_wait3A_433 = arith.constant 0 : i32
        %dma_wait3A_434 = arith.constant 0 : i32
        %dma_wait3A_435 = tpu.memref_slice %arg10[%dma_wait3A_416, %dma_wait3A_432, %dma_wait3A_433, %dma_wait3A_434] : memref<2x8x8x133xf32, #tpu.memory_space<vmem>> -> memref<1x8x8x128xf32, #tpu.memory_space<vmem>>
        %dma_wait3A_436 = tpu.memref_squeeze %dma_wait3A_435 : memref<1x8x8x128xf32, #tpu.memory_space<vmem>> -> memref<8x8x128xf32, #tpu.memory_space<vmem>>
        tpu.wait_dma2 semaphore(%arg15 : memref<!tpu.dma_semaphore, #tpu.memory_space<semaphore_mem>>) src(%dma_wait3A_436 : memref<8x8x128xf32, #tpu.memory_space<vmem>>) dst(%dma_wait3A_431 : memref<8x8x128xf32, #tpu.memory_space<hbm>>)
      } else {
      }
      %mul3A_292 = arith.constant 2 : i32
      %mul3A_293 = arith.muli %add3A_271, %mul3A_292 : i32
      %add3A_294 = arith.constant 0 : i32
      %add3A_295 = arith.addi %mul3A_293, %add3A_294 : i32
      %get3A_296 = arith.index_cast %add3A_295 : i32 to index
      %get3A_297 = arith.constant 0 : index
      %get3A_298 = tpu.vector_load %arg11[%get3A_296, %get3A_297] {strides = array<i32>} : memref<200x64xf32, #tpu.memory_space<vmem>>, vector<16xf32>,
      %get3A_299 = arith.index_cast %add3A_295 : i32 to index
      %get3A_300 = arith.constant 16 : index
      %get3A_301 = tpu.vector_load %arg11[%get3A_299, %get3A_300] {strides = array<i32>} : memref<200x64xf32, #tpu.memory_space<vmem>>, vector<16xf32>,
      %get3A_302 = arith.index_cast %add3A_295 : i32 to index
      %get3A_303 = arith.constant 32 : index
      %get3A_304 = tpu.vector_load %arg11[%get3A_302, %get3A_303] {strides = array<i32>} : memref<200x64xf32, #tpu.memory_space<vmem>>, vector<16xf32>,
      %get3A_305 = arith.index_cast %add3A_295 : i32 to index
      %get3A_306 = arith.constant 48 : index
      %get3A_307 = tpu.vector_load %arg11[%get3A_305, %get3A_306] {strides = array<i32>} : memref<200x64xf32, #tpu.memory_space<vmem>>, vector<16xf32>,
      %scan3A_308 = arith.constant 0 : i32
      %scan3A_309 = arith.constant 0 : i32
      %scan3A_310 = arith.constant 128 : i32
      %scan3A_311 = arith.addi %scan3A_309, %scan3A_310 : i32
      %scan3A_312 = arith.constant 4 : i32
      scf.for %scan3A_386 = %scan3A_309 to %scan3A_311 step %scan3A_312  : i32 {
        %mul3A_387 = arith.constant 1 : i32
        %mul3A_388 = arith.muli %scan3A_386, %mul3A_387 : i32
        %add3A_389 = arith.constant 0 : i32
        %add3A_390 = arith.addi %add3A_389, %mul3A_388 : i32
        %broadcast_in_dim3A = vector.broadcast %add3A_390 : i32 to vector<16xi32>
        %add3A_391 = arith.constant 0 : i32
        %add3A_392 = arith.addi %add3A_391, %add3A_390 : i32
        %get3A_393 = arith.index_cast %add3A_392 : i32 to index
        %get3A_394 = arith.constant 0 : index
        %get3A_395 = tpu.vector_load %arg8[%get3A_393, %get3A_394] {strides = array<i32>} : memref<256x64xf32, #tpu.memory_space<vmem>>, vector<16xf32>,
        %mul3A_396 = arith.constant 8.000000e+00 : f32
        %mul3A_397 = vector.broadcast %mul3A_396 : f32 to vector<16xf32>
        %mul3A_398 = arith.mulf %get3A_395, %mul3A_397 : vector<16xf32>
        %add3A_399 = arith.addf %mul3A_398, %get3A_298 : vector<16xf32>
        %scatter3A = arith.constant 0 : i32
        %scatter3A_400 = arith.constant 0 : i32
        %scatter3A_401 = arith.constant 0 : i32
        %scatter3A_402 = tpu.memref_slice %arg10[%scan3A_308, %scatter3A, %scatter3A_400, %scatter3A_401] : memref<2x8x8x133xf32, #tpu.memory_space<vmem>> -> memref<1x8x8x133xf32, #tpu.memory_space<vmem>>
        %scatter3A_403 = tpu.memref_squeeze %scatter3A_402 : memref<1x8x8x133xf32, #tpu.memory_space<vmem>> -> memref<8x8x133xf32, #tpu.memory_space<vmem>>
        tpu.vector_store_idx %scatter3A_403[%shift_right_arithmetic3A_16, %and3A_39, %broadcast_in_dim3A], %add3A_399 : memref<8x8x133xf32, #tpu.memory_space<vmem>>[vector<16xi32>, vector<16xi32>, vector<16xi32>], vector<16xf32>,
        %add3A_404 = arith.constant 0 : i32
        %add3A_405 = arith.addi %add3A_404, %add3A_390 : i32
        %get3A_406 = arith.index_cast %add3A_405 : i32 to index
        %get3A_407 = arith.constant 16 : index
        %get3A_408 = tpu.vector_load %arg8[%get3A_406, %get3A_407] {strides = array<i32>} : memref<256x64xf32, #tpu.memory_space<vmem>>, vector<16xf32>,
        %mul3A_409 = arith.constant 8.000000e+00 : f32
        %mul3A_410 = vector.broadcast %mul3A_409 : f32 to vector<16xf32>
        %mul3A_411 = arith.mulf %get3A_408, %mul3A_410 : vector<16xf32>
        %add3A_412 = arith.addf %mul3A_411, %get3A_301 : vector<16xf32>
        %scatter3A_413 = arith.constant 0 : i32
        %scatter3A_414 = arith.constant 0 : i32
        %scatter3A_415 = arith.constant 0 : i32
        %scatter3A_416 = tpu.memref_slice %arg10[%scan3A_308, %scatter3A_413, %scatter3A_414, %scatter3A_415] : memref<2x8x8x133xf32, #tpu.memory_space<vmem>> -> memref<1x8x8x133xf32, #tpu.memory_space<vmem>>
        %scatter3A_417 = tpu.memref_squeeze %scatter3A_416 : memref<1x8x8x133xf32, #tpu.memory_space<vmem>> -> memref<8x8x133xf32, #tpu.memory_space<vmem>>
        tpu.vector_store_idx %scatter3A_417[%shift_right_arithmetic3A_22, %and3A_45, %broadcast_in_dim3A], %add3A_412 : memref<8x8x133xf32, #tpu.memory_space<vmem>>[vector<16xi32>, vector<16xi32>, vector<16xi32>], vector<16xf32>,
        %add3A_418 = arith.constant 0 : i32
        %add3A_419 = arith.addi %add3A_418, %add3A_390 : i32
        %get3A_420 = arith.index_cast %add3A_419 : i32 to index
        %get3A_421 = arith.constant 32 : index
        %get3A_422 = tpu.vector_load %arg8[%get3A_420, %get3A_421] {strides = array<i32>} : memref<256x64xf32, #tpu.memory_space<vmem>>, vector<16xf32>,
        %mul3A_423 = arith.constant 8.000000e+00 : f32
        %mul3A_424 = vector.broadcast %mul3A_423 : f32 to vector<16xf32>
        %mul3A_425 = arith.mulf %get3A_422, %mul3A_424 : vector<16xf32>
        %add3A_426 = arith.addf %mul3A_425, %get3A_304 : vector<16xf32>
        %scatter3A_427 = arith.constant 0 : i32
        %scatter3A_428 = arith.constant 0 : i32
        %scatter3A_429 = arith.constant 0 : i32
        %scatter3A_430 = tpu.memref_slice %arg10[%scan3A_308, %scatter3A_427, %scatter3A_428, %scatter3A_429] : memref<2x8x8x133xf32, #tpu.memory_space<vmem>> -> memref<1x8x8x133xf32, #tpu.memory_space<vmem>>
        %scatter3A_431 = tpu.memref_squeeze %scatter3A_430 : memref<1x8x8x133xf32, #tpu.memory_space<vmem>> -> memref<8x8x133xf32, #tpu.memory_space<vmem>>
        tpu.vector_store_idx %scatter3A_431[%shift_right_arithmetic3A_28, %and3A_51, %broadcast_in_dim3A], %add3A_426 : memref<8x8x133xf32, #tpu.memory_space<vmem>>[vector<16xi32>, vector<16xi32>, vector<16xi32>], vector<16xf32>,
        %add3A_432 = arith.constant 0 : i32
        %add3A_433 = arith.addi %add3A_432, %add3A_390 : i32
        %get3A_434 = arith.index_cast %add3A_433 : i32 to index
        %get3A_435 = arith.constant 48 : index
        %get3A_436 = tpu.vector_load %arg8[%get3A_434, %get3A_435] {strides = array<i32>} : memref<256x64xf32, #tpu.memory_space<vmem>>, vector<16xf32>,
        %mul3A_437 = arith.constant 8.000000e+00 : f32
        %mul3A_438 = vector.broadcast %mul3A_437 : f32 to vector<16xf32>
        %mul3A_439 = arith.mulf %get3A_436, %mul3A_438 : vector<16xf32>
        %add3A_440 = arith.addf %mul3A_439, %get3A_307 : vector<16xf32>
        %scatter3A_441 = arith.constant 0 : i32
        %scatter3A_442 = arith.constant 0 : i32
        %scatter3A_443 = arith.constant 0 : i32
        %scatter3A_444 = tpu.memref_slice %arg10[%scan3A_308, %scatter3A_441, %scatter3A_442, %scatter3A_443] : memref<2x8x8x133xf32, #tpu.memory_space<vmem>> -> memref<1x8x8x133xf32, #tpu.memory_space<vmem>>
        %scatter3A_445 = tpu.memref_squeeze %scatter3A_444 : memref<1x8x8x133xf32, #tpu.memory_space<vmem>> -> memref<8x8x133xf32, #tpu.memory_space<vmem>>
        tpu.vector_store_idx %scatter3A_445[%shift_right_arithmetic3A_34, %and3A_57, %broadcast_in_dim3A], %add3A_440 : memref<8x8x133xf32, #tpu.memory_space<vmem>>[vector<16xi32>, vector<16xi32>, vector<16xi32>], vector<16xf32>,
        %scan3A_446 = arith.constant 1 : i32
        %scan3A_447 = arith.addi %scan3A_386, %scan3A_446 : i32
        %mul3A_448 = arith.constant 1 : i32
        %mul3A_449 = arith.muli %scan3A_447, %mul3A_448 : i32
        %add3A_450 = arith.constant 0 : i32
        %add3A_451 = arith.addi %add3A_450, %mul3A_449 : i32
        %broadcast_in_dim3A_452 = vector.broadcast %add3A_451 : i32 to vector<16xi32>
        %add3A_453 = arith.constant 0 : i32
        %add3A_454 = arith.addi %add3A_453, %add3A_451 : i32
        %get3A_455 = arith.index_cast %add3A_454 : i32 to index
        %get3A_456 = arith.constant 0 : index
        %get3A_457 = tpu.vector_load %arg8[%get3A_455, %get3A_456] {strides = array<i32>} : memref<256x64xf32, #tpu.memory_space<vmem>>, vector<16xf32>,
        %mul3A_458 = arith.constant 8.000000e+00 : f32
        %mul3A_459 = vector.broadcast %mul3A_458 : f32 to vector<16xf32>
        %mul3A_460 = arith.mulf %get3A_457, %mul3A_459 : vector<16xf32>
        %add3A_461 = arith.addf %mul3A_460, %get3A_298 : vector<16xf32>
        %scatter3A_462 = arith.constant 0 : i32
        %scatter3A_463 = arith.constant 0 : i32
        %scatter3A_464 = arith.constant 0 : i32
        %scatter3A_465 = tpu.memref_slice %arg10[%scan3A_308, %scatter3A_462, %scatter3A_463, %scatter3A_464] : memref<2x8x8x133xf32, #tpu.memory_space<vmem>> -> memref<1x8x8x133xf32, #tpu.memory_space<vmem>>
        %scatter3A_466 = tpu.memref_squeeze %scatter3A_465 : memref<1x8x8x133xf32, #tpu.memory_space<vmem>> -> memref<8x8x133xf32, #tpu.memory_space<vmem>>
        tpu.vector_store_idx %scatter3A_466[%shift_right_arithmetic3A_16, %and3A_39, %broadcast_in_dim3A_452], %add3A_461 : memref<8x8x133xf32, #tpu.memory_space<vmem>>[vector<16xi32>, vector<16xi32>, vector<16xi32>], vector<16xf32>,
        %add3A_467 = arith.constant 0 : i32
        %add3A_468 = arith.addi %add3A_467, %add3A_451 : i32
        %get3A_469 = arith.index_cast %add3A_468 : i32 to index
        %get3A_470 = arith.constant 16 : index
        %get3A_471 = tpu.vector_load %arg8[%get3A_469, %get3A_470] {strides = array<i32>} : memref<256x64xf32, #tpu.memory_space<vmem>>, vector<16xf32>,
        %mul3A_472 = arith.constant 8.000000e+00 : f32
        %mul3A_473 = vector.broadcast %mul3A_472 : f32 to vector<16xf32>
        %mul3A_474 = arith.mulf %get3A_471, %mul3A_473 : vector<16xf32>
        %add3A_475 = arith.addf %mul3A_474, %get3A_301 : vector<16xf32>
        %scatter3A_476 = arith.constant 0 : i32
        %scatter3A_477 = arith.constant 0 : i32
        %scatter3A_478 = arith.constant 0 : i32
        %scatter3A_479 = tpu.memref_slice %arg10[%scan3A_308, %scatter3A_476, %scatter3A_477, %scatter3A_478] : memref<2x8x8x133xf32, #tpu.memory_space<vmem>> -> memref<1x8x8x133xf32, #tpu.memory_space<vmem>>
        %scatter3A_480 = tpu.memref_squeeze %scatter3A_479 : memref<1x8x8x133xf32, #tpu.memory_space<vmem>> -> memref<8x8x133xf32, #tpu.memory_space<vmem>>
        tpu.vector_store_idx %scatter3A_480[%shift_right_arithmetic3A_22, %and3A_45, %broadcast_in_dim3A_452], %add3A_475 : memref<8x8x133xf32, #tpu.memory_space<vmem>>[vector<16xi32>, vector<16xi32>, vector<16xi32>], vector<16xf32>,
        %add3A_481 = arith.constant 0 : i32
        %add3A_482 = arith.addi %add3A_481, %add3A_451 : i32
        %get3A_483 = arith.index_cast %add3A_482 : i32 to index
        %get3A_484 = arith.constant 32 : index
        %get3A_485 = tpu.vector_load %arg8[%get3A_483, %get3A_484] {strides = array<i32>} : memref<256x64xf32, #tpu.memory_space<vmem>>, vector<16xf32>,
        %mul3A_486 = arith.constant 8.000000e+00 : f32
        %mul3A_487 = vector.broadcast %mul3A_486 : f32 to vector<16xf32>
        %mul3A_488 = arith.mulf %get3A_485, %mul3A_487 : vector<16xf32>
        %add3A_489 = arith.addf %mul3A_488, %get3A_304 : vector<16xf32>
        %scatter3A_490 = arith.constant 0 : i32
        %scatter3A_491 = arith.constant 0 : i32
        %scatter3A_492 = arith.constant 0 : i32
        %scatter3A_493 = tpu.memref_slice %arg10[%scan3A_308, %scatter3A_490, %scatter3A_491, %scatter3A_492] : memref<2x8x8x133xf32, #tpu.memory_space<vmem>> -> memref<1x8x8x133xf32, #tpu.memory_space<vmem>>
        %scatter3A_494 = tpu.memref_squeeze %scatter3A_493 : memref<1x8x8x133xf32, #tpu.memory_space<vmem>> -> memref<8x8x133xf32, #tpu.memory_space<vmem>>
        tpu.vector_store_idx %scatter3A_494[%shift_right_arithmetic3A_28, %and3A_51, %broadcast_in_dim3A_452], %add3A_489 : memref<8x8x133xf32, #tpu.memory_space<vmem>>[vector<16xi32>, vector<16xi32>, vector<16xi32>], vector<16xf32>,
        %add3A_495 = arith.constant 0 : i32
        %add3A_496 = arith.addi %add3A_495, %add3A_451 : i32
        %get3A_497 = arith.index_cast %add3A_496 : i32 to index
        %get3A_498 = arith.constant 48 : index
        %get3A_499 = tpu.vector_load %arg8[%get3A_497, %get3A_498] {strides = array<i32>} : memref<256x64xf32, #tpu.memory_space<vmem>>, vector<16xf32>,
        %mul3A_500 = arith.constant 8.000000e+00 : f32
        %mul3A_501 = vector.broadcast %mul3A_500 : f32 to vector<16xf32>
        %mul3A_502 = arith.mulf %get3A_499, %mul3A_501 : vector<16xf32>
        %add3A_503 = arith.addf %mul3A_502, %get3A_307 : vector<16xf32>
        %scatter3A_504 = arith.constant 0 : i32
        %scatter3A_505 = arith.constant 0 : i32
        %scatter3A_506 = arith.constant 0 : i32
        %scatter3A_507 = tpu.memref_slice %arg10[%scan3A_308, %scatter3A_504, %scatter3A_505, %scatter3A_506] : memref<2x8x8x133xf32, #tpu.memory_space<vmem>> -> memref<1x8x8x133xf32, #tpu.memory_space<vmem>>
        %scatter3A_508 = tpu.memref_squeeze %scatter3A_507 : memref<1x8x8x133xf32, #tpu.memory_space<vmem>> -> memref<8x8x133xf32, #tpu.memory_space<vmem>>
        tpu.vector_store_idx %scatter3A_508[%shift_right_arithmetic3A_34, %and3A_57, %broadcast_in_dim3A_452], %add3A_503 : memref<8x8x133xf32, #tpu.memory_space<vmem>>[vector<16xi32>, vector<16xi32>, vector<16xi32>], vector<16xf32>,
        %scan3A_509 = arith.constant 2 : i32
        %scan3A_510 = arith.addi %scan3A_386, %scan3A_509 : i32
        %mul3A_511 = arith.constant 1 : i32
        %mul3A_512 = arith.muli %scan3A_510, %mul3A_511 : i32
        %add3A_513 = arith.constant 0 : i32
        %add3A_514 = arith.addi %add3A_513, %mul3A_512 : i32
        %broadcast_in_dim3A_515 = vector.broadcast %add3A_514 : i32 to vector<16xi32>
        %add3A_516 = arith.constant 0 : i32
        %add3A_517 = arith.addi %add3A_516, %add3A_514 : i32
        %get3A_518 = arith.index_cast %add3A_517 : i32 to index
        %get3A_519 = arith.constant 0 : index
        %get3A_520 = tpu.vector_load %arg8[%get3A_518, %get3A_519] {strides = array<i32>} : memref<256x64xf32, #tpu.memory_space<vmem>>, vector<16xf32>,
        %mul3A_521 = arith.constant 8.000000e+00 : f32
        %mul3A_522 = vector.broadcast %mul3A_521 : f32 to vector<16xf32>
        %mul3A_523 = arith.mulf %get3A_520, %mul3A_522 : vector<16xf32>
        %add3A_524 = arith.addf %mul3A_523, %get3A_298 : vector<16xf32>
        %scatter3A_525 = arith.constant 0 : i32
        %scatter3A_526 = arith.constant 0 : i32
        %scatter3A_527 = arith.constant 0 : i32
        %scatter3A_528 = tpu.memref_slice %arg10[%scan3A_308, %scatter3A_525, %scatter3A_526, %scatter3A_527] : memref<2x8x8x133xf32, #tpu.memory_space<vmem>> -> memref<1x8x8x133xf32, #tpu.memory_space<vmem>>
        %scatter3A_529 = tpu.memref_squeeze %scatter3A_528 : memref<1x8x8x133xf32, #tpu.memory_space<vmem>> -> memref<8x8x133xf32, #tpu.memory_space<vmem>>
        tpu.vector_store_idx %scatter3A_529[%shift_right_arithmetic3A_16, %and3A_39, %broadcast_in_dim3A_515], %add3A_524 : memref<8x8x133xf32, #tpu.memory_space<vmem>>[vector<16xi32>, vector<16xi32>, vector<16xi32>], vector<16xf32>,
        %add3A_530 = arith.constant 0 : i32
        %add3A_531 = arith.addi %add3A_530, %add3A_514 : i32
        %get3A_532 = arith.index_cast %add3A_531 : i32 to index
        %get3A_533 = arith.constant 16 : index
        %get3A_534 = tpu.vector_load %arg8[%get3A_532, %get3A_533] {strides = array<i32>} : memref<256x64xf32, #tpu.memory_space<vmem>>, vector<16xf32>,
        %mul3A_535 = arith.constant 8.000000e+00 : f32
        %mul3A_536 = vector.broadcast %mul3A_535 : f32 to vector<16xf32>
        %mul3A_537 = arith.mulf %get3A_534, %mul3A_536 : vector<16xf32>
        %add3A_538 = arith.addf %mul3A_537, %get3A_301 : vector<16xf32>
        %scatter3A_539 = arith.constant 0 : i32
        %scatter3A_540 = arith.constant 0 : i32
        %scatter3A_541 = arith.constant 0 : i32
        %scatter3A_542 = tpu.memref_slice %arg10[%scan3A_308, %scatter3A_539, %scatter3A_540, %scatter3A_541] : memref<2x8x8x133xf32, #tpu.memory_space<vmem>> -> memref<1x8x8x133xf32, #tpu.memory_space<vmem>>
        %scatter3A_543 = tpu.memref_squeeze %scatter3A_542 : memref<1x8x8x133xf32, #tpu.memory_space<vmem>> -> memref<8x8x133xf32, #tpu.memory_space<vmem>>
        tpu.vector_store_idx %scatter3A_543[%shift_right_arithmetic3A_22, %and3A_45, %broadcast_in_dim3A_515], %add3A_538 : memref<8x8x133xf32, #tpu.memory_space<vmem>>[vector<16xi32>, vector<16xi32>, vector<16xi32>], vector<16xf32>,
        %add3A_544 = arith.constant 0 : i32
        %add3A_545 = arith.addi %add3A_544, %add3A_514 : i32
        %get3A_546 = arith.index_cast %add3A_545 : i32 to index
        %get3A_547 = arith.constant 32 : index
        %get3A_548 = tpu.vector_load %arg8[%get3A_546, %get3A_547] {strides = array<i32>} : memref<256x64xf32, #tpu.memory_space<vmem>>, vector<16xf32>,
        %mul3A_549 = arith.constant 8.000000e+00 : f32
        %mul3A_550 = vector.broadcast %mul3A_549 : f32 to vector<16xf32>
        %mul3A_551 = arith.mulf %get3A_548, %mul3A_550 : vector<16xf32>
        %add3A_552 = arith.addf %mul3A_551, %get3A_304 : vector<16xf32>
        %scatter3A_553 = arith.constant 0 : i32
        %scatter3A_554 = arith.constant 0 : i32
        %scatter3A_555 = arith.constant 0 : i32
        %scatter3A_556 = tpu.memref_slice %arg10[%scan3A_308, %scatter3A_553, %scatter3A_554, %scatter3A_555] : memref<2x8x8x133xf32, #tpu.memory_space<vmem>> -> memref<1x8x8x133xf32, #tpu.memory_space<vmem>>
        %scatter3A_557 = tpu.memref_squeeze %scatter3A_556 : memref<1x8x8x133xf32, #tpu.memory_space<vmem>> -> memref<8x8x133xf32, #tpu.memory_space<vmem>>
        tpu.vector_store_idx %scatter3A_557[%shift_right_arithmetic3A_28, %and3A_51, %broadcast_in_dim3A_515], %add3A_552 : memref<8x8x133xf32, #tpu.memory_space<vmem>>[vector<16xi32>, vector<16xi32>, vector<16xi32>], vector<16xf32>,
        %add3A_558 = arith.constant 0 : i32
        %add3A_559 = arith.addi %add3A_558, %add3A_514 : i32
        %get3A_560 = arith.index_cast %add3A_559 : i32 to index
        %get3A_561 = arith.constant 48 : index
        %get3A_562 = tpu.vector_load %arg8[%get3A_560, %get3A_561] {strides = array<i32>} : memref<256x64xf32, #tpu.memory_space<vmem>>, vector<16xf32>,
        %mul3A_563 = arith.constant 8.000000e+00 : f32
        %mul3A_564 = vector.broadcast %mul3A_563 : f32 to vector<16xf32>
        %mul3A_565 = arith.mulf %get3A_562, %mul3A_564 : vector<16xf32>
        %add3A_566 = arith.addf %mul3A_565, %get3A_307 : vector<16xf32>
        %scatter3A_567 = arith.constant 0 : i32
        %scatter3A_568 = arith.constant 0 : i32
        %scatter3A_569 = arith.constant 0 : i32
        %scatter3A_570 = tpu.memref_slice %arg10[%scan3A_308, %scatter3A_567, %scatter3A_568, %scatter3A_569] : memref<2x8x8x133xf32, #tpu.memory_space<vmem>> -> memref<1x8x8x133xf32, #tpu.memory_space<vmem>>
        %scatter3A_571 = tpu.memref_squeeze %scatter3A_570 : memref<1x8x8x133xf32, #tpu.memory_space<vmem>> -> memref<8x8x133xf32, #tpu.memory_space<vmem>>
        tpu.vector_store_idx %scatter3A_571[%shift_right_arithmetic3A_34, %and3A_57, %broadcast_in_dim3A_515], %add3A_566 : memref<8x8x133xf32, #tpu.memory_space<vmem>>[vector<16xi32>, vector<16xi32>, vector<16xi32>], vector<16xf32>,
        %scan3A_572 = arith.constant 3 : i32
        %scan3A_573 = arith.addi %scan3A_386, %scan3A_572 : i32
        %mul3A_574 = arith.constant 1 : i32
        %mul3A_575 = arith.muli %scan3A_573, %mul3A_574 : i32
        %add3A_576 = arith.constant 0 : i32
        %add3A_577 = arith.addi %add3A_576, %mul3A_575 : i32
        %broadcast_in_dim3A_578 = vector.broadcast %add3A_577 : i32 to vector<16xi32>
        %add3A_579 = arith.constant 0 : i32
        %add3A_580 = arith.addi %add3A_579, %add3A_577 : i32
        %get3A_581 = arith.index_cast %add3A_580 : i32 to index
        %get3A_582 = arith.constant 0 : index
        %get3A_583 = tpu.vector_load %arg8[%get3A_581, %get3A_582] {strides = array<i32>} : memref<256x64xf32, #tpu.memory_space<vmem>>, vector<16xf32>,
        %mul3A_584 = arith.constant 8.000000e+00 : f32
        %mul3A_585 = vector.broadcast %mul3A_584 : f32 to vector<16xf32>
        %mul3A_586 = arith.mulf %get3A_583, %mul3A_585 : vector<16xf32>
        %add3A_587 = arith.addf %mul3A_586, %get3A_298 : vector<16xf32>
        %scatter3A_588 = arith.constant 0 : i32
        %scatter3A_589 = arith.constant 0 : i32
        %scatter3A_590 = arith.constant 0 : i32
        %scatter3A_591 = tpu.memref_slice %arg10[%scan3A_308, %scatter3A_588, %scatter3A_589, %scatter3A_590] : memref<2x8x8x133xf32, #tpu.memory_space<vmem>> -> memref<1x8x8x133xf32, #tpu.memory_space<vmem>>
        %scatter3A_592 = tpu.memref_squeeze %scatter3A_591 : memref<1x8x8x133xf32, #tpu.memory_space<vmem>> -> memref<8x8x133xf32, #tpu.memory_space<vmem>>
        tpu.vector_store_idx %scatter3A_592[%shift_right_arithmetic3A_16, %and3A_39, %broadcast_in_dim3A_578], %add3A_587 : memref<8x8x133xf32, #tpu.memory_space<vmem>>[vector<16xi32>, vector<16xi32>, vector<16xi32>], vector<16xf32>,
        %add3A_593 = arith.constant 0 : i32
        %add3A_594 = arith.addi %add3A_593, %add3A_577 : i32
        %get3A_595 = arith.index_cast %add3A_594 : i32 to index
        %get3A_596 = arith.constant 16 : index
        %get3A_597 = tpu.vector_load %arg8[%get3A_595, %get3A_596] {strides = array<i32>} : memref<256x64xf32, #tpu.memory_space<vmem>>, vector<16xf32>,
        %mul3A_598 = arith.constant 8.000000e+00 : f32
        %mul3A_599 = vector.broadcast %mul3A_598 : f32 to vector<16xf32>
        %mul3A_600 = arith.mulf %get3A_597, %mul3A_599 : vector<16xf32>
        %add3A_601 = arith.addf %mul3A_600, %get3A_301 : vector<16xf32>
        %scatter3A_602 = arith.constant 0 : i32
        %scatter3A_603 = arith.constant 0 : i32
        %scatter3A_604 = arith.constant 0 : i32
        %scatter3A_605 = tpu.memref_slice %arg10[%scan3A_308, %scatter3A_602, %scatter3A_603, %scatter3A_604] : memref<2x8x8x133xf32, #tpu.memory_space<vmem>> -> memref<1x8x8x133xf32, #tpu.memory_space<vmem>>
        %scatter3A_606 = tpu.memref_squeeze %scatter3A_605 : memref<1x8x8x133xf32, #tpu.memory_space<vmem>> -> memref<8x8x133xf32, #tpu.memory_space<vmem>>
        tpu.vector_store_idx %scatter3A_606[%shift_right_arithmetic3A_22, %and3A_45, %broadcast_in_dim3A_578], %add3A_601 : memref<8x8x133xf32, #tpu.memory_space<vmem>>[vector<16xi32>, vector<16xi32>, vector<16xi32>], vector<16xf32>,
        %add3A_607 = arith.constant 0 : i32
        %add3A_608 = arith.addi %add3A_607, %add3A_577 : i32
        %get3A_609 = arith.index_cast %add3A_608 : i32 to index
        %get3A_610 = arith.constant 32 : index
        %get3A_611 = tpu.vector_load %arg8[%get3A_609, %get3A_610] {strides = array<i32>} : memref<256x64xf32, #tpu.memory_space<vmem>>, vector<16xf32>,
        %mul3A_612 = arith.constant 8.000000e+00 : f32
        %mul3A_613 = vector.broadcast %mul3A_612 : f32 to vector<16xf32>
        %mul3A_614 = arith.mulf %get3A_611, %mul3A_613 : vector<16xf32>
        %add3A_615 = arith.addf %mul3A_614, %get3A_304 : vector<16xf32>
        %scatter3A_616 = arith.constant 0 : i32
        %scatter3A_617 = arith.constant 0 : i32
        %scatter3A_618 = arith.constant 0 : i32
        %scatter3A_619 = tpu.memref_slice %arg10[%scan3A_308, %scatter3A_616, %scatter3A_617, %scatter3A_618] : memref<2x8x8x133xf32, #tpu.memory_space<vmem>> -> memref<1x8x8x133xf32, #tpu.memory_space<vmem>>
        %scatter3A_620 = tpu.memref_squeeze %scatter3A_619 : memref<1x8x8x133xf32, #tpu.memory_space<vmem>> -> memref<8x8x133xf32, #tpu.memory_space<vmem>>
        tpu.vector_store_idx %scatter3A_620[%shift_right_arithmetic3A_28, %and3A_51, %broadcast_in_dim3A_578], %add3A_615 : memref<8x8x133xf32, #tpu.memory_space<vmem>>[vector<16xi32>, vector<16xi32>, vector<16xi32>], vector<16xf32>,
        %add3A_621 = arith.constant 0 : i32
        %add3A_622 = arith.addi %add3A_621, %add3A_577 : i32
        %get3A_623 = arith.index_cast %add3A_622 : i32 to index
        %get3A_624 = arith.constant 48 : index
        %get3A_625 = tpu.vector_load %arg8[%get3A_623, %get3A_624] {strides = array<i32>} : memref<256x64xf32, #tpu.memory_space<vmem>>, vector<16xf32>,
        %mul3A_626 = arith.constant 8.000000e+00 : f32
        %mul3A_627 = vector.broadcast %mul3A_626 : f32 to vector<16xf32>
        %mul3A_628 = arith.mulf %get3A_625, %mul3A_627 : vector<16xf32>
        %add3A_629 = arith.addf %mul3A_628, %get3A_307 : vector<16xf32>
        %scatter3A_630 = arith.constant 0 : i32
        %scatter3A_631 = arith.constant 0 : i32
        %scatter3A_632 = arith.constant 0 : i32
        %scatter3A_633 = tpu.memref_slice %arg10[%scan3A_308, %scatter3A_630, %scatter3A_631, %scatter3A_632] : memref<2x8x8x133xf32, #tpu.memory_space<vmem>> -> memref<1x8x8x133xf32, #tpu.memory_space<vmem>>
        %scatter3A_634 = tpu.memref_squeeze %scatter3A_633 : memref<1x8x8x133xf32, #tpu.memory_space<vmem>> -> memref<8x8x133xf32, #tpu.memory_space<vmem>>
        tpu.vector_store_idx %scatter3A_634[%shift_right_arithmetic3A_34, %and3A_57, %broadcast_in_dim3A_578], %add3A_629 : memref<8x8x133xf32, #tpu.memory_space<vmem>>[vector<16xi32>, vector<16xi32>, vector<16xi32>], vector<16xf32>,
      }
      %scan3A_313 = arith.constant 128 : i32
      %mul3A_314 = arith.constant 2 : i32
      %mul3A_315 = arith.muli %add3A_271, %mul3A_314 : i32
      %add3A_316 = arith.constant 1 : i32
      %add3A_317 = arith.addi %mul3A_315, %add3A_316 : i32
      %get3A_318 = arith.index_cast %add3A_317 : i32 to index
      %get3A_319 = arith.constant 0 : index
      %get3A_320 = tpu.vector_load %arg11[%get3A_318, %get3A_319] {strides = array<i32>} : memref<200x64xf32, #tpu.memory_space<vmem>>, vector<16xf32>,
      %get3A_321 = arith.index_cast %add3A_317 : i32 to index
      %get3A_322 = arith.constant 16 : index
      %get3A_323 = tpu.vector_load %arg11[%get3A_321, %get3A_322] {strides = array<i32>} : memref<200x64xf32, #tpu.memory_space<vmem>>, vector<16xf32>,
      %get3A_324 = arith.index_cast %add3A_317 : i32 to index
      %get3A_325 = arith.constant 32 : index
      %get3A_326 = tpu.vector_load %arg11[%get3A_324, %get3A_325] {strides = array<i32>} : memref<200x64xf32, #tpu.memory_space<vmem>>, vector<16xf32>,
      %get3A_327 = arith.index_cast %add3A_317 : i32 to index
      %get3A_328 = arith.constant 48 : index
      %get3A_329 = tpu.vector_load %arg11[%get3A_327, %get3A_328] {strides = array<i32>} : memref<200x64xf32, #tpu.memory_space<vmem>>, vector<16xf32>,
      %scan3A_330 = arith.constant 1 : i32
      %scan3A_331 = arith.constant 0 : i32
      %scan3A_332 = arith.constant 128 : i32
      %scan3A_333 = arith.addi %scan3A_331, %scan3A_332 : i32
      %scan3A_334 = arith.constant 4 : i32
      scf.for %scan3A_386 = %scan3A_331 to %scan3A_333 step %scan3A_334  : i32 {
        %mul3A_387 = arith.constant 1 : i32
        %mul3A_388 = arith.muli %scan3A_386, %mul3A_387 : i32
        %add3A_389 = arith.constant 0 : i32
        %add3A_390 = arith.addi %add3A_389, %mul3A_388 : i32
        %broadcast_in_dim3A = vector.broadcast %add3A_390 : i32 to vector<16xi32>
        %add3A_391 = arith.constant 128 : i32
        %add3A_392 = arith.addi %add3A_391, %add3A_390 : i32
        %get3A_393 = arith.index_cast %add3A_392 : i32 to index
        %get3A_394 = arith.constant 0 : index
        %get3A_395 = tpu.vector_load %arg8[%get3A_393, %get3A_394] {strides = array<i32>} : memref<256x64xf32, #tpu.memory_space<vmem>>, vector<16xf32>,
        %mul3A_396 = arith.constant 8.000000e+00 : f32
        %mul3A_397 = vector.broadcast %mul3A_396 : f32 to vector<16xf32>
        %mul3A_398 = arith.mulf %get3A_395, %mul3A_397 : vector<16xf32>
        %add3A_399 = arith.addf %mul3A_398, %get3A_320 : vector<16xf32>
        %scatter3A = arith.constant 0 : i32
        %scatter3A_400 = arith.constant 0 : i32
        %scatter3A_401 = arith.constant 0 : i32
        %scatter3A_402 = tpu.memref_slice %arg10[%scan3A_330, %scatter3A, %scatter3A_400, %scatter3A_401] : memref<2x8x8x133xf32, #tpu.memory_space<vmem>> -> memref<1x8x8x133xf32, #tpu.memory_space<vmem>>
        %scatter3A_403 = tpu.memref_squeeze %scatter3A_402 : memref<1x8x8x133xf32, #tpu.memory_space<vmem>> -> memref<8x8x133xf32, #tpu.memory_space<vmem>>
        tpu.vector_store_idx %scatter3A_403[%shift_right_arithmetic3A_16, %and3A_39, %broadcast_in_dim3A], %add3A_399 : memref<8x8x133xf32, #tpu.memory_space<vmem>>[vector<16xi32>, vector<16xi32>, vector<16xi32>], vector<16xf32>,
        %add3A_404 = arith.constant 128 : i32
        %add3A_405 = arith.addi %add3A_404, %add3A_390 : i32
        %get3A_406 = arith.index_cast %add3A_405 : i32 to index
        %get3A_407 = arith.constant 16 : index
        %get3A_408 = tpu.vector_load %arg8[%get3A_406, %get3A_407] {strides = array<i32>} : memref<256x64xf32, #tpu.memory_space<vmem>>, vector<16xf32>,
        %mul3A_409 = arith.constant 8.000000e+00 : f32
        %mul3A_410 = vector.broadcast %mul3A_409 : f32 to vector<16xf32>
        %mul3A_411 = arith.mulf %get3A_408, %mul3A_410 : vector<16xf32>
        %add3A_412 = arith.addf %mul3A_411, %get3A_323 : vector<16xf32>
        %scatter3A_413 = arith.constant 0 : i32
        %scatter3A_414 = arith.constant 0 : i32
        %scatter3A_415 = arith.constant 0 : i32
        %scatter3A_416 = tpu.memref_slice %arg10[%scan3A_330, %scatter3A_413, %scatter3A_414, %scatter3A_415] : memref<2x8x8x133xf32, #tpu.memory_space<vmem>> -> memref<1x8x8x133xf32, #tpu.memory_space<vmem>>
        %scatter3A_417 = tpu.memref_squeeze %scatter3A_416 : memref<1x8x8x133xf32, #tpu.memory_space<vmem>> -> memref<8x8x133xf32, #tpu.memory_space<vmem>>
        tpu.vector_store_idx %scatter3A_417[%shift_right_arithmetic3A_22, %and3A_45, %broadcast_in_dim3A], %add3A_412 : memref<8x8x133xf32, #tpu.memory_space<vmem>>[vector<16xi32>, vector<16xi32>, vector<16xi32>], vector<16xf32>,
        %add3A_418 = arith.constant 128 : i32
        %add3A_419 = arith.addi %add3A_418, %add3A_390 : i32
        %get3A_420 = arith.index_cast %add3A_419 : i32 to index
        %get3A_421 = arith.constant 32 : index
        %get3A_422 = tpu.vector_load %arg8[%get3A_420, %get3A_421] {strides = array<i32>} : memref<256x64xf32, #tpu.memory_space<vmem>>, vector<16xf32>,
        %mul3A_423 = arith.constant 8.000000e+00 : f32
        %mul3A_424 = vector.broadcast %mul3A_423 : f32 to vector<16xf32>
        %mul3A_425 = arith.mulf %get3A_422, %mul3A_424 : vector<16xf32>
        %add3A_426 = arith.addf %mul3A_425, %get3A_326 : vector<16xf32>
        %scatter3A_427 = arith.constant 0 : i32
        %scatter3A_428 = arith.constant 0 : i32
        %scatter3A_429 = arith.constant 0 : i32
        %scatter3A_430 = tpu.memref_slice %arg10[%scan3A_330, %scatter3A_427, %scatter3A_428, %scatter3A_429] : memref<2x8x8x133xf32, #tpu.memory_space<vmem>> -> memref<1x8x8x133xf32, #tpu.memory_space<vmem>>
        %scatter3A_431 = tpu.memref_squeeze %scatter3A_430 : memref<1x8x8x133xf32, #tpu.memory_space<vmem>> -> memref<8x8x133xf32, #tpu.memory_space<vmem>>
        tpu.vector_store_idx %scatter3A_431[%shift_right_arithmetic3A_28, %and3A_51, %broadcast_in_dim3A], %add3A_426 : memref<8x8x133xf32, #tpu.memory_space<vmem>>[vector<16xi32>, vector<16xi32>, vector<16xi32>], vector<16xf32>,
        %add3A_432 = arith.constant 128 : i32
        %add3A_433 = arith.addi %add3A_432, %add3A_390 : i32
        %get3A_434 = arith.index_cast %add3A_433 : i32 to index
        %get3A_435 = arith.constant 48 : index
        %get3A_436 = tpu.vector_load %arg8[%get3A_434, %get3A_435] {strides = array<i32>} : memref<256x64xf32, #tpu.memory_space<vmem>>, vector<16xf32>,
        %mul3A_437 = arith.constant 8.000000e+00 : f32
        %mul3A_438 = vector.broadcast %mul3A_437 : f32 to vector<16xf32>
        %mul3A_439 = arith.mulf %get3A_436, %mul3A_438 : vector<16xf32>
        %add3A_440 = arith.addf %mul3A_439, %get3A_329 : vector<16xf32>
        %scatter3A_441 = arith.constant 0 : i32
        %scatter3A_442 = arith.constant 0 : i32
        %scatter3A_443 = arith.constant 0 : i32
        %scatter3A_444 = tpu.memref_slice %arg10[%scan3A_330, %scatter3A_441, %scatter3A_442, %scatter3A_443] : memref<2x8x8x133xf32, #tpu.memory_space<vmem>> -> memref<1x8x8x133xf32, #tpu.memory_space<vmem>>
        %scatter3A_445 = tpu.memref_squeeze %scatter3A_444 : memref<1x8x8x133xf32, #tpu.memory_space<vmem>> -> memref<8x8x133xf32, #tpu.memory_space<vmem>>
        tpu.vector_store_idx %scatter3A_445[%shift_right_arithmetic3A_34, %and3A_57, %broadcast_in_dim3A], %add3A_440 : memref<8x8x133xf32, #tpu.memory_space<vmem>>[vector<16xi32>, vector<16xi32>, vector<16xi32>], vector<16xf32>,
        %scan3A_446 = arith.constant 1 : i32
        %scan3A_447 = arith.addi %scan3A_386, %scan3A_446 : i32
        %mul3A_448 = arith.constant 1 : i32
        %mul3A_449 = arith.muli %scan3A_447, %mul3A_448 : i32
        %add3A_450 = arith.constant 0 : i32
        %add3A_451 = arith.addi %add3A_450, %mul3A_449 : i32
        %broadcast_in_dim3A_452 = vector.broadcast %add3A_451 : i32 to vector<16xi32>
        %add3A_453 = arith.constant 128 : i32
        %add3A_454 = arith.addi %add3A_453, %add3A_451 : i32
        %get3A_455 = arith.index_cast %add3A_454 : i32 to index
        %get3A_456 = arith.constant 0 : index
        %get3A_457 = tpu.vector_load %arg8[%get3A_455, %get3A_456] {strides = array<i32>} : memref<256x64xf32, #tpu.memory_space<vmem>>, vector<16xf32>,
        %mul3A_458 = arith.constant 8.000000e+00 : f32
        %mul3A_459 = vector.broadcast %mul3A_458 : f32 to vector<16xf32>
        %mul3A_460 = arith.mulf %get3A_457, %mul3A_459 : vector<16xf32>
        %add3A_461 = arith.addf %mul3A_460, %get3A_320 : vector<16xf32>
        %scatter3A_462 = arith.constant 0 : i32
        %scatter3A_463 = arith.constant 0 : i32
        %scatter3A_464 = arith.constant 0 : i32
        %scatter3A_465 = tpu.memref_slice %arg10[%scan3A_330, %scatter3A_462, %scatter3A_463, %scatter3A_464] : memref<2x8x8x133xf32, #tpu.memory_space<vmem>> -> memref<1x8x8x133xf32, #tpu.memory_space<vmem>>
        %scatter3A_466 = tpu.memref_squeeze %scatter3A_465 : memref<1x8x8x133xf32, #tpu.memory_space<vmem>> -> memref<8x8x133xf32, #tpu.memory_space<vmem>>
        tpu.vector_store_idx %scatter3A_466[%shift_right_arithmetic3A_16, %and3A_39, %broadcast_in_dim3A_452], %add3A_461 : memref<8x8x133xf32, #tpu.memory_space<vmem>>[vector<16xi32>, vector<16xi32>, vector<16xi32>], vector<16xf32>,
        %add3A_467 = arith.constant 128 : i32
        %add3A_468 = arith.addi %add3A_467, %add3A_451 : i32
        %get3A_469 = arith.index_cast %add3A_468 : i32 to index
        %get3A_470 = arith.constant 16 : index
        %get3A_471 = tpu.vector_load %arg8[%get3A_469, %get3A_470] {strides = array<i32>} : memref<256x64xf32, #tpu.memory_space<vmem>>, vector<16xf32>,
        %mul3A_472 = arith.constant 8.000000e+00 : f32
        %mul3A_473 = vector.broadcast %mul3A_472 : f32 to vector<16xf32>
        %mul3A_474 = arith.mulf %get3A_471, %mul3A_473 : vector<16xf32>
        %add3A_475 = arith.addf %mul3A_474, %get3A_323 : vector<16xf32>
        %scatter3A_476 = arith.constant 0 : i32
        %scatter3A_477 = arith.constant 0 : i32
        %scatter3A_478 = arith.constant 0 : i32
        %scatter3A_479 = tpu.memref_slice %arg10[%scan3A_330, %scatter3A_476, %scatter3A_477, %scatter3A_478] : memref<2x8x8x133xf32, #tpu.memory_space<vmem>> -> memref<1x8x8x133xf32, #tpu.memory_space<vmem>>
        %scatter3A_480 = tpu.memref_squeeze %scatter3A_479 : memref<1x8x8x133xf32, #tpu.memory_space<vmem>> -> memref<8x8x133xf32, #tpu.memory_space<vmem>>
        tpu.vector_store_idx %scatter3A_480[%shift_right_arithmetic3A_22, %and3A_45, %broadcast_in_dim3A_452], %add3A_475 : memref<8x8x133xf32, #tpu.memory_space<vmem>>[vector<16xi32>, vector<16xi32>, vector<16xi32>], vector<16xf32>,
        %add3A_481 = arith.constant 128 : i32
        %add3A_482 = arith.addi %add3A_481, %add3A_451 : i32
        %get3A_483 = arith.index_cast %add3A_482 : i32 to index
        %get3A_484 = arith.constant 32 : index
        %get3A_485 = tpu.vector_load %arg8[%get3A_483, %get3A_484] {strides = array<i32>} : memref<256x64xf32, #tpu.memory_space<vmem>>, vector<16xf32>,
        %mul3A_486 = arith.constant 8.000000e+00 : f32
        %mul3A_487 = vector.broadcast %mul3A_486 : f32 to vector<16xf32>
        %mul3A_488 = arith.mulf %get3A_485, %mul3A_487 : vector<16xf32>
        %add3A_489 = arith.addf %mul3A_488, %get3A_326 : vector<16xf32>
        %scatter3A_490 = arith.constant 0 : i32
        %scatter3A_491 = arith.constant 0 : i32
        %scatter3A_492 = arith.constant 0 : i32
        %scatter3A_493 = tpu.memref_slice %arg10[%scan3A_330, %scatter3A_490, %scatter3A_491, %scatter3A_492] : memref<2x8x8x133xf32, #tpu.memory_space<vmem>> -> memref<1x8x8x133xf32, #tpu.memory_space<vmem>>
        %scatter3A_494 = tpu.memref_squeeze %scatter3A_493 : memref<1x8x8x133xf32, #tpu.memory_space<vmem>> -> memref<8x8x133xf32, #tpu.memory_space<vmem>>
        tpu.vector_store_idx %scatter3A_494[%shift_right_arithmetic3A_28, %and3A_51, %broadcast_in_dim3A_452], %add3A_489 : memref<8x8x133xf32, #tpu.memory_space<vmem>>[vector<16xi32>, vector<16xi32>, vector<16xi32>], vector<16xf32>,
        %add3A_495 = arith.constant 128 : i32
        %add3A_496 = arith.addi %add3A_495, %add3A_451 : i32
        %get3A_497 = arith.index_cast %add3A_496 : i32 to index
        %get3A_498 = arith.constant 48 : index
        %get3A_499 = tpu.vector_load %arg8[%get3A_497, %get3A_498] {strides = array<i32>} : memref<256x64xf32, #tpu.memory_space<vmem>>, vector<16xf32>,
        %mul3A_500 = arith.constant 8.000000e+00 : f32
        %mul3A_501 = vector.broadcast %mul3A_500 : f32 to vector<16xf32>
        %mul3A_502 = arith.mulf %get3A_499, %mul3A_501 : vector<16xf32>
        %add3A_503 = arith.addf %mul3A_502, %get3A_329 : vector<16xf32>
        %scatter3A_504 = arith.constant 0 : i32
        %scatter3A_505 = arith.constant 0 : i32
        %scatter3A_506 = arith.constant 0 : i32
        %scatter3A_507 = tpu.memref_slice %arg10[%scan3A_330, %scatter3A_504, %scatter3A_505, %scatter3A_506] : memref<2x8x8x133xf32, #tpu.memory_space<vmem>> -> memref<1x8x8x133xf32, #tpu.memory_space<vmem>>
        %scatter3A_508 = tpu.memref_squeeze %scatter3A_507 : memref<1x8x8x133xf32, #tpu.memory_space<vmem>> -> memref<8x8x133xf32, #tpu.memory_space<vmem>>
        tpu.vector_store_idx %scatter3A_508[%shift_right_arithmetic3A_34, %and3A_57, %broadcast_in_dim3A_452], %add3A_503 : memref<8x8x133xf32, #tpu.memory_space<vmem>>[vector<16xi32>, vector<16xi32>, vector<16xi32>], vector<16xf32>,
        %scan3A_509 = arith.constant 2 : i32
        %scan3A_510 = arith.addi %scan3A_386, %scan3A_509 : i32
        %mul3A_511 = arith.constant 1 : i32
        %mul3A_512 = arith.muli %scan3A_510, %mul3A_511 : i32
        %add3A_513 = arith.constant 0 : i32
        %add3A_514 = arith.addi %add3A_513, %mul3A_512 : i32
        %broadcast_in_dim3A_515 = vector.broadcast %add3A_514 : i32 to vector<16xi32>
        %add3A_516 = arith.constant 128 : i32
        %add3A_517 = arith.addi %add3A_516, %add3A_514 : i32
        %get3A_518 = arith.index_cast %add3A_517 : i32 to index
        %get3A_519 = arith.constant 0 : index
        %get3A_520 = tpu.vector_load %arg8[%get3A_518, %get3A_519] {strides = array<i32>} : memref<256x64xf32, #tpu.memory_space<vmem>>, vector<16xf32>,
        %mul3A_521 = arith.constant 8.000000e+00 : f32
        %mul3A_522 = vector.broadcast %mul3A_521 : f32 to vector<16xf32>
        %mul3A_523 = arith.mulf %get3A_520, %mul3A_522 : vector<16xf32>
        %add3A_524 = arith.addf %mul3A_523, %get3A_320 : vector<16xf32>
        %scatter3A_525 = arith.constant 0 : i32
        %scatter3A_526 = arith.constant 0 : i32
        %scatter3A_527 = arith.constant 0 : i32
        %scatter3A_528 = tpu.memref_slice %arg10[%scan3A_330, %scatter3A_525, %scatter3A_526, %scatter3A_527] : memref<2x8x8x133xf32, #tpu.memory_space<vmem>> -> memref<1x8x8x133xf32, #tpu.memory_space<vmem>>
        %scatter3A_529 = tpu.memref_squeeze %scatter3A_528 : memref<1x8x8x133xf32, #tpu.memory_space<vmem>> -> memref<8x8x133xf32, #tpu.memory_space<vmem>>
        tpu.vector_store_idx %scatter3A_529[%shift_right_arithmetic3A_16, %and3A_39, %broadcast_in_dim3A_515], %add3A_524 : memref<8x8x133xf32, #tpu.memory_space<vmem>>[vector<16xi32>, vector<16xi32>, vector<16xi32>], vector<16xf32>,
        %add3A_530 = arith.constant 128 : i32
        %add3A_531 = arith.addi %add3A_530, %add3A_514 : i32
        %get3A_532 = arith.index_cast %add3A_531 : i32 to index
        %get3A_533 = arith.constant 16 : index
        %get3A_534 = tpu.vector_load %arg8[%get3A_532, %get3A_533] {strides = array<i32>} : memref<256x64xf32, #tpu.memory_space<vmem>>, vector<16xf32>,
        %mul3A_535 = arith.constant 8.000000e+00 : f32
        %mul3A_536 = vector.broadcast %mul3A_535 : f32 to vector<16xf32>
        %mul3A_537 = arith.mulf %get3A_534, %mul3A_536 : vector<16xf32>
        %add3A_538 = arith.addf %mul3A_537, %get3A_323 : vector<16xf32>
        %scatter3A_539 = arith.constant 0 : i32
        %scatter3A_540 = arith.constant 0 : i32
        %scatter3A_541 = arith.constant 0 : i32
        %scatter3A_542 = tpu.memref_slice %arg10[%scan3A_330, %scatter3A_539, %scatter3A_540, %scatter3A_541] : memref<2x8x8x133xf32, #tpu.memory_space<vmem>> -> memref<1x8x8x133xf32, #tpu.memory_space<vmem>>
        %scatter3A_543 = tpu.memref_squeeze %scatter3A_542 : memref<1x8x8x133xf32, #tpu.memory_space<vmem>> -> memref<8x8x133xf32, #tpu.memory_space<vmem>>
        tpu.vector_store_idx %scatter3A_543[%shift_right_arithmetic3A_22, %and3A_45, %broadcast_in_dim3A_515], %add3A_538 : memref<8x8x133xf32, #tpu.memory_space<vmem>>[vector<16xi32>, vector<16xi32>, vector<16xi32>], vector<16xf32>,
        %add3A_544 = arith.constant 128 : i32
        %add3A_545 = arith.addi %add3A_544, %add3A_514 : i32
        %get3A_546 = arith.index_cast %add3A_545 : i32 to index
        %get3A_547 = arith.constant 32 : index
        %get3A_548 = tpu.vector_load %arg8[%get3A_546, %get3A_547] {strides = array<i32>} : memref<256x64xf32, #tpu.memory_space<vmem>>, vector<16xf32>,
        %mul3A_549 = arith.constant 8.000000e+00 : f32
        %mul3A_550 = vector.broadcast %mul3A_549 : f32 to vector<16xf32>
        %mul3A_551 = arith.mulf %get3A_548, %mul3A_550 : vector<16xf32>
        %add3A_552 = arith.addf %mul3A_551, %get3A_326 : vector<16xf32>
        %scatter3A_553 = arith.constant 0 : i32
        %scatter3A_554 = arith.constant 0 : i32
        %scatter3A_555 = arith.constant 0 : i32
        %scatter3A_556 = tpu.memref_slice %arg10[%scan3A_330, %scatter3A_553, %scatter3A_554, %scatter3A_555] : memref<2x8x8x133xf32, #tpu.memory_space<vmem>> -> memref<1x8x8x133xf32, #tpu.memory_space<vmem>>
        %scatter3A_557 = tpu.memref_squeeze %scatter3A_556 : memref<1x8x8x133xf32, #tpu.memory_space<vmem>> -> memref<8x8x133xf32, #tpu.memory_space<vmem>>
        tpu.vector_store_idx %scatter3A_557[%shift_right_arithmetic3A_28, %and3A_51, %broadcast_in_dim3A_515], %add3A_552 : memref<8x8x133xf32, #tpu.memory_space<vmem>>[vector<16xi32>, vector<16xi32>, vector<16xi32>], vector<16xf32>,
        %add3A_558 = arith.constant 128 : i32
        %add3A_559 = arith.addi %add3A_558, %add3A_514 : i32
        %get3A_560 = arith.index_cast %add3A_559 : i32 to index
        %get3A_561 = arith.constant 48 : index
        %get3A_562 = tpu.vector_load %arg8[%get3A_560, %get3A_561] {strides = array<i32>} : memref<256x64xf32, #tpu.memory_space<vmem>>, vector<16xf32>,
        %mul3A_563 = arith.constant 8.000000e+00 : f32
        %mul3A_564 = vector.broadcast %mul3A_563 : f32 to vector<16xf32>
        %mul3A_565 = arith.mulf %get3A_562, %mul3A_564 : vector<16xf32>
        %add3A_566 = arith.addf %mul3A_565, %get3A_329 : vector<16xf32>
        %scatter3A_567 = arith.constant 0 : i32
        %scatter3A_568 = arith.constant 0 : i32
        %scatter3A_569 = arith.constant 0 : i32
        %scatter3A_570 = tpu.memref_slice %arg10[%scan3A_330, %scatter3A_567, %scatter3A_568, %scatter3A_569] : memref<2x8x8x133xf32, #tpu.memory_space<vmem>> -> memref<1x8x8x133xf32, #tpu.memory_space<vmem>>
        %scatter3A_571 = tpu.memref_squeeze %scatter3A_570 : memref<1x8x8x133xf32, #tpu.memory_space<vmem>> -> memref<8x8x133xf32, #tpu.memory_space<vmem>>
        tpu.vector_store_idx %scatter3A_571[%shift_right_arithmetic3A_34, %and3A_57, %broadcast_in_dim3A_515], %add3A_566 : memref<8x8x133xf32, #tpu.memory_space<vmem>>[vector<16xi32>, vector<16xi32>, vector<16xi32>], vector<16xf32>,
        %scan3A_572 = arith.constant 3 : i32
        %scan3A_573 = arith.addi %scan3A_386, %scan3A_572 : i32
        %mul3A_574 = arith.constant 1 : i32
        %mul3A_575 = arith.muli %scan3A_573, %mul3A_574 : i32
        %add3A_576 = arith.constant 0 : i32
        %add3A_577 = arith.addi %add3A_576, %mul3A_575 : i32
        %broadcast_in_dim3A_578 = vector.broadcast %add3A_577 : i32 to vector<16xi32>
        %add3A_579 = arith.constant 128 : i32
        %add3A_580 = arith.addi %add3A_579, %add3A_577 : i32
        %get3A_581 = arith.index_cast %add3A_580 : i32 to index
        %get3A_582 = arith.constant 0 : index
        %get3A_583 = tpu.vector_load %arg8[%get3A_581, %get3A_582] {strides = array<i32>} : memref<256x64xf32, #tpu.memory_space<vmem>>, vector<16xf32>,
        %mul3A_584 = arith.constant 8.000000e+00 : f32
        %mul3A_585 = vector.broadcast %mul3A_584 : f32 to vector<16xf32>
        %mul3A_586 = arith.mulf %get3A_583, %mul3A_585 : vector<16xf32>
        %add3A_587 = arith.addf %mul3A_586, %get3A_320 : vector<16xf32>
        %scatter3A_588 = arith.constant 0 : i32
        %scatter3A_589 = arith.constant 0 : i32
        %scatter3A_590 = arith.constant 0 : i32
        %scatter3A_591 = tpu.memref_slice %arg10[%scan3A_330, %scatter3A_588, %scatter3A_589, %scatter3A_590] : memref<2x8x8x133xf32, #tpu.memory_space<vmem>> -> memref<1x8x8x133xf32, #tpu.memory_space<vmem>>
        %scatter3A_592 = tpu.memref_squeeze %scatter3A_591 : memref<1x8x8x133xf32, #tpu.memory_space<vmem>> -> memref<8x8x133xf32, #tpu.memory_space<vmem>>
        tpu.vector_store_idx %scatter3A_592[%shift_right_arithmetic3A_16, %and3A_39, %broadcast_in_dim3A_578], %add3A_587 : memref<8x8x133xf32, #tpu.memory_space<vmem>>[vector<16xi32>, vector<16xi32>, vector<16xi32>], vector<16xf32>,
        %add3A_593 = arith.constant 128 : i32
        %add3A_594 = arith.addi %add3A_593, %add3A_577 : i32
        %get3A_595 = arith.index_cast %add3A_594 : i32 to index
        %get3A_596 = arith.constant 16 : index
        %get3A_597 = tpu.vector_load %arg8[%get3A_595, %get3A_596] {strides = array<i32>} : memref<256x64xf32, #tpu.memory_space<vmem>>, vector<16xf32>,
        %mul3A_598 = arith.constant 8.000000e+00 : f32
        %mul3A_599 = vector.broadcast %mul3A_598 : f32 to vector<16xf32>
        %mul3A_600 = arith.mulf %get3A_597, %mul3A_599 : vector<16xf32>
        %add3A_601 = arith.addf %mul3A_600, %get3A_323 : vector<16xf32>
        %scatter3A_602 = arith.constant 0 : i32
        %scatter3A_603 = arith.constant 0 : i32
        %scatter3A_604 = arith.constant 0 : i32
        %scatter3A_605 = tpu.memref_slice %arg10[%scan3A_330, %scatter3A_602, %scatter3A_603, %scatter3A_604] : memref<2x8x8x133xf32, #tpu.memory_space<vmem>> -> memref<1x8x8x133xf32, #tpu.memory_space<vmem>>
        %scatter3A_606 = tpu.memref_squeeze %scatter3A_605 : memref<1x8x8x133xf32, #tpu.memory_space<vmem>> -> memref<8x8x133xf32, #tpu.memory_space<vmem>>
        tpu.vector_store_idx %scatter3A_606[%shift_right_arithmetic3A_22, %and3A_45, %broadcast_in_dim3A_578], %add3A_601 : memref<8x8x133xf32, #tpu.memory_space<vmem>>[vector<16xi32>, vector<16xi32>, vector<16xi32>], vector<16xf32>,
        %add3A_607 = arith.constant 128 : i32
        %add3A_608 = arith.addi %add3A_607, %add3A_577 : i32
        %get3A_609 = arith.index_cast %add3A_608 : i32 to index
        %get3A_610 = arith.constant 32 : index
        %get3A_611 = tpu.vector_load %arg8[%get3A_609, %get3A_610] {strides = array<i32>} : memref<256x64xf32, #tpu.memory_space<vmem>>, vector<16xf32>,
        %mul3A_612 = arith.constant 8.000000e+00 : f32
        %mul3A_613 = vector.broadcast %mul3A_612 : f32 to vector<16xf32>
        %mul3A_614 = arith.mulf %get3A_611, %mul3A_613 : vector<16xf32>
        %add3A_615 = arith.addf %mul3A_614, %get3A_326 : vector<16xf32>
        %scatter3A_616 = arith.constant 0 : i32
        %scatter3A_617 = arith.constant 0 : i32
        %scatter3A_618 = arith.constant 0 : i32
        %scatter3A_619 = tpu.memref_slice %arg10[%scan3A_330, %scatter3A_616, %scatter3A_617, %scatter3A_618] : memref<2x8x8x133xf32, #tpu.memory_space<vmem>> -> memref<1x8x8x133xf32, #tpu.memory_space<vmem>>
        %scatter3A_620 = tpu.memref_squeeze %scatter3A_619 : memref<1x8x8x133xf32, #tpu.memory_space<vmem>> -> memref<8x8x133xf32, #tpu.memory_space<vmem>>
        tpu.vector_store_idx %scatter3A_620[%shift_right_arithmetic3A_28, %and3A_51, %broadcast_in_dim3A_578], %add3A_615 : memref<8x8x133xf32, #tpu.memory_space<vmem>>[vector<16xi32>, vector<16xi32>, vector<16xi32>], vector<16xf32>,
        %add3A_621 = arith.constant 128 : i32
        %add3A_622 = arith.addi %add3A_621, %add3A_577 : i32
        %get3A_623 = arith.index_cast %add3A_622 : i32 to index
        %get3A_624 = arith.constant 48 : index
        %get3A_625 = tpu.vector_load %arg8[%get3A_623, %get3A_624] {strides = array<i32>} : memref<256x64xf32, #tpu.memory_space<vmem>>, vector<16xf32>,
        %mul3A_626 = arith.constant 8.000000e+00 : f32
        %mul3A_627 = vector.broadcast %mul3A_626 : f32 to vector<16xf32>
        %mul3A_628 = arith.mulf %get3A_625, %mul3A_627 : vector<16xf32>
        %add3A_629 = arith.addf %mul3A_628, %get3A_329 : vector<16xf32>
        %scatter3A_630 = arith.constant 0 : i32
        %scatter3A_631 = arith.constant 0 : i32
        %scatter3A_632 = arith.constant 0 : i32
        %scatter3A_633 = tpu.memref_slice %arg10[%scan3A_330, %scatter3A_630, %scatter3A_631, %scatter3A_632] : memref<2x8x8x133xf32, #tpu.memory_space<vmem>> -> memref<1x8x8x133xf32, #tpu.memory_space<vmem>>
        %scatter3A_634 = tpu.memref_squeeze %scatter3A_633 : memref<1x8x8x133xf32, #tpu.memory_space<vmem>> -> memref<8x8x133xf32, #tpu.memory_space<vmem>>
        tpu.vector_store_idx %scatter3A_634[%shift_right_arithmetic3A_34, %and3A_57, %broadcast_in_dim3A_578], %add3A_629 : memref<8x8x133xf32, #tpu.memory_space<vmem>>[vector<16xi32>, vector<16xi32>, vector<16xi32>], vector<16xf32>,
      }
      %scan3A_335 = arith.constant 128 : i32
      %mul3A_336 = arith.constant 2 : i32
      %mul3A_337 = arith.muli %add3A_271, %mul3A_336 : i32
      %add3A_338 = arith.constant 0 : i32
      %add3A_339 = arith.addi %mul3A_337, %add3A_338 : i32
      %dma_start3A_340 = arith.constant 0 : i32
      %dma_start3A_341 = arith.constant 0 : i32
      %dma_start3A_342 = arith.constant 0 : i32
      %dma_start3A_343 = arith.constant 0 : i32
      %dma_start3A_344 = tpu.memref_slice %arg10[%dma_start3A_340, %dma_start3A_341, %dma_start3A_342, %dma_start3A_343] : memref<2x8x8x133xf32, #tpu.memory_space<vmem>> -> memref<1x8x8x128xf32, #tpu.memory_space<vmem>>
      %dma_start3A_345 = tpu.memref_squeeze %dma_start3A_344 : memref<1x8x8x128xf32, #tpu.memory_space<vmem>> -> memref<8x8x128xf32, #tpu.memory_space<vmem>>
      %dma_start3A_346 = arith.constant 0 : i32
      %dma_start3A_347 = arith.constant 0 : i32
      %dma_start3A_348 = arith.constant 0 : i32
      %dma_start3A_349 = tpu.memref_slice %arg5[%add3A_339, %dma_start3A_346, %add3A, %dma_start3A_347, %dma_start3A_348] : memref<200x8x32x8x128xf32, #tpu.memory_space<hbm>> -> memref<1x8x1x8x128xf32, #tpu.memory_space<hbm>>
      %dma_start3A_350 = tpu.memref_squeeze %dma_start3A_349 : memref<1x8x1x8x128xf32, #tpu.memory_space<hbm>> -> memref<8x8x128xf32, #tpu.memory_space<hbm>>
      %dma_start3A_351 = arith.constant 0 : i32
      %dma_start3A_352 = arith.constant 0 : i32
      %dma_start3A_353 = arith.constant 0 : i32
      %dma_start3A_354 = tpu.memref_slice %arg5[%add3A_339, %dma_start3A_351, %add3A, %dma_start3A_352, %dma_start3A_353] : memref<200x8x32x8x128xf32, #tpu.memory_space<hbm>> -> memref<1x8x1x8x128xf32, #tpu.memory_space<hbm>>
      %dma_start3A_355 = tpu.memref_squeeze %dma_start3A_354 : memref<1x8x1x8x128xf32, #tpu.memory_space<hbm>> -> memref<8x8x128xf32, #tpu.memory_space<hbm>>
      %dma_start3A_356 = arith.constant 0 : i32
      %dma_start3A_357 = arith.constant 0 : i32
      %dma_start3A_358 = arith.constant 0 : i32
      %dma_start3A_359 = tpu.memref_slice %arg10[%dma_start3A_340, %dma_start3A_356, %dma_start3A_357, %dma_start3A_358] : memref<2x8x8x133xf32, #tpu.memory_space<vmem>> -> memref<1x8x8x128xf32, #tpu.memory_space<vmem>>
      %dma_start3A_360 = tpu.memref_squeeze %dma_start3A_359 : memref<1x8x8x128xf32, #tpu.memory_space<vmem>> -> memref<8x8x128xf32, #tpu.memory_space<vmem>>
      tpu.enqueue_dma source(%dma_start3A_360 : memref<8x8x128xf32, #tpu.memory_space<vmem>>) target(%dma_start3A_355 : memref<8x8x128xf32, #tpu.memory_space<hbm>>) target_semaphore(%arg15 : memref<!tpu.dma_semaphore, #tpu.memory_space<semaphore_mem>>)
      %mul3A_361 = arith.constant 2 : i32
      %mul3A_362 = arith.muli %add3A_271, %mul3A_361 : i32
      %add3A_363 = arith.constant 1 : i32
      %add3A_364 = arith.addi %mul3A_362, %add3A_363 : i32
      %dma_start3A_365 = arith.constant 1 : i32
      %dma_start3A_366 = arith.constant 0 : i32
      %dma_start3A_367 = arith.constant 0 : i32
      %dma_start3A_368 = arith.constant 0 : i32
      %dma_start3A_369 = tpu.memref_slice %arg10[%dma_start3A_365, %dma_start3A_366, %dma_start3A_367, %dma_start3A_368] : memref<2x8x8x133xf32, #tpu.memory_space<vmem>> -> memref<1x8x8x128xf32, #tpu.memory_space<vmem>>
      %dma_start3A_370 = tpu.memref_squeeze %dma_start3A_369 : memref<1x8x8x128xf32, #tpu.memory_space<vmem>> -> memref<8x8x128xf32, #tpu.memory_space<vmem>>
      %dma_start3A_371 = arith.constant 0 : i32
      %dma_start3A_372 = arith.constant 0 : i32
      %dma_start3A_373 = arith.constant 0 : i32
      %dma_start3A_374 = tpu.memref_slice %arg5[%add3A_364, %dma_start3A_371, %add3A, %dma_start3A_372, %dma_start3A_373] : memref<200x8x32x8x128xf32, #tpu.memory_space<hbm>> -> memref<1x8x1x8x128xf32, #tpu.memory_space<hbm>>
      %dma_start3A_375 = tpu.memref_squeeze %dma_start3A_374 : memref<1x8x1x8x128xf32, #tpu.memory_space<hbm>> -> memref<8x8x128xf32, #tpu.memory_space<hbm>>
      %dma_start3A_376 = arith.constant 0 : i32
      %dma_start3A_377 = arith.constant 0 : i32
      %dma_start3A_378 = arith.constant 0 : i32
      %dma_start3A_379 = tpu.memref_slice %arg5[%add3A_364, %dma_start3A_376, %add3A, %dma_start3A_377, %dma_start3A_378] : memref<200x8x32x8x128xf32, #tpu.memory_space<hbm>> -> memref<1x8x1x8x128xf32, #tpu.memory_space<hbm>>
      %dma_start3A_380 = tpu.memref_squeeze %dma_start3A_379 : memref<1x8x1x8x128xf32, #tpu.memory_space<hbm>> -> memref<8x8x128xf32, #tpu.memory_space<hbm>>
      %dma_start3A_381 = arith.constant 0 : i32
      %dma_start3A_382 = arith.constant 0 : i32
      %dma_start3A_383 = arith.constant 0 : i32
      %dma_start3A_384 = tpu.memref_slice %arg10[%dma_start3A_365, %dma_start3A_381, %dma_start3A_382, %dma_start3A_383] : memref<2x8x8x133xf32, #tpu.memory_space<vmem>> -> memref<1x8x8x128xf32, #tpu.memory_space<vmem>>
      %dma_start3A_385 = tpu.memref_squeeze %dma_start3A_384 : memref<1x8x8x128xf32, #tpu.memory_space<vmem>> -> memref<8x8x128xf32, #tpu.memory_space<vmem>>
      tpu.enqueue_dma source(%dma_start3A_385 : memref<8x8x128xf32, #tpu.memory_space<vmem>>) target(%dma_start3A_380 : memref<8x8x128xf32, #tpu.memory_space<hbm>>) target_semaphore(%arg15 : memref<!tpu.dma_semaphore, #tpu.memory_space<semaphore_mem>>)
    }
    %scan3A_66 = arith.constant 50 : i32
    %dma_wait3A = arith.constant 0 : i32
    %dma_wait3A_67 = arith.constant 196 : i32
    %dma_wait3A_68 = arith.constant 0 : i32
    %dma_wait3A_69 = arith.constant 0 : i32
    %dma_wait3A_70 = arith.constant 0 : i32
    %dma_wait3A_71 = tpu.memref_slice %arg9[%dma_wait3A, %dma_wait3A_68, %dma_wait3A_69, %dma_wait3A_70] : memref<2x8x8x133xf32, #tpu.memory_space<vmem>> -> memref<1x8x8x128xf32, #tpu.memory_space<vmem>>
    %dma_wait3A_72 = tpu.memref_squeeze %dma_wait3A_71 : memref<1x8x8x128xf32, #tpu.memory_space<vmem>> -> memref<8x8x128xf32, #tpu.memory_space<vmem>>
    %dma_wait3A_73 = arith.constant 0 : i32
    %dma_wait3A_74 = arith.constant 0 : i32
    %dma_wait3A_75 = arith.constant 0 : i32
    %dma_wait3A_76 = tpu.memref_slice %arg5[%dma_wait3A_67, %dma_wait3A_73, %add3A, %dma_wait3A_74, %dma_wait3A_75] : memref<200x8x32x8x128xf32, #tpu.memory_space<hbm>> -> memref<1x8x1x8x128xf32, #tpu.memory_space<hbm>>
    %dma_wait3A_77 = tpu.memref_squeeze %dma_wait3A_76 : memref<1x8x1x8x128xf32, #tpu.memory_space<hbm>> -> memref<8x8x128xf32, #tpu.memory_space<hbm>>
    %dma_wait3A_78 = arith.constant 0 : i32
    %dma_wait3A_79 = arith.constant 0 : i32
    %dma_wait3A_80 = arith.constant 0 : i32
    %dma_wait3A_81 = tpu.memref_slice %arg5[%dma_wait3A_67, %dma_wait3A_78, %add3A, %dma_wait3A_79, %dma_wait3A_80] : memref<200x8x32x8x128xf32, #tpu.memory_space<hbm>> -> memref<1x8x1x8x128xf32, #tpu.memory_space<hbm>>
    %dma_wait3A_82 = tpu.memref_squeeze %dma_wait3A_81 : memref<1x8x1x8x128xf32, #tpu.memory_space<hbm>> -> memref<8x8x128xf32, #tpu.memory_space<hbm>>
    %dma_wait3A_83 = arith.constant 0 : i32
    %dma_wait3A_84 = arith.constant 0 : i32
    %dma_wait3A_85 = arith.constant 0 : i32
    %dma_wait3A_86 = tpu.memref_slice %arg9[%dma_wait3A, %dma_wait3A_83, %dma_wait3A_84, %dma_wait3A_85] : memref<2x8x8x133xf32, #tpu.memory_space<vmem>> -> memref<1x8x8x128xf32, #tpu.memory_space<vmem>>
    %dma_wait3A_87 = tpu.memref_squeeze %dma_wait3A_86 : memref<1x8x8x128xf32, #tpu.memory_space<vmem>> -> memref<8x8x128xf32, #tpu.memory_space<vmem>>
    tpu.wait_dma2 semaphore(%arg14 : memref<!tpu.dma_semaphore, #tpu.memory_space<semaphore_mem>>) src(%dma_wait3A_87 : memref<8x8x128xf32, #tpu.memory_space<vmem>>) dst(%dma_wait3A_82 : memref<8x8x128xf32, #tpu.memory_space<hbm>>)
    %dma_wait3A_88 = arith.constant 1 : i32
    %dma_wait3A_89 = arith.constant 197 : i32
    %dma_wait3A_90 = arith.constant 0 : i32
    %dma_wait3A_91 = arith.constant 0 : i32
    %dma_wait3A_92 = arith.constant 0 : i32
    %dma_wait3A_93 = tpu.memref_slice %arg9[%dma_wait3A_88, %dma_wait3A_90, %dma_wait3A_91, %dma_wait3A_92] : memref<2x8x8x133xf32, #tpu.memory_space<vmem>> -> memref<1x8x8x128xf32, #tpu.memory_space<vmem>>
    %dma_wait3A_94 = tpu.memref_squeeze %dma_wait3A_93 : memref<1x8x8x128xf32, #tpu.memory_space<vmem>> -> memref<8x8x128xf32, #tpu.memory_space<vmem>>
    %dma_wait3A_95 = arith.constant 0 : i32
    %dma_wait3A_96 = arith.constant 0 : i32
    %dma_wait3A_97 = arith.constant 0 : i32
    %dma_wait3A_98 = tpu.memref_slice %arg5[%dma_wait3A_89, %dma_wait3A_95, %add3A, %dma_wait3A_96, %dma_wait3A_97] : memref<200x8x32x8x128xf32, #tpu.memory_space<hbm>> -> memref<1x8x1x8x128xf32, #tpu.memory_space<hbm>>
    %dma_wait3A_99 = tpu.memref_squeeze %dma_wait3A_98 : memref<1x8x1x8x128xf32, #tpu.memory_space<hbm>> -> memref<8x8x128xf32, #tpu.memory_space<hbm>>
    %dma_wait3A_100 = arith.constant 0 : i32
    %dma_wait3A_101 = arith.constant 0 : i32
    %dma_wait3A_102 = arith.constant 0 : i32
    %dma_wait3A_103 = tpu.memref_slice %arg5[%dma_wait3A_89, %dma_wait3A_100, %add3A, %dma_wait3A_101, %dma_wait3A_102] : memref<200x8x32x8x128xf32, #tpu.memory_space<hbm>> -> memref<1x8x1x8x128xf32, #tpu.memory_space<hbm>>
    %dma_wait3A_104 = tpu.memref_squeeze %dma_wait3A_103 : memref<1x8x1x8x128xf32, #tpu.memory_space<hbm>> -> memref<8x8x128xf32, #tpu.memory_space<hbm>>
    %dma_wait3A_105 = arith.constant 0 : i32
    %dma_wait3A_106 = arith.constant 0 : i32
    %dma_wait3A_107 = arith.constant 0 : i32
    %dma_wait3A_108 = tpu.memref_slice %arg9[%dma_wait3A_88, %dma_wait3A_105, %dma_wait3A_106, %dma_wait3A_107] : memref<2x8x8x133xf32, #tpu.memory_space<vmem>> -> memref<1x8x8x128xf32, #tpu.memory_space<vmem>>
    %dma_wait3A_109 = tpu.memref_squeeze %dma_wait3A_108 : memref<1x8x8x128xf32, #tpu.memory_space<vmem>> -> memref<8x8x128xf32, #tpu.memory_space<vmem>>
    tpu.wait_dma2 semaphore(%arg14 : memref<!tpu.dma_semaphore, #tpu.memory_space<semaphore_mem>>) src(%dma_wait3A_109 : memref<8x8x128xf32, #tpu.memory_space<vmem>>) dst(%dma_wait3A_104 : memref<8x8x128xf32, #tpu.memory_space<hbm>>)
    %dma_wait3A_110 = arith.constant 0 : i32
    %dma_wait3A_111 = arith.constant 198 : i32
    %dma_wait3A_112 = arith.constant 0 : i32
    %dma_wait3A_113 = arith.constant 0 : i32
    %dma_wait3A_114 = arith.constant 0 : i32
    %dma_wait3A_115 = tpu.memref_slice %arg10[%dma_wait3A_110, %dma_wait3A_112, %dma_wait3A_113, %dma_wait3A_114] : memref<2x8x8x133xf32, #tpu.memory_space<vmem>> -> memref<1x8x8x128xf32, #tpu.memory_space<vmem>>
    %dma_wait3A_116 = tpu.memref_squeeze %dma_wait3A_115 : memref<1x8x8x128xf32, #tpu.memory_space<vmem>> -> memref<8x8x128xf32, #tpu.memory_space<vmem>>
    %dma_wait3A_117 = arith.constant 0 : i32
    %dma_wait3A_118 = arith.constant 0 : i32
    %dma_wait3A_119 = arith.constant 0 : i32
    %dma_wait3A_120 = tpu.memref_slice %arg5[%dma_wait3A_111, %dma_wait3A_117, %add3A, %dma_wait3A_118, %dma_wait3A_119] : memref<200x8x32x8x128xf32, #tpu.memory_space<hbm>> -> memref<1x8x1x8x128xf32, #tpu.memory_space<hbm>>
    %dma_wait3A_121 = tpu.memref_squeeze %dma_wait3A_120 : memref<1x8x1x8x128xf32, #tpu.memory_space<hbm>> -> memref<8x8x128xf32, #tpu.memory_space<hbm>>
    %dma_wait3A_122 = arith.constant 0 : i32
    %dma_wait3A_123 = arith.constant 0 : i32
    %dma_wait3A_124 = arith.constant 0 : i32
    %dma_wait3A_125 = tpu.memref_slice %arg5[%dma_wait3A_111, %dma_wait3A_122, %add3A, %dma_wait3A_123, %dma_wait3A_124] : memref<200x8x32x8x128xf32, #tpu.memory_space<hbm>> -> memref<1x8x1x8x128xf32, #tpu.memory_space<hbm>>
    %dma_wait3A_126 = tpu.memref_squeeze %dma_wait3A_125 : memref<1x8x1x8x128xf32, #tpu.memory_space<hbm>> -> memref<8x8x128xf32, #tpu.memory_space<hbm>>
    %dma_wait3A_127 = arith.constant 0 : i32
    %dma_wait3A_128 = arith.constant 0 : i32
    %dma_wait3A_129 = arith.constant 0 : i32
    %dma_wait3A_130 = tpu.memref_slice %arg10[%dma_wait3A_110, %dma_wait3A_127, %dma_wait3A_128, %dma_wait3A_129] : memref<2x8x8x133xf32, #tpu.memory_space<vmem>> -> memref<1x8x8x128xf32, #tpu.memory_space<vmem>>
    %dma_wait3A_131 = tpu.memref_squeeze %dma_wait3A_130 : memref<1x8x8x128xf32, #tpu.memory_space<vmem>> -> memref<8x8x128xf32, #tpu.memory_space<vmem>>
    tpu.wait_dma2 semaphore(%arg15 : memref<!tpu.dma_semaphore, #tpu.memory_space<semaphore_mem>>) src(%dma_wait3A_131 : memref<8x8x128xf32, #tpu.memory_space<vmem>>) dst(%dma_wait3A_126 : memref<8x8x128xf32, #tpu.memory_space<hbm>>)
    %dma_wait3A_132 = arith.constant 1 : i32
    %dma_wait3A_133 = arith.constant 199 : i32
    %dma_wait3A_134 = arith.constant 0 : i32
    %dma_wait3A_135 = arith.constant 0 : i32
    %dma_wait3A_136 = arith.constant 0 : i32
    %dma_wait3A_137 = tpu.memref_slice %arg10[%dma_wait3A_132, %dma_wait3A_134, %dma_wait3A_135, %dma_wait3A_136] : memref<2x8x8x133xf32, #tpu.memory_space<vmem>> -> memref<1x8x8x128xf32, #tpu.memory_space<vmem>>
    %dma_wait3A_138 = tpu.memref_squeeze %dma_wait3A_137 : memref<1x8x8x128xf32, #tpu.memory_space<vmem>> -> memref<8x8x128xf32, #tpu.memory_space<vmem>>
    %dma_wait3A_139 = arith.constant 0 : i32
    %dma_wait3A_140 = arith.constant 0 : i32
    %dma_wait3A_141 = arith.constant 0 : i32
    %dma_wait3A_142 = tpu.memref_slice %arg5[%dma_wait3A_133, %dma_wait3A_139, %add3A, %dma_wait3A_140, %dma_wait3A_141] : memref<200x8x32x8x128xf32, #tpu.memory_space<hbm>> -> memref<1x8x1x8x128xf32, #tpu.memory_space<hbm>>
    %dma_wait3A_143 = tpu.memref_squeeze %dma_wait3A_142 : memref<1x8x1x8x128xf32, #tpu.memory_space<hbm>> -> memref<8x8x128xf32, #tpu.memory_space<hbm>>
    %dma_wait3A_144 = arith.constant 0 : i32
    %dma_wait3A_145 = arith.constant 0 : i32
    %dma_wait3A_146 = arith.constant 0 : i32
    %dma_wait3A_147 = tpu.memref_slice %arg5[%dma_wait3A_133, %dma_wait3A_144, %add3A, %dma_wait3A_145, %dma_wait3A_146] : memref<200x8x32x8x128xf32, #tpu.memory_space<hbm>> -> memref<1x8x1x8x128xf32, #tpu.memory_space<hbm>>
    %dma_wait3A_148 = tpu.memref_squeeze %dma_wait3A_147 : memref<1x8x1x8x128xf32, #tpu.memory_space<hbm>> -> memref<8x8x128xf32, #tpu.memory_space<hbm>>
    %dma_wait3A_149 = arith.constant 0 : i32
    %dma_wait3A_150 = arith.constant 0 : i32
    %dma_wait3A_151 = arith.constant 0 : i32
    %dma_wait3A_152 = tpu.memref_slice %arg10[%dma_wait3A_132, %dma_wait3A_149, %dma_wait3A_150, %dma_wait3A_151] : memref<2x8x8x133xf32, #tpu.memory_space<vmem>> -> memref<1x8x8x128xf32, #tpu.memory_space<vmem>>
    %dma_wait3A_153 = tpu.memref_squeeze %dma_wait3A_152 : memref<1x8x8x128xf32, #tpu.memory_space<vmem>> -> memref<8x8x128xf32, #tpu.memory_space<vmem>>
    tpu.wait_dma2 semaphore(%arg15 : memref<!tpu.dma_semaphore, #tpu.memory_space<semaphore_mem>>) src(%dma_wait3A_153 : memref<8x8x128xf32, #tpu.memory_space<vmem>>) dst(%dma_wait3A_148 : memref<8x8x128xf32, #tpu.memory_space<hbm>>)
    return
  }
}

</mosaic_0001>

<sc_bundles>
// kernel: kernel.3.cloned.1.call-start
scs
__scs_entry_jumppad:
0x0: {  	(pc) =	sbr.rel $0x88, $3  }
0x1: {  	(tag) =	ssettag $0x0;
	lr =	simm.s32 $0x1  }
0x2: {  	[smem:$0x3F9E] =	sst lr;
	_ =	strace $0xD0000000  }
0x3: {  	_ = 	snop  }
0x4: {  	_ = 	snop  }
0x5: {  	_ = 	snop  }
0x6: {  	_ = 	snop  }
0x7: {  	_ = 	snop  }
__scs_overlays_trampoline_lowered:
0x8: {  	[smem:$0x3FAD] =	sst s0  }
0x9: {  	[smem:$0x3FAE] =	sst s1  }
0xa: {  	[smem:$0x3FAF] =	sst s2  }
0xb: {  	[smem:$0x3FB0] =	sst s3  }
0xc: {  	[smem:$0x3FB1] =	sst s4  }
0xd: {  	[smem:$0x3FB2] =	sst s5  }
0xe: {  	[smem:$0x3FB3] =	sst s6  }
0xf: {  	[smem:$0x3FB4] =	sst s7  }
0x10: {  	[smem:$0x3FB5] =	sst s8  }
0x11: {  	[smem:$0x3FB6] =	sst s9;
	s0 =	simm.s32 @!p0 $0x0  }
0x12: {  	s1 =	sld [smem:$0x3F9C];
	s0 =	simm.s32 @p0 $0x1  }
0x13: {  	[smem:$0x3FB7] =	sst s0;
	s0 =	simm.s32 @!p1 $0x0  }
0x14: {  	s2 =	sld [smem:$0x3F9B];
	s0 =	simm.s32 @p1 $0x1  }
0x15: {  	[smem:$0x3FB8] =	sst s0;
	s0 =	simm.s32 @!p2 $0x0  }
0x16: {  	s3 =	sld [smem:$0x3FDB];
	s0 =	simm.s32 @p2 $0x1  }
0x17: {  	s4 =	simm.s32 $0x1BF5;
	[smem:$0x3FBA] =	sst s0  }
0x18: {  	s0 =	sld [smem:$0x3F9D];
	_ =	swait.ge [sflag:s4], $0x0  }
0x19: {  	s7 =	sld [smem:$0x3F9E]  }
0x1a: {  	s8 =	sadd.s32 $0xFFFFE003, lr  }
0x1b: {  	s9 =	sadd.s32 $0xFFFFFEF7, lr;
	s5 =	simm.s32 $0xFFFFFFFF;
	p2 =	slt.u32 s8, $0xFFFFF086  }
0x1c: {  	p1 =	slt.u32 s9, $0xF7A;
	s5 =	simm.s32 @!p2 $0x0  }
0x1d: {  	s5 =	simm.s32 @p1 $0x1;
	p0 =	seq.s32 s7, s2  }
0x1e: {  	s7 =	smul.u32 @!p0 $0xF7A, s2;
	p2 =	seq.s32 @!p0 s5, $0x0  }
0x1f: {  	s9 =	smul.u32 $0xF7A, s1;
	s8 =	simm.s32 @!p0 $0x1BF5;
	p2 =	por !p2, p0  }
0x20: {  	[sflag:s8] =	ssyncset.s32 @!p0 $0xFFFFF086;
	s6 =	sadd.s32 @!p0 s3, s7;
	s7 =	simm.s32 @!p0 $0x108  }
0x21: {  	s3 =	sadd.s32 s3, s9;
	s6 =	sadd.s32 @!p0 $0x88, s6;
	s7 =	simm.s32 @p2 $0x1082  }
0x22: {  	[simem:s7], [sflag:s8] =	dma.local @!p0 [hbm:s6], $0xF7A  }
0x23: {  	s9 =	sor.u32 $0xD0000000, s2;
	s6 =	simm.s32 $0x108;
	_ =	swait.ge @!p0 [sflag:s8], $0x0  }
0x24: {  	s3 =	sadd.s32 $0x88, s3;
	s6 =	simm.s32 @!p1 $0x1082;
	[sflag:s4] =	ssyncset.s32 $0xFFFFF086  }
0x25: {  	[simem:s6], [sflag:s4] =	dma.local [hbm:s3], $0xF7A  }
0x26: {  	[smem:$0x3F9E] =	sst s1;
	(tag) =	ssettag s2;
	_ =	strace s9  }
0x27: {  	s1 =	sld [smem:$0x3FAE]  }
0x28: {  	s2 =	sld [smem:$0x3FAF]  }
0x29: {  	s4 =	sld [smem:$0x3FB1]  }
0x2a: {  	p0 =	seq.s32 s5, $0x0;
	s5 =	sld [smem:$0x3FB2]  }
0x2b: {  	s6 =	sld [smem:$0x3FB3]  }
0x2c: {  	s7 =	sld [smem:$0x3FB4]  }
0x2d: {  	s3 =	simm.s32 $0x108;
	s8 =	sld [smem:$0x3FB5]  }
0x2e: {  	s3 =	simm.s32 @!p0 $0x1082;
	s9 =	sld [smem:$0x3FB6]  }
0x2f: {  	lr =	sadd.s32 s0, s3;
	s0 =	sld [smem:$0x3FAD]  }
0x30: {  	s3 =	sld [smem:$0x3FB0]  }
0x31: {  	[smem:$0x3FB9] =	sst s10  }
0x32: {  	s10 =	sld [smem:$0x3FB7];
	_ =	sdelay $0x3  }
0x33: {  	p0 =	seq.s32 s10, $0x1;
	s10 =	sld [smem:$0x3FB9];
	_ =	sdelay $0x3  }
0x34: {  	[smem:$0x3FB9] =	sst s10  }
0x35: {  	s10 =	sld [smem:$0x3FB8];
	_ =	sdelay $0x3  }
0x36: {  	p1 =	seq.s32 s10, $0x1;
	s10 =	sld [smem:$0x3FB9];
	_ =	sdelay $0x3  }
0x37: {  	[smem:$0x3FB9] =	sst s10  }
0x38: {  	s10 =	sld [smem:$0x3FBA]  }
0x39: {  	_ = 	snop;
	(pc) =	sbr.ind lr, $3  }
0x3a: {  	_ = 	snop  }
0x3b: {  	_ = 	snop  }
0x3c: {  	p2 =	seq.s32 s10, $0x1;
	s10 =	sld [smem:$0x3FB9]  }
0x3d: {  	_ =	shalt  }
0x3e: {  	_ =	shalt  }
0x3f: {  	_ =	shalt  }
0x40: {  	_ =	shalt  }
0x41: {  	_ =	shalt  }
0x42: {  	_ =	shalt  }
0x43: {  	_ =	shalt  }
0x44: {  	_ =	shalt  }
0x45: {  	_ =	shalt  }
0x46: {  	_ =	shalt  }
0x47: {  	_ =	shalt  }
0x48: {  	_ =	shalt  }
0x49: {  	_ =	shalt  }
0x4a: {  	_ =	shalt  }
0x4b: {  	_ =	shalt  }
0x4c: {  	_ =	shalt  }
0x4d: {  	_ =	shalt  }
0x4e: {  	_ =	shalt  }
0x4f: {  	_ =	shalt  }
0x50: {  	_ =	shalt  }
0x51: {  	_ =	shalt  }
0x52: {  	_ =	shalt  }
0x53: {  	_ =	shalt  }
0x54: {  	_ =	shalt  }
0x55: {  	_ =	shalt  }
0x56: {  	_ =	shalt  }
0x57: {  	_ =	shalt  }
0x58: {  	_ =	shalt  }
0x59: {  	_ =	shalt  }
0x5a: {  	_ =	shalt  }
0x5b: {  	_ =	shalt  }
0x5c: {  	_ =	shalt  }
0x5d: {  	_ =	shalt  }
0x5e: {  	_ =	shalt  }
0x5f: {  	_ =	shalt  }
0x60: {  	_ =	shalt  }
0x61: {  	_ =	shalt  }
0x62: {  	_ =	shalt  }
0x63: {  	_ =	shalt  }
0x64: {  	_ =	shalt  }
0x65: {  	_ =	shalt  }
0x66: {  	_ =	shalt  }
0x67: {  	_ =	shalt  }
0x68: {  	_ =	shalt  }
0x69: {  	_ =	shalt  }
0x6a: {  	_ =	shalt  }
0x6b: {  	_ =	shalt  }
0x6c: {  	_ =	shalt  }
0x6d: {  	_ =	shalt  }
0x6e: {  	_ =	shalt  }
0x6f: {  	_ =	shalt  }
0x70: {  	_ =	shalt  }
0x71: {  	_ =	shalt  }
0x72: {  	_ =	shalt  }
0x73: {  	_ =	shalt  }
0x74: {  	_ =	shalt  }
0x75: {  	_ =	shalt  }
0x76: {  	_ =	shalt  }
0x77: {  	_ =	shalt  }
0x78: {  	_ =	shalt  }
0x79: {  	_ =	shalt  }
0x7a: {  	_ =	shalt  }
0x7b: {  	_ =	shalt  }
0x7c: {  	_ =	shalt  }
0x7d: {  	_ =	shalt  }
0x7e: {  	_ =	shalt  }
0x7f: {  	_ =	shalt  }
0x80: {  	_ =	shalt  }
0x81: {  	_ =	shalt  }
0x82: {  	_ =	shalt  }
0x83: {  	_ =	shalt  }
0x84: {  	_ =	shalt  }
0x85: {  	_ =	shalt  }
0x86: {  	_ =	shalt  }
0x87: {  	_ =	shalt  }
.Lfunc_end0:
.L_simem_size_0:
called_computation_lowered:
.L_overlay_start_0:
0x88: {  	s2 =	sld [smem:$0x3FD9]  }
0x89: {  	s3 =	sld [smem:$0x3FFE];
	_ =	sdelay $0x1  }
0x8a: {  	s1 =	srdreg.scid  }
0x8b: {  	s0 =	sand.u32 $0x1, s1  }
0x8c: {  	s17 =	sshll.u32 s0, $0xA;
	s2 =	sadd.s32 s3, s2  }
0x8d: {  	s2 =	sadd.s32 s2, s17  }
0x8e: {  	[smem:$0x3FC5] =	sst s2  }
0x8f: {  	_ = 	snop  }
0x90: {  	s2 =	sld [smem:$0x3FD0];
	(tm) =	ssettm $0x1  }
0x91: {  	s18 =	sld [smem:$0x3FFB];
	_ =	sdelay $0x3  }
0x92: {  	_ =	strace s18  }
0x93: {  	s3 =	sld [smem:$0x3FFC];
	_ =	sdelay $0x3  }
0x94: {  	_ =	strace s3  }
0x95: {  	s3 =	sld [smem:$0x3FFD];
	_ =	sdelay $0x3  }
0x96: {  	_ =	strace s3  }
0x97: {  	_ =	strace $0x8FFFFFFF  }
0x98: {  	s19 =	sld [smem:$0x3FDB];
	_ =	sdelay $0x1  }
0x99: {  	s4 =	simm.s32 $_scs_section_size  }
0x9a: {  	s5 =	simm.s32 $_size__tile_overlayer_lowered;
	s6 =	simm.s32 $_tile_overlayer_lowered  }
0x9b: {  	s22 =	simm.s32 $0x1BFF;
	s21 =	sshll.u32 s6, $0x1;
	s3 =	sadd.s32 s4, s19  }
0x9c: {  	s7 =	simm.s32 $0x0;
	s20 =	sshll.u32 s5, $0x1;
	s5 =	sadd.s32 s21, s3  }
0x9d: {  	[timem:s7], [sflag:s22] =	dma.local [hbm:s5], s20  }
0x9e: {  	_ =	swait.ge [sflag:s22], s20  }
0x9f: {  	s4 =	ssub.s32 $0x0, s20;
	[sflag:s22] =	ssyncset.done $0x0  }
0xa0: {  	[sflag:s22] =	ssyncadd.s32 s4;
	_ =	sdelay $0x1  }
0xa1: {  	s23 =	simm.s32 $0x1B8B  }
0xa2: {  	_ =	swait.ge [sflag:s23], $0x1  }
0xa3: {  	[sflag:s23] =	ssyncset.done $0x0  }
0xa4: {  	s25 =	simm.s32 $0x1B8E;
	s24 =	sld [smem:$0x3FFE];
	[sflag:s23] =	ssyncadd.s32 $0xFFFFFFFF  }
0xa5: {  	s26 =	simm.s32 $execute0_lowered;
	[smem:$0x3FD2] =	sst s25  }
0xa6: {  	s5 =	sshll.u32 s26, $0x1;
	_ =	strace $0x80000046;
	[dreg:$0x1] =	wrdreg $0xFFFFFFFF  }
0xa7: {  	s28 =	simm.s32 $_size_execute0_lowered;
	s3 =	sadd.s32 s3, s5;
	[dreg:$0x0] =	wrdreg $0x0  }
0xa8: {  	s5 =	sshll.u32 s28, $0x1;
	[dreg:$0x2] =	wrdreg s3  }
0xa9: {  	[dreg:$0x3] =	wrdreg s5  }
0xaa: {  	[dreg:$0x4] =	wrdreg $0xC0  }
0xab: {  	_ =	task [dreg:s7], $0x5FFFF  }
0xac: {  	[dreg:$0x1] =	wrdreg $0xFFFFFFFF  }
0xad: {  	[dreg:$0x0] =	wrdreg $0x60  }
0xae: {  	[dreg:$0x2] =	wrdreg s24  }
0xaf: {  	[dreg:$0x3] =	wrdreg s2  }
0xb0: {  	[dreg:$0x4] =	wrdreg $0x9  }
0xb1: {  	_ =	task.clear_ibuf [dreg:s7], $0x5FFFF;
	_ =	strace $0x90000046  }
0xb2: {  	s29 =	simm.s32 $0x9;
	_ =	strace $0x80000048  }
0xb3: {  	_ =	swait.ge [sflag:s29], $0x1  }
0xb4: {  	[sflag:s29] =	ssyncadd.s32 $0xFFFFFFFF  }
0xb5: {  	_ =	strace $0x90000048  }
0xb6: {  	_ =	sfence  }
0xb7: {  	s30 =	sld [smem:$0x0];
	_ =	sdelay $0x2  }
0xb8: {  	s31 =	sshll.u32 s1, $0xD;
	s1 =	sshrl.u32 s1, $0x2  }
0xb9: {  	s3 =	sand.u32 $0x4000, s31;
	s1 =	sadd.s32 s1, s30  }
0xba: {  	s0 =	sor.u32 s3, s0;
	s1 =	sshll.u32 s1, $0x11  }
0xbb: {  	s0 =	sor.u32 s1, s0  }
0xbc: {  	s0 =	sadd.s32 $0x8F2B, s0  }
0xbd: {  	[sflag:s0] =	ssyncadd.remote.s32 $0x1  }
0xbe: {  	_ =	sfence.sel $0xFFFF  }
0xbf: {  	[dreg:$0x0] =	wrdreg $0xFFFFFFFF;
	(pc) =	sbr.abs _section_cstart, $3  }
0xc0: {  	[dreg:$0x1] =	wrdreg $0xFFFFFFFF  }
0xc1: {  	_ =	task.clear_ibuf [dreg:s7], $0x2FFFF;
	_ =	strace $0x9FFFFFFF  }
0xc2: {  	(tm) =	ssettm $0x7FFFFFFF  }
0xc3: {  	_ =	shalt  }
tec
execute0_lowered:
.L_overlay_start_1:
0x0: {  	(tag) =	ssettag $0x1  }
0x1: {  	s0 =	rddreg [dreg:$0x0]  }
0x2: {  	s2 =	rddreg [dreg:$0x1];
	s4 =	srdreg.scid  }
0x3: {  	s3 =	simm.s32 $0x0;
	s1 =	stileid.u32;
	s11 =	simm.s32 $0x3  }
0x4: {  	s12 =	simm.s32 $0x100;
	s13 =	simm.s32 $0x6400;
	s14 =	simm.s32 $0xA400  }
0x5: {  	s15 =	simm.s32 $0x1;
	s16 =	simm.s32 $0xE400;
	s17 =	simm.s32 $0x10600  }
0x6: {  	s18 =	simm.s32 $0x2;
	s19 =	simm.s32 $0x4;
	s20 =	simm.s32 $0x12800  }
0x7: {  	s21 =	simm.s32 $0x14A00;
	s22 =	simm.s32 $0x0;
	s6 =	sand.u32 $0x1, s4  }
0x8: {  	[smem:$0x7FF] =	sst s3;
	s26 =	sshll.u32 s1, $0x5;
	s4 =	sadd.s32 $0xF42C00, s0  }
0x9: {  	s5 =	sadd.s32 $0x19800, s0;
	s29 =	sshll.u32 s1, $0xB;
	s7 =	ssub.s32 $0x2, s6  }
0xa: {  	v0 =	vlaneseq.u32;
	_ =	strace $0x80000047;
	s8 =	sadd.s32 s26, s0;
	s30 =	sshll.u32 s6, $0xA  }
0xb: {  	v0 =	vmul.u32 $0x88, v0;
	s10 =	sshll.u32 s6, $0x4;
	s9 =	sshrl.u32 s7, $0x1;
	s6 =	sor.u32 s30, s29  }
0xc: {  	s31 =	sadd.s32 s10, s8;
	s10 =	simm.s32 $0x5;
	s28 =	ssub.s32 s7, s9  }
0xd: {  	v1 =	vadd.s32 $0x880, v0;
	v2 =	vadd.s32 $0x1100, v0;
	v3 =	vadd.s32 $0x1980, v0;
	s8 =	sadd.s32 $0x800, s31;
	s9 =	simm.s32 $0x16C00;
	s7 =	smax.u32 s28, $0x1  }
.LBB2_1:
0xe: {  	[tilespmem:s9], [sflag:$0x5] =	stream.linear.gather [hbm4b:s5+s3], $0x3200, $0x38;
	[tilespmem:$0x19E00] =	vst v63  }
0xf: {  	_ =	swait.ge [sflag:s10], $0x3200  }
0x10: {  	[sflag:s10] =	ssyncset.done $0x0  }
0x11: {  	s0 =	simm.s32 $0x0;
	[sflag:s10] =	ssyncadd.s32 $0xFFFFCE00  }
.LBB2_2:
0x12: {  	p0 =	sne.s32 s0, $0x18E00  }
.Ltmp0:
0x13: {  	_ = 	snop;
	(pc) =	sbr.rel @p0 .LBB2_2-.Ltmp0, $3  }
0x14: {  	_ =	sdelay $0x1  }
0x15: {  	s23 =	sshra.s32 s0, $0x2;
	s24 =	sadd.s32 s0, s8;
	s0 =	sadd.s32 $0x200, s0  }
0x16: {  	[tilespmem:s23], [sflag:$0x3] =	stream.linear.gather [hbm4b:s24+s3], $0x80, $0x38;
	[tilespmem:$0x19E00] =	vst v63  }
0x17: {  	_ =	swait.ge [sflag:s11], $0x80  }
0x18: {  	s23 =	simm.s32 $0xC7;
	[sflag:s11] =	ssyncset.done $0x0  }
.LBB2_4:
0x19: {  	p0 =	sne.s32 s23, $0x1;
	s23 =	sadd.s32 $0xFFFFFFFF, s23;
	[sflag:s11] =	ssyncadd.s32 $0xFFFFFF80  }
.Ltmp1:
0x1a: {  	(pc) =	sbr.rel @p0 .LBB2_4-.Ltmp1, $3  }
0x1b: {  	_ =	sdelay $0x1  }
0x1c: {  	_ =	swait.ge [sflag:s11], $0x80  }
0x1d: {  	[sflag:s11] =	ssyncset.done $0x0  }
0x1e: {  	[sflag:s11] =	ssyncadd.s32 $0xFFFFFF80;
	s23 =	simm.s32 $0x0;
	s24 =	simm.s32 $0x0  }
0x1f: {  	[tilespmem:s13], [sflag:$0x1] =	stream.indirect.gather [hbm4b:s4+s12], $0x40, s23, s12, $0xb8;
	[tilespmem:$0x19E00] =	vst v63  }
.LBB2_6:
0x20: {  	s25 =	sshllo.u32 s24, $0x1  }
0x21: {  	s0 =	sshll.u32 s25, $0x8  }
0x22: {  	s0 =	sand.u32 $0x3FFFFF00, s0  }
0x23: {  	[tilespmem:s14], [sflag:$0x2] =	stream.indirect.gather [hbm4b:s4+s12], $0x40, s0, s12, $0xb8;
	[tilespmem:$0x19E00] =	vst v63  }
0x24: {  	_ =	swait.ge [sflag:s15], $0x4000  }
0x25: {  	p0 =	seq.s32 s24, $0x0;
	[sflag:s15] =	ssyncset.done $0x0  }
0x26: {  	s0 =	simm.s32 @!p0 $0x3;
	[sflag:s15] =	ssyncadd.s32 $0xFFFFC000  }
0x27: {  	_ =	swait.ge @!p0 [sflag:s0], $0x2000  }
0x28: {  	[sflag:s0] =	ssyncset.done @!p0 $0x0  }
0x29: {  	[sflag:s0] =	ssyncadd.s32 @!p0 $0xFFFFE000  }
0x2a: {  	_ =	swait.ge @!p0 [sflag:s0], $0x2000  }
0x2b: {  	[sflag:s0] =	ssyncset.done @!p0 $0x0  }
0x2c: {  	s26 =	simm.s32 $0x6480;
	[sflag:s0] =	ssyncadd.s32 @!p0 $0xFFFFE000  }
0x2d: {  	s1 =	sshll.u32 s24, $0x8;
	v5 =	vld [tilespmem:s26+$0xFFFFFF80]  }
0x2e: {  	s0 =	sand.u32 $0x3FFFFF00, s1  }
0x2f: {  	v6 =	vmov s23;
	v4 =	vld [tilespmem:s0+$0x16C00]  }
0x30: {  	v8 =	vand.u32 $0x7C, v6  }
0x31: {  	v9 =	vadd.s32 v0, v8  }
0x32: {  	v7 =	vmul.f32 $8.000000000e+00, v5;
	_ =	sdelay $0x1  }
0x33: {  	v6 =	vld [tilespmem:s0+$0x16C20];
	v10 =	vadd.f32 v7, v4  }
0x34: {  	v5 =	vld [tilespmem:s0+$0x16C10]  }
0x35: {  	v7 =	vld [tilespmem:s0+$0x16C30];
	[tilespmem:v9+s16+$0x0] =	vst.idx.msk $0xffff, v10  }
0x36: {  	v9 =	vld [tilespmem:s26+$0xFFFFFF90];
	_ =	sdelay $0x3  }
0x37: {  	v10 =	vadd.s32 v1, v8  }
0x38: {  	v9 =	vmul.f32 $8.000000000e+00, v9;
	_ =	sdelay $0x1  }
0x39: {  	v9 =	vadd.f32 v9, v5;
	_ =	sdelay $0x1  }
0x3a: {  	[tilespmem:v10+s16+$0x0] =	vst.idx.msk $0xffff, v9  }
0x3b: {  	v9 =	vld [tilespmem:s26+$0xFFFFFFA0];
	_ =	sdelay $0x3  }
0x3c: {  	v10 =	vadd.s32 v2, v8  }
0x3d: {  	v9 =	vmul.f32 $8.000000000e+00, v9;
	_ =	sdelay $0x1  }
0x3e: {  	v9 =	vadd.f32 v9, v6;
	_ =	sdelay $0x1  }
0x3f: {  	[tilespmem:v10+s16+$0x0] =	vst.idx.msk $0xffff, v9  }
0x40: {  	v9 =	vld [tilespmem:s26+$0xFFFFFFB0];
	_ =	sdelay $0x3  }
0x41: {  	v8 =	vadd.s32 v3, v8  }
0x42: {  	v9 =	vmul.f32 $8.000000000e+00, v9;
	_ =	sdelay $0x1  }
0x43: {  	v9 =	vadd.f32 v9, v7;
	_ =	sdelay $0x1  }
0x44: {  	[tilespmem:v8+s16+$0x0] =	vst.idx.msk $0xffff, v9  }
0x45: {  	v8 =	vld [tilespmem:s26+$0xFFFFFFC0]  }
0x46: {  	s29 =	simm.s32 $0x1  }
0x47: {  	v9 =	vmov s29  }
0x48: {  	v9 =	vand.u32 $0x7D, v9  }
0x49: {  	v10 =	vadd.s32 v0, v9  }
0x4a: {  	v8 =	vmul.f32 $8.000000000e+00, v8;
	_ =	sdelay $0x1  }
0x4b: {  	v8 =	vadd.f32 v8, v4;
	_ =	sdelay $0x1  }
0x4c: {  	[tilespmem:v10+s16+$0x0] =	vst.idx.msk $0xffff, v8  }
0x4d: {  	v8 =	vld [tilespmem:s26+$0xFFFFFFD0];
	_ =	sdelay $0x3  }
0x4e: {  	v10 =	vadd.s32 v1, v9  }
0x4f: {  	v8 =	vmul.f32 $8.000000000e+00, v8;
	_ =	sdelay $0x1  }
0x50: {  	v8 =	vadd.f32 v8, v5;
	_ =	sdelay $0x1  }
0x51: {  	[tilespmem:v10+s16+$0x0] =	vst.idx.msk $0xffff, v8  }
0x52: {  	v8 =	vld [tilespmem:s26+$0xFFFFFFE0];
	_ =	sdelay $0x3  }
0x53: {  	v10 =	vadd.s32 v2, v9  }
0x54: {  	v8 =	vmul.f32 $8.000000000e+00, v8;
	_ =	sdelay $0x1  }
0x55: {  	v8 =	vadd.f32 v8, v6;
	_ =	sdelay $0x1  }
0x56: {  	[tilespmem:v10+s16+$0x0] =	vst.idx.msk $0xffff, v8  }
0x57: {  	v8 =	vld [tilespmem:s26+$0xFFFFFFF0];
	_ =	sdelay $0x3  }
0x58: {  	v9 =	vadd.s32 v3, v9  }
0x59: {  	v8 =	vmul.f32 $8.000000000e+00, v8;
	_ =	sdelay $0x1  }
0x5a: {  	v8 =	vadd.f32 v8, v7;
	_ =	sdelay $0x1  }
0x5b: {  	[tilespmem:v9+s16+$0x0] =	vst.idx.msk $0xffff, v8  }
0x5c: {  	v8 =	vld [tilespmem:s26+$0x0]  }
0x5d: {  	s30 =	simm.s32 $0x2  }
0x5e: {  	v9 =	vmov s30  }
0x5f: {  	v9 =	vand.u32 $0x7E, v9  }
0x60: {  	v10 =	vadd.s32 v0, v9  }
0x61: {  	v8 =	vmul.f32 $8.000000000e+00, v8;
	_ =	sdelay $0x1  }
0x62: {  	v8 =	vadd.f32 v8, v4;
	_ =	sdelay $0x1  }
0x63: {  	[tilespmem:v10+s16+$0x0] =	vst.idx.msk $0xffff, v8  }
0x64: {  	v8 =	vld [tilespmem:s26+$0x10];
	_ =	sdelay $0x3  }
0x65: {  	v10 =	vadd.s32 v1, v9  }
0x66: {  	v8 =	vmul.f32 $8.000000000e+00, v8;
	_ =	sdelay $0x1  }
0x67: {  	v8 =	vadd.f32 v8, v5;
	_ =	sdelay $0x1  }
0x68: {  	[tilespmem:v10+s16+$0x0] =	vst.idx.msk $0xffff, v8  }
0x69: {  	v8 =	vld [tilespmem:s26+$0x20];
	_ =	sdelay $0x3  }
0x6a: {  	v10 =	vadd.s32 v2, v9  }
0x6b: {  	v8 =	vmul.f32 $8.000000000e+00, v8;
	_ =	sdelay $0x1  }
0x6c: {  	v8 =	vadd.f32 v8, v6;
	_ =	sdelay $0x1  }
0x6d: {  	[tilespmem:v10+s16+$0x0] =	vst.idx.msk $0xffff, v8  }
0x6e: {  	v8 =	vld [tilespmem:s26+$0x30];
	_ =	sdelay $0x3  }
0x6f: {  	v9 =	vadd.s32 v3, v9  }
0x70: {  	v8 =	vmul.f32 $8.000000000e+00, v8;
	_ =	sdelay $0x1  }
0x71: {  	v8 =	vadd.f32 v8, v7;
	_ =	sdelay $0x1  }
0x72: {  	[tilespmem:v9+s16+$0x0] =	vst.idx.msk $0xffff, v8  }
0x73: {  	v8 =	vld [tilespmem:s26+$0x40]  }
0x74: {  	s31 =	simm.s32 $0x3  }
0x75: {  	v9 =	vmov s31  }
0x76: {  	v9 =	vand.u32 $0x7F, v9  }
0x77: {  	v10 =	vadd.s32 v0, v9  }
0x78: {  	v8 =	vmul.f32 $8.000000000e+00, v8;
	_ =	sdelay $0x1  }
0x79: {  	v8 =	vadd.f32 v8, v4;
	_ =	sdelay $0x1  }
0x7a: {  	[tilespmem:v10+s16+$0x0] =	vst.idx.msk $0xffff, v8  }
0x7b: {  	v8 =	vld [tilespmem:s26+$0x50];
	_ =	sdelay $0x3  }
0x7c: {  	v10 =	vadd.s32 v1, v9  }
0x7d: {  	v8 =	vmul.f32 $8.000000000e+00, v8;
	_ =	sdelay $0x1  }
0x7e: {  	v8 =	vadd.f32 v8, v5;
	_ =	sdelay $0x1  }
0x7f: {  	[tilespmem:v10+s16+$0x0] =	vst.idx.msk $0xffff, v8  }
0x80: {  	v8 =	vld [tilespmem:s26+$0x60];
	_ =	sdelay $0x3  }
0x81: {  	v10 =	vadd.s32 v2, v9  }
0x82: {  	v8 =	vmul.f32 $8.000000000e+00, v8;
	_ =	sdelay $0x1  }
0x83: {  	v8 =	vadd.f32 v8, v6;
	_ =	sdelay $0x1  }
0x84: {  	[tilespmem:v10+s16+$0x0] =	vst.idx.msk $0xffff, v8  }
0x85: {  	v8 =	vld [tilespmem:s26+$0x70];
	_ =	sdelay $0x4  }
0x86: {  	v10 =	vmul.f32 $8.000000000e+00, v8;
	v8 =	vadd.s32 v3, v9;
	_ =	sdelay $0x2  }
0x87: {  	s28 =	simm.s32 $0x4;
	v9 =	vadd.f32 v10, v7  }
.LBB2_7:
0x88: {  	p1 =	slt.u32 s28, $0x7C  }
0x89: {  	s26 =	sadd.s32 $0x100, s26;
	s29 =	smov.u32 s28;
	s28 =	sadd.s32 $0x4, s28;
	[tilespmem:v8+s16+$0x0] =	vst.idx.msk $0xffff, v9  }
0x8a: {  	v8 =	vld [tilespmem:s26+$0xFFFFFF80];
	_ =	sdelay $0x1  }
0x8b: {  	v9 =	vmov s29  }
0x8c: {  	v9 =	vand.u32 $0x7C, v9  }
0x8d: {  	v10 =	vadd.s32 v0, v9  }
0x8e: {  	v8 =	vmul.f32 $8.000000000e+00, v8;
	_ =	sdelay $0x1  }
0x8f: {  	v8 =	vadd.f32 v8, v4;
	_ =	sdelay $0x1  }
0x90: {  	[tilespmem:v10+s16+$0x0] =	vst.idx.msk $0xffff, v8  }
0x91: {  	v8 =	vld [tilespmem:s26+$0xFFFFFF90];
	_ =	sdelay $0x3  }
0x92: {  	v10 =	vadd.s32 v1, v9  }
0x93: {  	v8 =	vmul.f32 $8.000000000e+00, v8;
	_ =	sdelay $0x1  }
0x94: {  	v8 =	vadd.f32 v8, v5;
	_ =	sdelay $0x1  }
0x95: {  	[tilespmem:v10+s16+$0x0] =	vst.idx.msk $0xffff, v8  }
0x96: {  	v8 =	vld [tilespmem:s26+$0xFFFFFFA0];
	_ =	sdelay $0x3  }
0x97: {  	v10 =	vadd.s32 v2, v9  }
0x98: {  	v8 =	vmul.f32 $8.000000000e+00, v8;
	_ =	sdelay $0x1  }
0x99: {  	v8 =	vadd.f32 v8, v6;
	_ =	sdelay $0x1  }
0x9a: {  	[tilespmem:v10+s16+$0x0] =	vst.idx.msk $0xffff, v8  }
0x9b: {  	v8 =	vld [tilespmem:s26+$0xFFFFFFB0];
	_ =	sdelay $0x3  }
0x9c: {  	v9 =	vadd.s32 v3, v9  }
0x9d: {  	v8 =	vmul.f32 $8.000000000e+00, v8;
	_ =	sdelay $0x1  }
0x9e: {  	v8 =	vadd.f32 v8, v7;
	_ =	sdelay $0x1  }
0x9f: {  	[tilespmem:v9+s16+$0x0] =	vst.idx.msk $0xffff, v8  }
0xa0: {  	v8 =	vld [tilespmem:s26+$0xFFFFFFC0]  }
0xa1: {  	s0 =	sadd.s32 $0x1, s29  }
0xa2: {  	v9 =	vmov s0  }
0xa3: {  	v9 =	vand.u32 $0x7D, v9  }
0xa4: {  	v10 =	vadd.s32 v0, v9  }
0xa5: {  	v8 =	vmul.f32 $8.000000000e+00, v8;
	_ =	sdelay $0x1  }
0xa6: {  	v8 =	vadd.f32 v8, v4;
	_ =	sdelay $0x1  }
0xa7: {  	[tilespmem:v10+s16+$0x0] =	vst.idx.msk $0xffff, v8  }
0xa8: {  	v8 =	vld [tilespmem:s26+$0xFFFFFFD0];
	_ =	sdelay $0x3  }
0xa9: {  	v10 =	vadd.s32 v1, v9  }
0xaa: {  	v8 =	vmul.f32 $8.000000000e+00, v8;
	_ =	sdelay $0x1  }
0xab: {  	v8 =	vadd.f32 v8, v5;
	_ =	sdelay $0x1  }
0xac: {  	[tilespmem:v10+s16+$0x0] =	vst.idx.msk $0xffff, v8  }
0xad: {  	v8 =	vld [tilespmem:s26+$0xFFFFFFE0];
	_ =	sdelay $0x3  }
0xae: {  	v10 =	vadd.s32 v2, v9  }
0xaf: {  	v8 =	vmul.f32 $8.000000000e+00, v8;
	_ =	sdelay $0x1  }
0xb0: {  	v8 =	vadd.f32 v8, v6;
	_ =	sdelay $0x1  }
0xb1: {  	[tilespmem:v10+s16+$0x0] =	vst.idx.msk $0xffff, v8  }
0xb2: {  	v8 =	vld [tilespmem:s26+$0xFFFFFFF0];
	_ =	sdelay $0x3  }
0xb3: {  	v9 =	vadd.s32 v3, v9  }
0xb4: {  	v8 =	vmul.f32 $8.000000000e+00, v8;
	_ =	sdelay $0x1  }
0xb5: {  	v8 =	vadd.f32 v8, v7;
	_ =	sdelay $0x1  }
0xb6: {  	[tilespmem:v9+s16+$0x0] =	vst.idx.msk $0xffff, v8  }
0xb7: {  	v8 =	vld [tilespmem:s26+$0x0]  }
0xb8: {  	s0 =	sadd.s32 $0x2, s29  }
0xb9: {  	v9 =	vmov s0  }
0xba: {  	v9 =	vand.u32 $0x7E, v9  }
0xbb: {  	v10 =	vadd.s32 v0, v9  }
0xbc: {  	v8 =	vmul.f32 $8.000000000e+00, v8;
	_ =	sdelay $0x1  }
0xbd: {  	v8 =	vadd.f32 v8, v4;
	_ =	sdelay $0x1  }
0xbe: {  	[tilespmem:v10+s16+$0x0] =	vst.idx.msk $0xffff, v8  }
0xbf: {  	v8 =	vld [tilespmem:s26+$0x10];
	_ =	sdelay $0x3  }
0xc0: {  	v10 =	vadd.s32 v1, v9  }
0xc1: {  	v8 =	vmul.f32 $8.000000000e+00, v8;
	_ =	sdelay $0x1  }
0xc2: {  	v8 =	vadd.f32 v8, v5;
	_ =	sdelay $0x1  }
0xc3: {  	[tilespmem:v10+s16+$0x0] =	vst.idx.msk $0xffff, v8  }
0xc4: {  	v8 =	vld [tilespmem:s26+$0x20];
	_ =	sdelay $0x3  }
0xc5: {  	v10 =	vadd.s32 v2, v9  }
0xc6: {  	v8 =	vmul.f32 $8.000000000e+00, v8;
	_ =	sdelay $0x1  }
0xc7: {  	v8 =	vadd.f32 v8, v6;
	_ =	sdelay $0x1  }
0xc8: {  	[tilespmem:v10+s16+$0x0] =	vst.idx.msk $0xffff, v8  }
0xc9: {  	v8 =	vld [tilespmem:s26+$0x30];
	_ =	sdelay $0x3  }
0xca: {  	v9 =	vadd.s32 v3, v9  }
0xcb: {  	v8 =	vmul.f32 $8.000000000e+00, v8;
	_ =	sdelay $0x1  }
0xcc: {  	v8 =	vadd.f32 v8, v7;
	_ =	sdelay $0x1  }
0xcd: {  	[tilespmem:v9+s16+$0x0] =	vst.idx.msk $0xffff, v8  }
0xce: {  	v8 =	vld [tilespmem:s26+$0x40]  }
0xcf: {  	s0 =	sadd.s32 $0x3, s29  }
0xd0: {  	v9 =	vmov s0  }
0xd1: {  	v9 =	vand.u32 $0x7F, v9  }
0xd2: {  	v10 =	vadd.s32 v0, v9  }
0xd3: {  	v8 =	vmul.f32 $8.000000000e+00, v8;
	_ =	sdelay $0x1  }
0xd4: {  	v8 =	vadd.f32 v8, v4;
	_ =	sdelay $0x1  }
0xd5: {  	[tilespmem:v10+s16+$0x0] =	vst.idx.msk $0xffff, v8  }
0xd6: {  	v8 =	vld [tilespmem:s26+$0x50];
	_ =	sdelay $0x3  }
0xd7: {  	v10 =	vadd.s32 v1, v9  }
0xd8: {  	v8 =	vmul.f32 $8.000000000e+00, v8;
	_ =	sdelay $0x1  }
0xd9: {  	v8 =	vadd.f32 v8, v5;
	_ =	sdelay $0x1  }
0xda: {  	[tilespmem:v10+s16+$0x0] =	vst.idx.msk $0xffff, v8  }
0xdb: {  	v8 =	vld [tilespmem:s26+$0x60];
	_ =	sdelay $0x3  }
0xdc: {  	v10 =	vadd.s32 v2, v9  }
0xdd: {  	v8 =	vmul.f32 $8.000000000e+00, v8;
	_ =	sdelay $0x1  }
0xde: {  	v8 =	vadd.f32 v8, v6;
	_ =	sdelay $0x1  }
0xdf: {  	[tilespmem:v10+s16+$0x0] =	vst.idx.msk $0xffff, v8  }
0xe0: {  	v10 =	vld [tilespmem:s26+$0x70];
	_ =	sdelay $0x2  }
.Ltmp2:
0xe1: {  	(pc) =	sbr.rel @p1 .LBB2_7-.Ltmp2, $3  }
0xe2: {  	v8 =	vadd.s32 v3, v9  }
0xe3: {  	v9 =	vmul.f32 $8.000000000e+00, v10;
	_ =	sdelay $0x1  }
0xe4: {  	v9 =	vadd.f32 v9, v7  }
0xe5: {  	_ =	sdelay $0x2  }
0xe6: {  	s0 =	sshll.u32 s24, $0x2  }
0xe7: {  	s28 =	simm.s32 $0x84F0;
	[tilespmem:v8+s16+$0x0] =	vst.idx.msk $0xffff, v9;
	s26 =	sor.u32 $0x1, s0  }
0xe8: {  	s0 =	sshll.u32 s26, $0x6;
	v5 =	vld [tilespmem:s28+$0xFFFFFF10]  }
0xe9: {  	s29 =	simm.s32 $0x0;
	s0 =	sand.u32 $0x3FFFFF40, s0  }
0xea: {  	v6 =	vmov s29;
	v4 =	vld [tilespmem:s0+$0x16C00]  }
0xeb: {  	v8 =	vand.u32 $0x7C, v6  }
0xec: {  	v9 =	vadd.s32 v0, v8  }
0xed: {  	v7 =	vmul.f32 $8.000000000e+00, v5;
	_ =	sdelay $0x1  }
0xee: {  	v6 =	vld [tilespmem:s0+$0x16C20];
	v10 =	vadd.f32 v7, v4  }
0xef: {  	v5 =	vld [tilespmem:s0+$0x16C10]  }
0xf0: {  	v7 =	vld [tilespmem:s0+$0x16C30];
	[tilespmem:v9+s17+$0x0] =	vst.idx.msk $0xffff, v10  }
0xf1: {  	v9 =	vld [tilespmem:s28+$0xFFFFFF20];
	_ =	sdelay $0x3  }
0xf2: {  	v10 =	vadd.s32 v1, v8  }
0xf3: {  	v9 =	vmul.f32 $8.000000000e+00, v9;
	_ =	sdelay $0x1  }
0xf4: {  	v9 =	vadd.f32 v9, v5;
	_ =	sdelay $0x1  }
0xf5: {  	[tilespmem:v10+s17+$0x0] =	vst.idx.msk $0xffff, v9  }
0xf6: {  	v9 =	vld [tilespmem:s28+$0xFFFFFF30];
	_ =	sdelay $0x3  }
0xf7: {  	v10 =	vadd.s32 v2, v8  }
0xf8: {  	v9 =	vmul.f32 $8.000000000e+00, v9;
	_ =	sdelay $0x1  }
0xf9: {  	v9 =	vadd.f32 v9, v6;
	_ =	sdelay $0x1  }
0xfa: {  	[tilespmem:v10+s17+$0x0] =	vst.idx.msk $0xffff, v9  }
0xfb: {  	v9 =	vld [tilespmem:s28+$0xFFFFFF40];
	_ =	sdelay $0x3  }
0xfc: {  	v8 =	vadd.s32 v3, v8  }
0xfd: {  	v9 =	vmul.f32 $8.000000000e+00, v9;
	_ =	sdelay $0x1  }
0xfe: {  	v9 =	vadd.f32 v9, v7;
	_ =	sdelay $0x1  }
0xff: {  	[tilespmem:v8+s17+$0x0] =	vst.idx.msk $0xffff, v9  }
0x100: {  	v8 =	vld [tilespmem:s28+$0xFFFFFF50]  }
0x101: {  	s1 =	simm.s32 $0x1  }
0x102: {  	v9 =	vmov s1  }
0x103: {  	v9 =	vand.u32 $0x7D, v9  }
0x104: {  	v10 =	vadd.s32 v0, v9  }
0x105: {  	v8 =	vmul.f32 $8.000000000e+00, v8;
	_ =	sdelay $0x1  }
0x106: {  	v8 =	vadd.f32 v8, v4;
	_ =	sdelay $0x1  }
0x107: {  	[tilespmem:v10+s17+$0x0] =	vst.idx.msk $0xffff, v8  }
0x108: {  	v8 =	vld [tilespmem:s28+$0xFFFFFF60];
	_ =	sdelay $0x3  }
0x109: {  	v10 =	vadd.s32 v1, v9  }
0x10a: {  	v8 =	vmul.f32 $8.000000000e+00, v8;
	_ =	sdelay $0x1  }
0x10b: {  	v8 =	vadd.f32 v8, v5;
	_ =	sdelay $0x1  }
0x10c: {  	[tilespmem:v10+s17+$0x0] =	vst.idx.msk $0xffff, v8  }
0x10d: {  	v8 =	vld [tilespmem:s28+$0xFFFFFF70];
	_ =	sdelay $0x3  }
0x10e: {  	v10 =	vadd.s32 v2, v9  }
0x10f: {  	v8 =	vmul.f32 $8.000000000e+00, v8;
	_ =	sdelay $0x1  }
0x110: {  	v8 =	vadd.f32 v8, v6;
	_ =	sdelay $0x1  }
0x111: {  	[tilespmem:v10+s17+$0x0] =	vst.idx.msk $0xffff, v8  }
0x112: {  	v8 =	vld [tilespmem:s28+$0xFFFFFF80];
	_ =	sdelay $0x3  }
0x113: {  	v9 =	vadd.s32 v3, v9  }
0x114: {  	v8 =	vmul.f32 $8.000000000e+00, v8;
	_ =	sdelay $0x1  }
0x115: {  	v8 =	vadd.f32 v8, v7;
	_ =	sdelay $0x1  }
0x116: {  	[tilespmem:v9+s17+$0x0] =	vst.idx.msk $0xffff, v8  }
0x117: {  	v8 =	vld [tilespmem:s28+$0xFFFFFF90]  }
0x118: {  	s30 =	simm.s32 $0x2  }
0x119: {  	v9 =	vmov s30  }
0x11a: {  	v9 =	vand.u32 $0x7E, v9  }
0x11b: {  	v10 =	vadd.s32 v0, v9  }
0x11c: {  	v8 =	vmul.f32 $8.000000000e+00, v8;
	_ =	sdelay $0x1  }
0x11d: {  	v8 =	vadd.f32 v8, v4;
	_ =	sdelay $0x1  }
0x11e: {  	[tilespmem:v10+s17+$0x0] =	vst.idx.msk $0xffff, v8  }
0x11f: {  	v8 =	vld [tilespmem:s28+$0xFFFFFFA0];
	_ =	sdelay $0x3  }
0x120: {  	v10 =	vadd.s32 v1, v9  }
0x121: {  	v8 =	vmul.f32 $8.000000000e+00, v8;
	_ =	sdelay $0x1  }
0x122: {  	v8 =	vadd.f32 v8, v5;
	_ =	sdelay $0x1  }
0x123: {  	[tilespmem:v10+s17+$0x0] =	vst.idx.msk $0xffff, v8  }
0x124: {  	v8 =	vld [tilespmem:s28+$0xFFFFFFB0];
	_ =	sdelay $0x3  }
0x125: {  	v10 =	vadd.s32 v2, v9  }
0x126: {  	v8 =	vmul.f32 $8.000000000e+00, v8;
	_ =	sdelay $0x1  }
0x127: {  	v8 =	vadd.f32 v8, v6;
	_ =	sdelay $0x1  }
0x128: {  	[tilespmem:v10+s17+$0x0] =	vst.idx.msk $0xffff, v8  }
0x129: {  	v8 =	vld [tilespmem:s28+$0xFFFFFFC0];
	_ =	sdelay $0x3  }
0x12a: {  	v9 =	vadd.s32 v3, v9  }
0x12b: {  	v8 =	vmul.f32 $8.000000000e+00, v8;
	_ =	sdelay $0x1  }
0x12c: {  	v8 =	vadd.f32 v8, v7;
	_ =	sdelay $0x1  }
0x12d: {  	[tilespmem:v9+s17+$0x0] =	vst.idx.msk $0xffff, v8  }
0x12e: {  	v8 =	vld [tilespmem:s28+$0xFFFFFFD0]  }
0x12f: {  	s31 =	simm.s32 $0x3  }
0x130: {  	v9 =	vmov s31  }
0x131: {  	v9 =	vand.u32 $0x7F, v9  }
0x132: {  	v10 =	vadd.s32 v0, v9  }
0x133: {  	v8 =	vmul.f32 $8.000000000e+00, v8;
	_ =	sdelay $0x1  }
0x134: {  	v8 =	vadd.f32 v8, v4;
	_ =	sdelay $0x1  }
0x135: {  	[tilespmem:v10+s17+$0x0] =	vst.idx.msk $0xffff, v8  }
0x136: {  	v8 =	vld [tilespmem:s28+$0xFFFFFFE0];
	_ =	sdelay $0x3  }
0x137: {  	v10 =	vadd.s32 v1, v9  }
0x138: {  	v8 =	vmul.f32 $8.000000000e+00, v8;
	_ =	sdelay $0x1  }
0x139: {  	v8 =	vadd.f32 v8, v5;
	_ =	sdelay $0x1  }
0x13a: {  	[tilespmem:v10+s17+$0x0] =	vst.idx.msk $0xffff, v8  }
0x13b: {  	v8 =	vld [tilespmem:s28+$0xFFFFFFF0];
	_ =	sdelay $0x3  }
0x13c: {  	v10 =	vadd.s32 v2, v9  }
0x13d: {  	v8 =	vmul.f32 $8.000000000e+00, v8;
	_ =	sdelay $0x1  }
0x13e: {  	v8 =	vadd.f32 v8, v6;
	_ =	sdelay $0x1  }
0x13f: {  	[tilespmem:v10+s17+$0x0] =	vst.idx.msk $0xffff, v8  }
0x140: {  	v8 =	vld [tilespmem:s28+$0x0];
	_ =	sdelay $0x4  }
0x141: {  	v10 =	vmul.f32 $8.000000000e+00, v8;
	v8 =	vadd.s32 v3, v9;
	_ =	sdelay $0x2  }
0x142: {  	s29 =	simm.s32 $0x4;
	v9 =	vadd.f32 v10, v7  }
.LBB2_9:
0x143: {  	p1 =	slt.u32 s29, $0x7C  }
0x144: {  	s28 =	sadd.s32 $0x100, s28;
	s30 =	smov.u32 s29;
	s29 =	sadd.s32 $0x4, s29;
	[tilespmem:v8+s17+$0x0] =	vst.idx.msk $0xffff, v9  }
0x145: {  	v8 =	vld [tilespmem:s28+$0xFFFFFF10];
	_ =	sdelay $0x1  }
0x146: {  	v9 =	vmov s30  }
0x147: {  	v9 =	vand.u32 $0x7C, v9  }
0x148: {  	v10 =	vadd.s32 v0, v9  }
0x149: {  	v8 =	vmul.f32 $8.000000000e+00, v8;
	_ =	sdelay $0x1  }
0x14a: {  	v8 =	vadd.f32 v8, v4;
	_ =	sdelay $0x1  }
0x14b: {  	[tilespmem:v10+s17+$0x0] =	vst.idx.msk $0xffff, v8  }
0x14c: {  	v8 =	vld [tilespmem:s28+$0xFFFFFF20];
	_ =	sdelay $0x3  }
0x14d: {  	v10 =	vadd.s32 v1, v9  }
0x14e: {  	v8 =	vmul.f32 $8.000000000e+00, v8;
	_ =	sdelay $0x1  }
0x14f: {  	v8 =	vadd.f32 v8, v5;
	_ =	sdelay $0x1  }
0x150: {  	[tilespmem:v10+s17+$0x0] =	vst.idx.msk $0xffff, v8  }
0x151: {  	v8 =	vld [tilespmem:s28+$0xFFFFFF30];
	_ =	sdelay $0x3  }
0x152: {  	v10 =	vadd.s32 v2, v9  }
0x153: {  	v8 =	vmul.f32 $8.000000000e+00, v8;
	_ =	sdelay $0x1  }
0x154: {  	v8 =	vadd.f32 v8, v6;
	_ =	sdelay $0x1  }
0x155: {  	[tilespmem:v10+s17+$0x0] =	vst.idx.msk $0xffff, v8  }
0x156: {  	v8 =	vld [tilespmem:s28+$0xFFFFFF40];
	_ =	sdelay $0x3  }
0x157: {  	v9 =	vadd.s32 v3, v9  }
0x158: {  	v8 =	vmul.f32 $8.000000000e+00, v8;
	_ =	sdelay $0x1  }
0x159: {  	v8 =	vadd.f32 v8, v7;
	_ =	sdelay $0x1  }
0x15a: {  	[tilespmem:v9+s17+$0x0] =	vst.idx.msk $0xffff, v8  }
0x15b: {  	v8 =	vld [tilespmem:s28+$0xFFFFFF50]  }
0x15c: {  	s0 =	sadd.s32 $0x1, s30  }
0x15d: {  	v9 =	vmov s0  }
0x15e: {  	v9 =	vand.u32 $0x7D, v9  }
0x15f: {  	v10 =	vadd.s32 v0, v9  }
0x160: {  	v8 =	vmul.f32 $8.000000000e+00, v8;
	_ =	sdelay $0x1  }
0x161: {  	v8 =	vadd.f32 v8, v4;
	_ =	sdelay $0x1  }
0x162: {  	[tilespmem:v10+s17+$0x0] =	vst.idx.msk $0xffff, v8  }
0x163: {  	v8 =	vld [tilespmem:s28+$0xFFFFFF60];
	_ =	sdelay $0x3  }
0x164: {  	v10 =	vadd.s32 v1, v9  }
0x165: {  	v8 =	vmul.f32 $8.000000000e+00, v8;
	_ =	sdelay $0x1  }
0x166: {  	v8 =	vadd.f32 v8, v5;
	_ =	sdelay $0x1  }
0x167: {  	[tilespmem:v10+s17+$0x0] =	vst.idx.msk $0xffff, v8  }
0x168: {  	v8 =	vld [tilespmem:s28+$0xFFFFFF70];
	_ =	sdelay $0x3  }
0x169: {  	v10 =	vadd.s32 v2, v9  }
0x16a: {  	v8 =	vmul.f32 $8.000000000e+00, v8;
	_ =	sdelay $0x1  }
0x16b: {  	v8 =	vadd.f32 v8, v6;
	_ =	sdelay $0x1  }
0x16c: {  	[tilespmem:v10+s17+$0x0] =	vst.idx.msk $0xffff, v8  }
0x16d: {  	v8 =	vld [tilespmem:s28+$0xFFFFFF80];
	_ =	sdelay $0x3  }
0x16e: {  	v9 =	vadd.s32 v3, v9  }
0x16f: {  	v8 =	vmul.f32 $8.000000000e+00, v8;
	_ =	sdelay $0x1  }
0x170: {  	v8 =	vadd.f32 v8, v7;
	_ =	sdelay $0x1  }
0x171: {  	[tilespmem:v9+s17+$0x0] =	vst.idx.msk $0xffff, v8  }
0x172: {  	v8 =	vld [tilespmem:s28+$0xFFFFFF90]  }
0x173: {  	s0 =	sadd.s32 $0x2, s30  }
0x174: {  	v9 =	vmov s0  }
0x175: {  	v9 =	vand.u32 $0x7E, v9  }
0x176: {  	v10 =	vadd.s32 v0, v9  }
0x177: {  	v8 =	vmul.f32 $8.000000000e+00, v8;
	_ =	sdelay $0x1  }
0x178: {  	v8 =	vadd.f32 v8, v4;
	_ =	sdelay $0x1  }
0x179: {  	[tilespmem:v10+s17+$0x0] =	vst.idx.msk $0xffff, v8  }
0x17a: {  	v8 =	vld [tilespmem:s28+$0xFFFFFFA0];
	_ =	sdelay $0x3  }
0x17b: {  	v10 =	vadd.s32 v1, v9  }
0x17c: {  	v8 =	vmul.f32 $8.000000000e+00, v8;
	_ =	sdelay $0x1  }
0x17d: {  	v8 =	vadd.f32 v8, v5;
	_ =	sdelay $0x1  }
0x17e: {  	[tilespmem:v10+s17+$0x0] =	vst.idx.msk $0xffff, v8  }
0x17f: {  	v8 =	vld [tilespmem:s28+$0xFFFFFFB0];
	_ =	sdelay $0x3  }
0x180: {  	v10 =	vadd.s32 v2, v9  }
0x181: {  	v8 =	vmul.f32 $8.000000000e+00, v8;
	_ =	sdelay $0x1  }
0x182: {  	v8 =	vadd.f32 v8, v6;
	_ =	sdelay $0x1  }
0x183: {  	[tilespmem:v10+s17+$0x0] =	vst.idx.msk $0xffff, v8  }
0x184: {  	v8 =	vld [tilespmem:s28+$0xFFFFFFC0];
	_ =	sdelay $0x3  }
0x185: {  	v9 =	vadd.s32 v3, v9  }
0x186: {  	v8 =	vmul.f32 $8.000000000e+00, v8;
	_ =	sdelay $0x1  }
0x187: {  	v8 =	vadd.f32 v8, v7;
	_ =	sdelay $0x1  }
0x188: {  	[tilespmem:v9+s17+$0x0] =	vst.idx.msk $0xffff, v8  }
0x189: {  	v8 =	vld [tilespmem:s28+$0xFFFFFFD0]  }
0x18a: {  	s0 =	sadd.s32 $0x3, s30  }
0x18b: {  	v9 =	vmov s0  }
0x18c: {  	v9 =	vand.u32 $0x7F, v9  }
0x18d: {  	v10 =	vadd.s32 v0, v9  }
0x18e: {  	v8 =	vmul.f32 $8.000000000e+00, v8;
	_ =	sdelay $0x1  }
0x18f: {  	v8 =	vadd.f32 v8, v4;
	_ =	sdelay $0x1  }
0x190: {  	[tilespmem:v10+s17+$0x0] =	vst.idx.msk $0xffff, v8  }
0x191: {  	v8 =	vld [tilespmem:s28+$0xFFFFFFE0];
	_ =	sdelay $0x3  }
0x192: {  	v10 =	vadd.s32 v1, v9  }
0x193: {  	v8 =	vmul.f32 $8.000000000e+00, v8;
	_ =	sdelay $0x1  }
0x194: {  	v8 =	vadd.f32 v8, v5;
	_ =	sdelay $0x1  }
0x195: {  	[tilespmem:v10+s17+$0x0] =	vst.idx.msk $0xffff, v8  }
0x196: {  	v8 =	vld [tilespmem:s28+$0xFFFFFFF0];
	_ =	sdelay $0x3  }
0x197: {  	v10 =	vadd.s32 v2, v9  }
0x198: {  	v8 =	vmul.f32 $8.000000000e+00, v8;
	_ =	sdelay $0x1  }
0x199: {  	v8 =	vadd.f32 v8, v6;
	_ =	sdelay $0x1  }
0x19a: {  	[tilespmem:v10+s17+$0x0] =	vst.idx.msk $0xffff, v8  }
0x19b: {  	v10 =	vld [tilespmem:s28+$0x0];
	_ =	sdelay $0x2  }
.Ltmp3:
0x19c: {  	(pc) =	sbr.rel @p1 .LBB2_9-.Ltmp3, $3  }
0x19d: {  	v8 =	vadd.s32 v3, v9  }
0x19e: {  	v9 =	vmul.f32 $8.000000000e+00, v10;
	_ =	sdelay $0x1  }
0x19f: {  	v9 =	vadd.f32 v9, v7  }
0x1a0: {  	_ = 	snop  }
0x1a1: {  	s0 =	sshll.u32 s24, $0x14  }
0x1a2: {  	s0 =	sor.u32 s6, s0  }
0x1a3: {  	s0 =	sshrl.u32 s0, $0x3  }
0x1a4: {  	s1 =	simm.s32 $0xE400;
	[tilespmem:v8+s17+$0x0] =	vst.idx.msk $0xffff, v9;
	s29 =	sadd.s32 s2, s0  }
0x1a5: {  	[hbm4b:s29+s3] =	stream.linear.scatter [tilespmem:s1], [sflag:$0x3], $0x80, $0x38;
	[tilespmem:$0x19E00] =	vst v63  }
0x1a6: {  	s1 =	simm.s32 $0xE488;
	s28 =	sadd.s32 $0x10, s29  }
0x1a7: {  	[hbm4b:s28+s3] =	stream.linear.scatter [tilespmem:s1], [sflag:$0x3], $0x80, $0x38;
	[tilespmem:$0x19E00] =	vst v63  }
0x1a8: {  	s1 =	simm.s32 $0xE510;
	s28 =	sadd.s32 $0x20, s29  }
0x1a9: {  	[hbm4b:s28+s3] =	stream.linear.scatter [tilespmem:s1], [sflag:$0x3], $0x80, $0x38;
	[tilespmem:$0x19E00] =	vst v63  }
0x1aa: {  	s1 =	simm.s32 $0xE598;
	s28 =	sadd.s32 $0x30, s29  }
0x1ab: {  	[hbm4b:s28+s3] =	stream.linear.scatter [tilespmem:s1], [sflag:$0x3], $0x80, $0x38;
	[tilespmem:$0x19E00] =	vst v63  }
0x1ac: {  	s1 =	simm.s32 $0xE620;
	s28 =	sadd.s32 $0x40, s29  }
0x1ad: {  	[hbm4b:s28+s3] =	stream.linear.scatter [tilespmem:s1], [sflag:$0x3], $0x80, $0x38;
	[tilespmem:$0x19E00] =	vst v63  }
0x1ae: {  	s30 =	simm.s32 $0x2200;
	s1 =	simm.s32 $0xE6A8;
	s28 =	sadd.s32 $0x50, s29  }
0x1af: {  	[hbm4b:s28+s3] =	stream.linear.scatter [tilespmem:s1], [sflag:$0x3], $0x80, $0x38;
	[tilespmem:$0x19E00] =	vst v63  }
0x1b0: {  	s31 =	simm.s32 $0xE7B8;
	s1 =	simm.s32 $0xE730;
	s28 =	sadd.s32 $0x60, s29  }
0x1b1: {  	[hbm4b:s28+s3] =	stream.linear.scatter [tilespmem:s1], [sflag:$0x3], $0x80, $0x38;
	[tilespmem:$0x19E00] =	vst v63  }
0x1b2: {  	s0 =	sadd.s32 $0x70, s29;
	s29 =	sadd.s32 $0x1000, s29;
	s28 =	simm.s32 $0x440  }
.LBB2_11:
0x1b3: {  	[hbm4b:s0+s3] =	stream.linear.scatter [tilespmem:s31], [sflag:$0x3], $0x80, $0x38;
	[tilespmem:$0x19E00] =	vst v63  }
0x1b4: {  	s0 =	smov.u32 s28;
	s28 =	smov.u32 s30  }
0x1b5: {  	s1 =	sadd.s32 $0x1100, s30;
	s28 =	sshra.s32 s28, $0x2;
	s31 =	sadd.s32 $0xE400, s0  }
0x1b6: {  	[hbm4b:s29+s3] =	stream.linear.scatter [tilespmem:s31], [sflag:$0x3], $0x80, $0x38;
	[tilespmem:$0x19E00] =	vst v63  }
0x1b7: {  	p1 =	sne.s32 s30, $0x7700;
	s30 =	sadd.s32 $0xE488, s0;
	s31 =	sadd.s32 $0x10, s29  }
0x1b8: {  	[hbm4b:s31+s3] =	stream.linear.scatter [tilespmem:s30], [sflag:$0x3], $0x80, $0x38;
	[tilespmem:$0x19E00] =	vst v63  }
0x1b9: {  	s30 =	sadd.s32 $0xE510, s0;
	s31 =	sadd.s32 $0x20, s29  }
0x1ba: {  	[hbm4b:s31+s3] =	stream.linear.scatter [tilespmem:s30], [sflag:$0x3], $0x80, $0x38;
	[tilespmem:$0x19E00] =	vst v63  }
0x1bb: {  	s30 =	sadd.s32 $0xE598, s0;
	s31 =	sadd.s32 $0x30, s29  }
0x1bc: {  	[hbm4b:s31+s3] =	stream.linear.scatter [tilespmem:s30], [sflag:$0x3], $0x80, $0x38;
	[tilespmem:$0x19E00] =	vst v63  }
0x1bd: {  	s30 =	sadd.s32 $0xE620, s0;
	s31 =	sadd.s32 $0x40, s29  }
0x1be: {  	[hbm4b:s31+s3] =	stream.linear.scatter [tilespmem:s30], [sflag:$0x3], $0x80, $0x38;
	[tilespmem:$0x19E00] =	vst v63  }
0x1bf: {  	s30 =	sadd.s32 $0xE6A8, s0;
	s31 =	sadd.s32 $0x50, s29  }
0x1c0: {  	[hbm4b:s31+s3] =	stream.linear.scatter [tilespmem:s30], [sflag:$0x3], $0x80, $0x38;
	[tilespmem:$0x19E00] =	vst v63  }
.Ltmp4:
0x1c1: {  	_ = 	snop;
	(pc) =	sbr.rel @p1 .LBB2_11-.Ltmp4, $4  }
0x1c2: {  	s30 =	sadd.s32 $0xE730, s0;
	s31 =	sadd.s32 $0x60, s29  }
0x1c3: {  	[hbm4b:s31+s3] =	stream.linear.scatter [tilespmem:s30], [sflag:$0x3], $0x80, $0x38;
	[tilespmem:$0x19E00] =	vst v63  }
0x1c4: {  	s31 =	sadd.s32 $0xE7B8, s0  }
0x1c5: {  	s0 =	sadd.s32 $0x70, s29;
	s29 =	sadd.s32 $0x1000, s29;
	s30 =	smov.u32 s1  }
0x1c6: {  	[hbm4b:s0+s3] =	stream.linear.scatter [tilespmem:s31], [sflag:$0x3], $0x80, $0x38;
	[tilespmem:$0x19E00] =	vst v63  }
0x1c7: {  	s1 =	sadd.s32 $0xE400, s28  }
0x1c8: {  	[hbm4b:s29+s3] =	stream.linear.scatter [tilespmem:s1], [sflag:$0x3], $0x80, $0x38;
	[tilespmem:$0x19E00] =	vst v63  }
0x1c9: {  	s31 =	sadd.s32 $0xE488, s28;
	s1 =	sadd.s32 $0x10, s29  }
0x1ca: {  	[hbm4b:s1+s3] =	stream.linear.scatter [tilespmem:s31], [sflag:$0x3], $0x80, $0x38;
	[tilespmem:$0x19E00] =	vst v63  }
0x1cb: {  	s1 =	sadd.s32 $0xE510, s28;
	s31 =	sadd.s32 $0x20, s29  }
0x1cc: {  	[hbm4b:s31+s3] =	stream.linear.scatter [tilespmem:s1], [sflag:$0x3], $0x80, $0x38;
	[tilespmem:$0x19E00] =	vst v63  }
0x1cd: {  	s1 =	sadd.s32 $0xE598, s28;
	s31 =	sadd.s32 $0x30, s29  }
0x1ce: {  	[hbm4b:s31+s3] =	stream.linear.scatter [tilespmem:s1], [sflag:$0x3], $0x80, $0x38;
	[tilespmem:$0x19E00] =	vst v63  }
0x1cf: {  	s1 =	sadd.s32 $0xE620, s28;
	s31 =	sadd.s32 $0x40, s29  }
0x1d0: {  	[hbm4b:s31+s3] =	stream.linear.scatter [tilespmem:s1], [sflag:$0x3], $0x80, $0x38;
	[tilespmem:$0x19E00] =	vst v63  }
0x1d1: {  	s26 =	sshll.u32 s26, $0x12;
	s1 =	sadd.s32 $0xE6A8, s28;
	s31 =	sadd.s32 $0x50, s29  }
0x1d2: {  	[hbm4b:s31+s3] =	stream.linear.scatter [tilespmem:s1], [sflag:$0x3], $0x80, $0x38;
	[tilespmem:$0x19E00] =	vst v63  }
0x1d3: {  	s0 =	sor.u32 s6, s26;
	s1 =	sadd.s32 $0xE730, s28;
	s31 =	sadd.s32 $0x60, s29  }
0x1d4: {  	[hbm4b:s31+s3] =	stream.linear.scatter [tilespmem:s1], [sflag:$0x3], $0x80, $0x38;
	[tilespmem:$0x19E00] =	vst v63  }
0x1d5: {  	s0 =	sshrl.u32 s0, $0x3;
	s1 =	sadd.s32 $0xE7B8, s28;
	s31 =	sadd.s32 $0x70, s29  }
0x1d6: {  	[hbm4b:s31+s3] =	stream.linear.scatter [tilespmem:s1], [sflag:$0x3], $0x80, $0x38;
	[tilespmem:$0x19E00] =	vst v63  }
0x1d7: {  	s1 =	sadd.s32 s2, s0;
	s31 =	simm.s32 $0x10600  }
0x1d8: {  	[hbm4b:s1+s3] =	stream.linear.scatter [tilespmem:s31], [sflag:$0x3], $0x80, $0x38;
	[tilespmem:$0x19E00] =	vst v63  }
0x1d9: {  	s26 =	simm.s32 $0x10688;
	s31 =	sadd.s32 $0x10, s1  }
0x1da: {  	[hbm4b:s31+s3] =	stream.linear.scatter [tilespmem:s26], [sflag:$0x3], $0x80, $0x38;
	[tilespmem:$0x19E00] =	vst v63  }
0x1db: {  	s26 =	simm.s32 $0x10710;
	s31 =	sadd.s32 $0x20, s1  }
0x1dc: {  	[hbm4b:s31+s3] =	stream.linear.scatter [tilespmem:s26], [sflag:$0x3], $0x80, $0x38;
	[tilespmem:$0x19E00] =	vst v63  }
0x1dd: {  	s26 =	simm.s32 $0x10798;
	s31 =	sadd.s32 $0x30, s1  }
0x1de: {  	[hbm4b:s31+s3] =	stream.linear.scatter [tilespmem:s26], [sflag:$0x3], $0x80, $0x38;
	[tilespmem:$0x19E00] =	vst v63  }
0x1df: {  	s26 =	simm.s32 $0x10820;
	s31 =	sadd.s32 $0x40, s1  }
0x1e0: {  	[hbm4b:s31+s3] =	stream.linear.scatter [tilespmem:s26], [sflag:$0x3], $0x80, $0x38;
	[tilespmem:$0x19E00] =	vst v63  }
0x1e1: {  	s30 =	simm.s32 $0x109B8;
	s26 =	simm.s32 $0x108A8;
	s31 =	sadd.s32 $0x50, s1  }
0x1e2: {  	[hbm4b:s31+s3] =	stream.linear.scatter [tilespmem:s26], [sflag:$0x3], $0x80, $0x38;
	[tilespmem:$0x19E00] =	vst v63  }
0x1e3: {  	s29 =	simm.s32 $0x2200;
	s26 =	simm.s32 $0x10930;
	s31 =	sadd.s32 $0x60, s1  }
0x1e4: {  	[hbm4b:s31+s3] =	stream.linear.scatter [tilespmem:s26], [sflag:$0x3], $0x80, $0x38;
	[tilespmem:$0x19E00] =	vst v63  }
0x1e5: {  	s0 =	sadd.s32 $0x70, s1;
	s28 =	sadd.s32 $0x1000, s1;
	s26 =	simm.s32 $0x440  }
.LBB2_13:
0x1e6: {  	[hbm4b:s0+s3] =	stream.linear.scatter [tilespmem:s30], [sflag:$0x3], $0x80, $0x38;
	[tilespmem:$0x19E00] =	vst v63  }
0x1e7: {  	s0 =	smov.u32 s26;
	s1 =	smov.u32 s29  }
0x1e8: {  	s26 =	sshra.s32 s1, $0x2;
	s1 =	sadd.s32 $0x1100, s29;
	s30 =	sadd.s32 $0x10600, s0  }
0x1e9: {  	[hbm4b:s28+s3] =	stream.linear.scatter [tilespmem:s30], [sflag:$0x3], $0x80, $0x38;
	[tilespmem:$0x19E00] =	vst v63  }
0x1ea: {  	p1 =	sne.s32 s29, $0x7700;
	s29 =	sadd.s32 $0x10688, s0;
	s30 =	sadd.s32 $0x10, s28  }
0x1eb: {  	[hbm4b:s30+s3] =	stream.linear.scatter [tilespmem:s29], [sflag:$0x3], $0x80, $0x38;
	[tilespmem:$0x19E00] =	vst v63  }
0x1ec: {  	s29 =	sadd.s32 $0x10710, s0;
	s30 =	sadd.s32 $0x20, s28  }
0x1ed: {  	[hbm4b:s30+s3] =	stream.linear.scatter [tilespmem:s29], [sflag:$0x3], $0x80, $0x38;
	[tilespmem:$0x19E00] =	vst v63  }
0x1ee: {  	s29 =	sadd.s32 $0x10798, s0;
	s30 =	sadd.s32 $0x30, s28  }
0x1ef: {  	[hbm4b:s30+s3] =	stream.linear.scatter [tilespmem:s29], [sflag:$0x3], $0x80, $0x38;
	[tilespmem:$0x19E00] =	vst v63  }
0x1f0: {  	s29 =	sadd.s32 $0x10820, s0;
	s30 =	sadd.s32 $0x40, s28  }
0x1f1: {  	[hbm4b:s30+s3] =	stream.linear.scatter [tilespmem:s29], [sflag:$0x3], $0x80, $0x38;
	[tilespmem:$0x19E00] =	vst v63  }
0x1f2: {  	s29 =	sadd.s32 $0x108A8, s0;
	s30 =	sadd.s32 $0x50, s28  }
0x1f3: {  	[hbm4b:s30+s3] =	stream.linear.scatter [tilespmem:s29], [sflag:$0x3], $0x80, $0x38;
	[tilespmem:$0x19E00] =	vst v63  }
.Ltmp5:
0x1f4: {  	_ = 	snop;
	(pc) =	sbr.rel @p1 .LBB2_13-.Ltmp5, $4  }
0x1f5: {  	s29 =	sadd.s32 $0x10930, s0;
	s30 =	sadd.s32 $0x60, s28  }
0x1f6: {  	[hbm4b:s30+s3] =	stream.linear.scatter [tilespmem:s29], [sflag:$0x3], $0x80, $0x38;
	[tilespmem:$0x19E00] =	vst v63  }
0x1f7: {  	s30 =	sadd.s32 $0x109B8, s0  }
0x1f8: {  	s0 =	sadd.s32 $0x70, s28;
	s28 =	sadd.s32 $0x1000, s28;
	s29 =	smov.u32 s1  }
0x1f9: {  	[hbm4b:s0+s3] =	stream.linear.scatter [tilespmem:s30], [sflag:$0x3], $0x80, $0x38;
	[tilespmem:$0x19E00] =	vst v63  }
0x1fa: {  	s30 =	sadd.s32 $0x10600, s26  }
0x1fb: {  	[hbm4b:s28+s3] =	stream.linear.scatter [tilespmem:s30], [sflag:$0x3], $0x80, $0x38;
	[tilespmem:$0x19E00] =	vst v63  }
0x1fc: {  	s31 =	sadd.s32 $0x10688, s26;
	s1 =	sadd.s32 $0x10, s28  }
0x1fd: {  	[hbm4b:s1+s3] =	stream.linear.scatter [tilespmem:s31], [sflag:$0x3], $0x80, $0x38;
	[tilespmem:$0x19E00] =	vst v63  }
0x1fe: {  	s29 =	sadd.s32 $0x20, s28;
	s1 =	sadd.s32 $0x10710, s26  }
0x1ff: {  	[hbm4b:s29+s3] =	stream.linear.scatter [tilespmem:s1], [sflag:$0x3], $0x80, $0x38;
	[tilespmem:$0x19E00] =	vst v63  }
0x200: {  	s30 =	sadd.s32 $0x10798, s26;
	s31 =	sadd.s32 $0x30, s28  }
0x201: {  	[hbm4b:s31+s3] =	stream.linear.scatter [tilespmem:s30], [sflag:$0x3], $0x80, $0x38;
	[tilespmem:$0x19E00] =	vst v63  }
0x202: {  	s1 =	sadd.s32 $0x10820, s26;
	s29 =	sadd.s32 $0x40, s28  }
0x203: {  	[hbm4b:s29+s3] =	stream.linear.scatter [tilespmem:s1], [sflag:$0x3], $0x80, $0x38;
	[tilespmem:$0x19E00] =	vst v63  }
0x204: {  	p1 =	sne.s32 s24, $0x31;
	s30 =	sadd.s32 $0x108A8, s26;
	s31 =	sadd.s32 $0x50, s28  }
0x205: {  	[hbm4b:s31+s3] =	stream.linear.scatter [tilespmem:s30], [sflag:$0x3], $0x80, $0x38;
	[tilespmem:$0x19E00] =	vst v63  }
.Ltmp6:
0x206: {  	_ = 	snop;
	(pc) =	sbr.rel @p1 .LBB2_16-.Ltmp6, $4  }
0x207: {  	s1 =	sadd.s32 $0x10930, s26;
	s29 =	sadd.s32 $0x60, s28  }
0x208: {  	[hbm4b:s29+s3] =	stream.linear.scatter [tilespmem:s1], [sflag:$0x3], $0x80, $0x38;
	[tilespmem:$0x19E00] =	vst v63  }
0x209: {  	s30 =	sadd.s32 $0x109B8, s26;
	s31 =	sadd.s32 $0x70, s28  }
0x20a: {  	[hbm4b:s31+s3] =	stream.linear.scatter [tilespmem:s30], [sflag:$0x3], $0x80, $0x38;
	[tilespmem:$0x19E00] =	vst v63  }
.Ltmp7:
0x20b: {  	(pc) =	sbr.rel .LBB2_17-.Ltmp7, $4  }
0x20c: {  	_ = 	snop  }
0x20d: {  	_ =	swait.ge [sflag:s18], $0x4000  }
0x20e: {  	[sflag:s18] =	ssyncset.done $0x0  }
0x20f: {  	[sflag:s18] =	ssyncadd.s32 $0xFFFFC000  }
.LBB2_16:
0x210: {  	s0 =	sshll.u32 s24, $0x9  }
0x211: {  	s0 =	sand.u32 $0x3FFFFE00, s0  }
.Ltmp8:
0x212: {  	s0 =	sadd.s32 $0x200, s0;
	(pc) =	sbr.rel @p0 .LBB2_18-.Ltmp8, $4  }
0x213: {  	[tilespmem:s13], [sflag:$0x1] =	stream.indirect.gather [hbm4b:s4+s12], $0x40, s0, s12, $0xb8;
	[tilespmem:$0x19E00] =	vst v63  }
0x214: {  	_ =	swait.ge [sflag:s18], $0x4000  }
0x215: {  	[sflag:s18] =	ssyncset.done $0x0  }
0x216: {  	[sflag:s18] =	ssyncadd.s32 $0xFFFFC000  }
.LBB2_17:
0x217: {  	_ =	swait.ge [sflag:s19], $0x2000  }
0x218: {  	[sflag:s19] =	ssyncset.done $0x0  }
0x219: {  	[sflag:s19] =	ssyncadd.s32 $0xFFFFE000  }
0x21a: {  	_ =	swait.ge [sflag:s19], $0x2000  }
0x21b: {  	[sflag:s19] =	ssyncset.done $0x0  }
0x21c: {  	[sflag:s19] =	ssyncadd.s32 $0xFFFFE000  }
.LBB2_18:
0x21d: {  	s26 =	simm.s32 $0xA480  }
0x21e: {  	s0 =	sshll.u32 s25, $0x7;
	v5 =	vld [tilespmem:s26+$0xFFFFFF80]  }
0x21f: {  	s1 =	simm.s32 $0x0;
	s0 =	sand.u32 $0x3FFFFF80, s0  }
0x220: {  	v6 =	vmov s1;
	v4 =	vld [tilespmem:s0+$0x16C00]  }
0x221: {  	v8 =	vand.u32 $0x7C, v6  }
0x222: {  	v9 =	vadd.s32 v0, v8  }
0x223: {  	v7 =	vmul.f32 $8.000000000e+00, v5;
	_ =	sdelay $0x1  }
0x224: {  	v6 =	vld [tilespmem:s0+$0x16C20];
	v10 =	vadd.f32 v7, v4  }
0x225: {  	v5 =	vld [tilespmem:s0+$0x16C10]  }
0x226: {  	v7 =	vld [tilespmem:s0+$0x16C30];
	[tilespmem:v9+s20+$0x0] =	vst.idx.msk $0xffff, v10  }
0x227: {  	v9 =	vld [tilespmem:s26+$0xFFFFFF90];
	_ =	sdelay $0x3  }
0x228: {  	v10 =	vadd.s32 v1, v8  }
0x229: {  	v9 =	vmul.f32 $8.000000000e+00, v9;
	_ =	sdelay $0x1  }
0x22a: {  	v9 =	vadd.f32 v9, v5;
	_ =	sdelay $0x1  }
0x22b: {  	[tilespmem:v10+s20+$0x0] =	vst.idx.msk $0xffff, v9  }
0x22c: {  	v9 =	vld [tilespmem:s26+$0xFFFFFFA0];
	_ =	sdelay $0x3  }
0x22d: {  	v10 =	vadd.s32 v2, v8  }
0x22e: {  	v9 =	vmul.f32 $8.000000000e+00, v9;
	_ =	sdelay $0x1  }
0x22f: {  	v9 =	vadd.f32 v9, v6;
	_ =	sdelay $0x1  }
0x230: {  	[tilespmem:v10+s20+$0x0] =	vst.idx.msk $0xffff, v9  }
0x231: {  	v9 =	vld [tilespmem:s26+$0xFFFFFFB0];
	_ =	sdelay $0x3  }
0x232: {  	v8 =	vadd.s32 v3, v8  }
0x233: {  	v9 =	vmul.f32 $8.000000000e+00, v9;
	_ =	sdelay $0x1  }
0x234: {  	v9 =	vadd.f32 v9, v7;
	_ =	sdelay $0x1  }
0x235: {  	[tilespmem:v8+s20+$0x0] =	vst.idx.msk $0xffff, v9  }
0x236: {  	v8 =	vld [tilespmem:s26+$0xFFFFFFC0]  }
0x237: {  	s29 =	simm.s32 $0x1  }
0x238: {  	v9 =	vmov s29  }
0x239: {  	v9 =	vand.u32 $0x7D, v9  }
0x23a: {  	v10 =	vadd.s32 v0, v9  }
0x23b: {  	v8 =	vmul.f32 $8.000000000e+00, v8;
	_ =	sdelay $0x1  }
0x23c: {  	v8 =	vadd.f32 v8, v4;
	_ =	sdelay $0x1  }
0x23d: {  	[tilespmem:v10+s20+$0x0] =	vst.idx.msk $0xffff, v8  }
0x23e: {  	v8 =	vld [tilespmem:s26+$0xFFFFFFD0];
	_ =	sdelay $0x3  }
0x23f: {  	v10 =	vadd.s32 v1, v9  }
0x240: {  	v8 =	vmul.f32 $8.000000000e+00, v8;
	_ =	sdelay $0x1  }
0x241: {  	v8 =	vadd.f32 v8, v5;
	_ =	sdelay $0x1  }
0x242: {  	[tilespmem:v10+s20+$0x0] =	vst.idx.msk $0xffff, v8  }
0x243: {  	v8 =	vld [tilespmem:s26+$0xFFFFFFE0];
	_ =	sdelay $0x3  }
0x244: {  	v10 =	vadd.s32 v2, v9  }
0x245: {  	v8 =	vmul.f32 $8.000000000e+00, v8;
	_ =	sdelay $0x1  }
0x246: {  	v8 =	vadd.f32 v8, v6;
	_ =	sdelay $0x1  }
0x247: {  	[tilespmem:v10+s20+$0x0] =	vst.idx.msk $0xffff, v8  }
0x248: {  	v8 =	vld [tilespmem:s26+$0xFFFFFFF0];
	_ =	sdelay $0x3  }
0x249: {  	v9 =	vadd.s32 v3, v9  }
0x24a: {  	v8 =	vmul.f32 $8.000000000e+00, v8;
	_ =	sdelay $0x1  }
0x24b: {  	v8 =	vadd.f32 v8, v7;
	_ =	sdelay $0x1  }
0x24c: {  	[tilespmem:v9+s20+$0x0] =	vst.idx.msk $0xffff, v8  }
0x24d: {  	v8 =	vld [tilespmem:s26+$0x0]  }
0x24e: {  	s30 =	simm.s32 $0x2  }
0x24f: {  	v9 =	vmov s30  }
0x250: {  	v9 =	vand.u32 $0x7E, v9  }
0x251: {  	v10 =	vadd.s32 v0, v9  }
0x252: {  	v8 =	vmul.f32 $8.000000000e+00, v8;
	_ =	sdelay $0x1  }
0x253: {  	v8 =	vadd.f32 v8, v4;
	_ =	sdelay $0x1  }
0x254: {  	[tilespmem:v10+s20+$0x0] =	vst.idx.msk $0xffff, v8  }
0x255: {  	v8 =	vld [tilespmem:s26+$0x10];
	_ =	sdelay $0x3  }
0x256: {  	v10 =	vadd.s32 v1, v9  }
0x257: {  	v8 =	vmul.f32 $8.000000000e+00, v8;
	_ =	sdelay $0x1  }
0x258: {  	v8 =	vadd.f32 v8, v5;
	_ =	sdelay $0x1  }
0x259: {  	[tilespmem:v10+s20+$0x0] =	vst.idx.msk $0xffff, v8  }
0x25a: {  	v8 =	vld [tilespmem:s26+$0x20];
	_ =	sdelay $0x3  }
0x25b: {  	v10 =	vadd.s32 v2, v9  }
0x25c: {  	v8 =	vmul.f32 $8.000000000e+00, v8;
	_ =	sdelay $0x1  }
0x25d: {  	v8 =	vadd.f32 v8, v6;
	_ =	sdelay $0x1  }
0x25e: {  	[tilespmem:v10+s20+$0x0] =	vst.idx.msk $0xffff, v8  }
0x25f: {  	v8 =	vld [tilespmem:s26+$0x30];
	_ =	sdelay $0x3  }
0x260: {  	v9 =	vadd.s32 v3, v9  }
0x261: {  	v8 =	vmul.f32 $8.000000000e+00, v8;
	_ =	sdelay $0x1  }
0x262: {  	v8 =	vadd.f32 v8, v7;
	_ =	sdelay $0x1  }
0x263: {  	[tilespmem:v9+s20+$0x0] =	vst.idx.msk $0xffff, v8  }
0x264: {  	v8 =	vld [tilespmem:s26+$0x40]  }
0x265: {  	s31 =	simm.s32 $0x3  }
0x266: {  	v9 =	vmov s31  }
0x267: {  	v9 =	vand.u32 $0x7F, v9  }
0x268: {  	v10 =	vadd.s32 v0, v9  }
0x269: {  	v8 =	vmul.f32 $8.000000000e+00, v8;
	_ =	sdelay $0x1  }
0x26a: {  	v8 =	vadd.f32 v8, v4;
	_ =	sdelay $0x1  }
0x26b: {  	[tilespmem:v10+s20+$0x0] =	vst.idx.msk $0xffff, v8  }
0x26c: {  	v8 =	vld [tilespmem:s26+$0x50];
	_ =	sdelay $0x3  }
0x26d: {  	v10 =	vadd.s32 v1, v9  }
0x26e: {  	v8 =	vmul.f32 $8.000000000e+00, v8;
	_ =	sdelay $0x1  }
0x26f: {  	v8 =	vadd.f32 v8, v5;
	_ =	sdelay $0x1  }
0x270: {  	[tilespmem:v10+s20+$0x0] =	vst.idx.msk $0xffff, v8  }
0x271: {  	v8 =	vld [tilespmem:s26+$0x60];
	_ =	sdelay $0x3  }
0x272: {  	v10 =	vadd.s32 v2, v9  }
0x273: {  	v8 =	vmul.f32 $8.000000000e+00, v8;
	_ =	sdelay $0x1  }
0x274: {  	v8 =	vadd.f32 v8, v6;
	_ =	sdelay $0x1  }
0x275: {  	[tilespmem:v10+s20+$0x0] =	vst.idx.msk $0xffff, v8  }
0x276: {  	v8 =	vld [tilespmem:s26+$0x70];
	_ =	sdelay $0x4  }
0x277: {  	v10 =	vmul.f32 $8.000000000e+00, v8;
	v8 =	vadd.s32 v3, v9;
	_ =	sdelay $0x2  }
0x278: {  	s28 =	simm.s32 $0x4;
	v9 =	vadd.f32 v10, v7  }
.LBB2_19:
0x279: {  	p0 =	slt.u32 s28, $0x7C  }
0x27a: {  	s26 =	sadd.s32 $0x100, s26;
	s29 =	smov.u32 s28;
	s28 =	sadd.s32 $0x4, s28;
	[tilespmem:v8+s20+$0x0] =	vst.idx.msk $0xffff, v9  }
0x27b: {  	v8 =	vld [tilespmem:s26+$0xFFFFFF80];
	_ =	sdelay $0x1  }
0x27c: {  	v9 =	vmov s29  }
0x27d: {  	v9 =	vand.u32 $0x7C, v9  }
0x27e: {  	v10 =	vadd.s32 v0, v9  }
0x27f: {  	v8 =	vmul.f32 $8.000000000e+00, v8;
	_ =	sdelay $0x1  }
0x280: {  	v8 =	vadd.f32 v8, v4;
	_ =	sdelay $0x1  }
0x281: {  	[tilespmem:v10+s20+$0x0] =	vst.idx.msk $0xffff, v8  }
0x282: {  	v8 =	vld [tilespmem:s26+$0xFFFFFF90];
	_ =	sdelay $0x3  }
0x283: {  	v10 =	vadd.s32 v1, v9  }
0x284: {  	v8 =	vmul.f32 $8.000000000e+00, v8;
	_ =	sdelay $0x1  }
0x285: {  	v8 =	vadd.f32 v8, v5;
	_ =	sdelay $0x1  }
0x286: {  	[tilespmem:v10+s20+$0x0] =	vst.idx.msk $0xffff, v8  }
0x287: {  	v8 =	vld [tilespmem:s26+$0xFFFFFFA0];
	_ =	sdelay $0x3  }
0x288: {  	v10 =	vadd.s32 v2, v9  }
0x289: {  	v8 =	vmul.f32 $8.000000000e+00, v8;
	_ =	sdelay $0x1  }
0x28a: {  	v8 =	vadd.f32 v8, v6;
	_ =	sdelay $0x1  }
0x28b: {  	[tilespmem:v10+s20+$0x0] =	vst.idx.msk $0xffff, v8  }
0x28c: {  	v8 =	vld [tilespmem:s26+$0xFFFFFFB0];
	_ =	sdelay $0x3  }
0x28d: {  	v9 =	vadd.s32 v3, v9  }
0x28e: {  	v8 =	vmul.f32 $8.000000000e+00, v8;
	_ =	sdelay $0x1  }
0x28f: {  	v8 =	vadd.f32 v8, v7;
	_ =	sdelay $0x1  }
0x290: {  	[tilespmem:v9+s20+$0x0] =	vst.idx.msk $0xffff, v8  }
0x291: {  	v8 =	vld [tilespmem:s26+$0xFFFFFFC0]  }
0x292: {  	s0 =	sadd.s32 $0x1, s29  }
0x293: {  	v9 =	vmov s0  }
0x294: {  	v9 =	vand.u32 $0x7D, v9  }
0x295: {  	v10 =	vadd.s32 v0, v9  }
0x296: {  	v8 =	vmul.f32 $8.000000000e+00, v8;
	_ =	sdelay $0x1  }
0x297: {  	v8 =	vadd.f32 v8, v4;
	_ =	sdelay $0x1  }
0x298: {  	[tilespmem:v10+s20+$0x0] =	vst.idx.msk $0xffff, v8  }
0x299: {  	v8 =	vld [tilespmem:s26+$0xFFFFFFD0];
	_ =	sdelay $0x3  }
0x29a: {  	v10 =	vadd.s32 v1, v9  }
0x29b: {  	v8 =	vmul.f32 $8.000000000e+00, v8;
	_ =	sdelay $0x1  }
0x29c: {  	v8 =	vadd.f32 v8, v5;
	_ =	sdelay $0x1  }
0x29d: {  	[tilespmem:v10+s20+$0x0] =	vst.idx.msk $0xffff, v8  }
0x29e: {  	v8 =	vld [tilespmem:s26+$0xFFFFFFE0];
	_ =	sdelay $0x3  }
0x29f: {  	v10 =	vadd.s32 v2, v9  }
0x2a0: {  	v8 =	vmul.f32 $8.000000000e+00, v8;
	_ =	sdelay $0x1  }
0x2a1: {  	v8 =	vadd.f32 v8, v6;
	_ =	sdelay $0x1  }
0x2a2: {  	[tilespmem:v10+s20+$0x0] =	vst.idx.msk $0xffff, v8  }
0x2a3: {  	v8 =	vld [tilespmem:s26+$0xFFFFFFF0];
	_ =	sdelay $0x3  }
0x2a4: {  	v9 =	vadd.s32 v3, v9  }
0x2a5: {  	v8 =	vmul.f32 $8.000000000e+00, v8;
	_ =	sdelay $0x1  }
0x2a6: {  	v8 =	vadd.f32 v8, v7;
	_ =	sdelay $0x1  }
0x2a7: {  	[tilespmem:v9+s20+$0x0] =	vst.idx.msk $0xffff, v8  }
0x2a8: {  	v8 =	vld [tilespmem:s26+$0x0]  }
0x2a9: {  	s0 =	sadd.s32 $0x2, s29  }
0x2aa: {  	v9 =	vmov s0  }
0x2ab: {  	v9 =	vand.u32 $0x7E, v9  }
0x2ac: {  	v10 =	vadd.s32 v0, v9  }
0x2ad: {  	v8 =	vmul.f32 $8.000000000e+00, v8;
	_ =	sdelay $0x1  }
0x2ae: {  	v8 =	vadd.f32 v8, v4;
	_ =	sdelay $0x1  }
0x2af: {  	[tilespmem:v10+s20+$0x0] =	vst.idx.msk $0xffff, v8  }
0x2b0: {  	v8 =	vld [tilespmem:s26+$0x10];
	_ =	sdelay $0x3  }
0x2b1: {  	v10 =	vadd.s32 v1, v9  }
0x2b2: {  	v8 =	vmul.f32 $8.000000000e+00, v8;
	_ =	sdelay $0x1  }
0x2b3: {  	v8 =	vadd.f32 v8, v5;
	_ =	sdelay $0x1  }
0x2b4: {  	[tilespmem:v10+s20+$0x0] =	vst.idx.msk $0xffff, v8  }
0x2b5: {  	v8 =	vld [tilespmem:s26+$0x20];
	_ =	sdelay $0x3  }
0x2b6: {  	v10 =	vadd.s32 v2, v9  }
0x2b7: {  	v8 =	vmul.f32 $8.000000000e+00, v8;
	_ =	sdelay $0x1  }
0x2b8: {  	v8 =	vadd.f32 v8, v6;
	_ =	sdelay $0x1  }
0x2b9: {  	[tilespmem:v10+s20+$0x0] =	vst.idx.msk $0xffff, v8  }
0x2ba: {  	v8 =	vld [tilespmem:s26+$0x30];
	_ =	sdelay $0x3  }
0x2bb: {  	v9 =	vadd.s32 v3, v9  }
0x2bc: {  	v8 =	vmul.f32 $8.000000000e+00, v8;
	_ =	sdelay $0x1  }
0x2bd: {  	v8 =	vadd.f32 v8, v7;
	_ =	sdelay $0x1  }
0x2be: {  	[tilespmem:v9+s20+$0x0] =	vst.idx.msk $0xffff, v8  }
0x2bf: {  	v8 =	vld [tilespmem:s26+$0x40]  }
0x2c0: {  	s0 =	sadd.s32 $0x3, s29  }
0x2c1: {  	v9 =	vmov s0  }
0x2c2: {  	v9 =	vand.u32 $0x7F, v9  }
0x2c3: {  	v10 =	vadd.s32 v0, v9  }
0x2c4: {  	v8 =	vmul.f32 $8.000000000e+00, v8;
	_ =	sdelay $0x1  }
0x2c5: {  	v8 =	vadd.f32 v8, v4;
	_ =	sdelay $0x1  }
0x2c6: {  	[tilespmem:v10+s20+$0x0] =	vst.idx.msk $0xffff, v8  }
0x2c7: {  	v8 =	vld [tilespmem:s26+$0x50];
	_ =	sdelay $0x3  }
0x2c8: {  	v10 =	vadd.s32 v1, v9  }
0x2c9: {  	v8 =	vmul.f32 $8.000000000e+00, v8;
	_ =	sdelay $0x1  }
0x2ca: {  	v8 =	vadd.f32 v8, v5;
	_ =	sdelay $0x1  }
0x2cb: {  	[tilespmem:v10+s20+$0x0] =	vst.idx.msk $0xffff, v8  }
0x2cc: {  	v8 =	vld [tilespmem:s26+$0x60];
	_ =	sdelay $0x3  }
0x2cd: {  	v10 =	vadd.s32 v2, v9  }
0x2ce: {  	v8 =	vmul.f32 $8.000000000e+00, v8;
	_ =	sdelay $0x1  }
0x2cf: {  	v8 =	vadd.f32 v8, v6;
	_ =	sdelay $0x1  }
0x2d0: {  	[tilespmem:v10+s20+$0x0] =	vst.idx.msk $0xffff, v8  }
0x2d1: {  	v10 =	vld [tilespmem:s26+$0x70];
	_ =	sdelay $0x2  }
.Ltmp9:
0x2d2: {  	(pc) =	sbr.rel @p0 .LBB2_19-.Ltmp9, $3  }
0x2d3: {  	v8 =	vadd.s32 v3, v9  }
0x2d4: {  	v9 =	vmul.f32 $8.000000000e+00, v10;
	_ =	sdelay $0x1  }
0x2d5: {  	v9 =	vadd.f32 v9, v7  }
0x2d6: {  	_ =	sdelay $0x3  }
0x2d7: {  	s26 =	sshllo.u32 s25, $0x1;
	s28 =	simm.s32 $0xC4F0;
	[tilespmem:v8+s20+$0x0] =	vst.idx.msk $0xffff, v9  }
0x2d8: {  	s0 =	sshll.u32 s26, $0x6;
	v5 =	vld [tilespmem:s28+$0xFFFFFF10]  }
0x2d9: {  	s1 =	simm.s32 $0x0;
	s0 =	sand.u32 $0x3FFFFFC0, s0  }
0x2da: {  	v6 =	vmov s1;
	v4 =	vld [tilespmem:s0+$0x16C00]  }
0x2db: {  	v8 =	vand.u32 $0x7C, v6  }
0x2dc: {  	v9 =	vadd.s32 v0, v8  }
0x2dd: {  	v7 =	vmul.f32 $8.000000000e+00, v5;
	_ =	sdelay $0x1  }
0x2de: {  	v6 =	vld [tilespmem:s0+$0x16C20];
	v10 =	vadd.f32 v7, v4  }
0x2df: {  	v5 =	vld [tilespmem:s0+$0x16C10]  }
0x2e0: {  	v7 =	vld [tilespmem:s0+$0x16C30];
	[tilespmem:v9+s21+$0x0] =	vst.idx.msk $0xffff, v10  }
0x2e1: {  	v9 =	vld [tilespmem:s28+$0xFFFFFF20];
	_ =	sdelay $0x3  }
0x2e2: {  	v10 =	vadd.s32 v1, v8  }
0x2e3: {  	v9 =	vmul.f32 $8.000000000e+00, v9;
	_ =	sdelay $0x1  }
0x2e4: {  	v9 =	vadd.f32 v9, v5;
	_ =	sdelay $0x1  }
0x2e5: {  	[tilespmem:v10+s21+$0x0] =	vst.idx.msk $0xffff, v9  }
0x2e6: {  	v9 =	vld [tilespmem:s28+$0xFFFFFF30];
	_ =	sdelay $0x3  }
0x2e7: {  	v10 =	vadd.s32 v2, v8  }
0x2e8: {  	v9 =	vmul.f32 $8.000000000e+00, v9;
	_ =	sdelay $0x1  }
0x2e9: {  	v9 =	vadd.f32 v9, v6;
	_ =	sdelay $0x1  }
0x2ea: {  	[tilespmem:v10+s21+$0x0] =	vst.idx.msk $0xffff, v9  }
0x2eb: {  	v9 =	vld [tilespmem:s28+$0xFFFFFF40];
	_ =	sdelay $0x3  }
0x2ec: {  	v8 =	vadd.s32 v3, v8  }
0x2ed: {  	v9 =	vmul.f32 $8.000000000e+00, v9;
	_ =	sdelay $0x1  }
0x2ee: {  	v9 =	vadd.f32 v9, v7;
	_ =	sdelay $0x1  }
0x2ef: {  	[tilespmem:v8+s21+$0x0] =	vst.idx.msk $0xffff, v9  }
0x2f0: {  	v8 =	vld [tilespmem:s28+$0xFFFFFF50]  }
0x2f1: {  	s1 =	simm.s32 $0x1  }
0x2f2: {  	v9 =	vmov s1  }
0x2f3: {  	v9 =	vand.u32 $0x7D, v9  }
0x2f4: {  	v10 =	vadd.s32 v0, v9  }
0x2f5: {  	v8 =	vmul.f32 $8.000000000e+00, v8;
	_ =	sdelay $0x1  }
0x2f6: {  	v8 =	vadd.f32 v8, v4;
	_ =	sdelay $0x1  }
0x2f7: {  	[tilespmem:v10+s21+$0x0] =	vst.idx.msk $0xffff, v8  }
0x2f8: {  	v8 =	vld [tilespmem:s28+$0xFFFFFF60];
	_ =	sdelay $0x3  }
0x2f9: {  	v10 =	vadd.s32 v1, v9  }
0x2fa: {  	v8 =	vmul.f32 $8.000000000e+00, v8;
	_ =	sdelay $0x1  }
0x2fb: {  	v8 =	vadd.f32 v8, v5;
	_ =	sdelay $0x1  }
0x2fc: {  	[tilespmem:v10+s21+$0x0] =	vst.idx.msk $0xffff, v8  }
0x2fd: {  	v8 =	vld [tilespmem:s28+$0xFFFFFF70];
	_ =	sdelay $0x3  }
0x2fe: {  	v10 =	vadd.s32 v2, v9  }
0x2ff: {  	v8 =	vmul.f32 $8.000000000e+00, v8;
	_ =	sdelay $0x1  }
0x300: {  	v8 =	vadd.f32 v8, v6;
	_ =	sdelay $0x1  }
0x301: {  	[tilespmem:v10+s21+$0x0] =	vst.idx.msk $0xffff, v8  }
0x302: {  	v8 =	vld [tilespmem:s28+$0xFFFFFF80];
	_ =	sdelay $0x3  }
0x303: {  	v9 =	vadd.s32 v3, v9  }
0x304: {  	v8 =	vmul.f32 $8.000000000e+00, v8;
	_ =	sdelay $0x1  }
0x305: {  	v8 =	vadd.f32 v8, v7;
	_ =	sdelay $0x1  }
0x306: {  	[tilespmem:v9+s21+$0x0] =	vst.idx.msk $0xffff, v8  }
0x307: {  	v8 =	vld [tilespmem:s28+$0xFFFFFF90]  }
0x308: {  	s30 =	simm.s32 $0x2  }
0x309: {  	v9 =	vmov s30  }
0x30a: {  	v9 =	vand.u32 $0x7E, v9  }
0x30b: {  	v10 =	vadd.s32 v0, v9  }
0x30c: {  	v8 =	vmul.f32 $8.000000000e+00, v8;
	_ =	sdelay $0x1  }
0x30d: {  	v8 =	vadd.f32 v8, v4;
	_ =	sdelay $0x1  }
0x30e: {  	[tilespmem:v10+s21+$0x0] =	vst.idx.msk $0xffff, v8  }
0x30f: {  	v8 =	vld [tilespmem:s28+$0xFFFFFFA0];
	_ =	sdelay $0x3  }
0x310: {  	v10 =	vadd.s32 v1, v9  }
0x311: {  	v8 =	vmul.f32 $8.000000000e+00, v8;
	_ =	sdelay $0x1  }
0x312: {  	v8 =	vadd.f32 v8, v5;
	_ =	sdelay $0x1  }
0x313: {  	[tilespmem:v10+s21+$0x0] =	vst.idx.msk $0xffff, v8  }
0x314: {  	v8 =	vld [tilespmem:s28+$0xFFFFFFB0];
	_ =	sdelay $0x3  }
0x315: {  	v10 =	vadd.s32 v2, v9  }
0x316: {  	v8 =	vmul.f32 $8.000000000e+00, v8;
	_ =	sdelay $0x1  }
0x317: {  	v8 =	vadd.f32 v8, v6;
	_ =	sdelay $0x1  }
0x318: {  	[tilespmem:v10+s21+$0x0] =	vst.idx.msk $0xffff, v8  }
0x319: {  	v8 =	vld [tilespmem:s28+$0xFFFFFFC0];
	_ =	sdelay $0x3  }
0x31a: {  	v9 =	vadd.s32 v3, v9  }
0x31b: {  	v8 =	vmul.f32 $8.000000000e+00, v8;
	_ =	sdelay $0x1  }
0x31c: {  	v8 =	vadd.f32 v8, v7;
	_ =	sdelay $0x1  }
0x31d: {  	[tilespmem:v9+s21+$0x0] =	vst.idx.msk $0xffff, v8  }
0x31e: {  	v8 =	vld [tilespmem:s28+$0xFFFFFFD0]  }
0x31f: {  	s31 =	simm.s32 $0x3  }
0x320: {  	v9 =	vmov s31  }
0x321: {  	v9 =	vand.u32 $0x7F, v9  }
0x322: {  	v10 =	vadd.s32 v0, v9  }
0x323: {  	v8 =	vmul.f32 $8.000000000e+00, v8;
	_ =	sdelay $0x1  }
0x324: {  	v8 =	vadd.f32 v8, v4;
	_ =	sdelay $0x1  }
0x325: {  	[tilespmem:v10+s21+$0x0] =	vst.idx.msk $0xffff, v8  }
0x326: {  	v8 =	vld [tilespmem:s28+$0xFFFFFFE0];
	_ =	sdelay $0x3  }
0x327: {  	v10 =	vadd.s32 v1, v9  }
0x328: {  	v8 =	vmul.f32 $8.000000000e+00, v8;
	_ =	sdelay $0x1  }
0x329: {  	v8 =	vadd.f32 v8, v5;
	_ =	sdelay $0x1  }
0x32a: {  	[tilespmem:v10+s21+$0x0] =	vst.idx.msk $0xffff, v8  }
0x32b: {  	v8 =	vld [tilespmem:s28+$0xFFFFFFF0];
	_ =	sdelay $0x3  }
0x32c: {  	v10 =	vadd.s32 v2, v9  }
0x32d: {  	v8 =	vmul.f32 $8.000000000e+00, v8;
	_ =	sdelay $0x1  }
0x32e: {  	v8 =	vadd.f32 v8, v6;
	_ =	sdelay $0x1  }
0x32f: {  	[tilespmem:v10+s21+$0x0] =	vst.idx.msk $0xffff, v8  }
0x330: {  	v8 =	vld [tilespmem:s28+$0x0];
	_ =	sdelay $0x4  }
0x331: {  	v10 =	vmul.f32 $8.000000000e+00, v8;
	v8 =	vadd.s32 v3, v9;
	_ =	sdelay $0x2  }
0x332: {  	s29 =	simm.s32 $0x4;
	v9 =	vadd.f32 v10, v7  }
.LBB2_21:
0x333: {  	p0 =	slt.u32 s29, $0x7C  }
0x334: {  	s28 =	sadd.s32 $0x100, s28;
	s30 =	smov.u32 s29;
	s29 =	sadd.s32 $0x4, s29;
	[tilespmem:v8+s21+$0x0] =	vst.idx.msk $0xffff, v9  }
0x335: {  	v8 =	vld [tilespmem:s28+$0xFFFFFF10];
	_ =	sdelay $0x1  }
0x336: {  	v9 =	vmov s30  }
0x337: {  	v9 =	vand.u32 $0x7C, v9  }
0x338: {  	v10 =	vadd.s32 v0, v9  }
0x339: {  	v8 =	vmul.f32 $8.000000000e+00, v8;
	_ =	sdelay $0x1  }
0x33a: {  	v8 =	vadd.f32 v8, v4;
	_ =	sdelay $0x1  }
0x33b: {  	[tilespmem:v10+s21+$0x0] =	vst.idx.msk $0xffff, v8  }
0x33c: {  	v8 =	vld [tilespmem:s28+$0xFFFFFF20];
	_ =	sdelay $0x3  }
0x33d: {  	v10 =	vadd.s32 v1, v9  }
0x33e: {  	v8 =	vmul.f32 $8.000000000e+00, v8;
	_ =	sdelay $0x1  }
0x33f: {  	v8 =	vadd.f32 v8, v5;
	_ =	sdelay $0x1  }
0x340: {  	[tilespmem:v10+s21+$0x0] =	vst.idx.msk $0xffff, v8  }
0x341: {  	v8 =	vld [tilespmem:s28+$0xFFFFFF30];
	_ =	sdelay $0x3  }
0x342: {  	v10 =	vadd.s32 v2, v9  }
0x343: {  	v8 =	vmul.f32 $8.000000000e+00, v8;
	_ =	sdelay $0x1  }
0x344: {  	v8 =	vadd.f32 v8, v6;
	_ =	sdelay $0x1  }
0x345: {  	[tilespmem:v10+s21+$0x0] =	vst.idx.msk $0xffff, v8  }
0x346: {  	v8 =	vld [tilespmem:s28+$0xFFFFFF40];
	_ =	sdelay $0x3  }
0x347: {  	v9 =	vadd.s32 v3, v9  }
0x348: {  	v8 =	vmul.f32 $8.000000000e+00, v8;
	_ =	sdelay $0x1  }
0x349: {  	v8 =	vadd.f32 v8, v7;
	_ =	sdelay $0x1  }
0x34a: {  	[tilespmem:v9+s21+$0x0] =	vst.idx.msk $0xffff, v8  }
0x34b: {  	v8 =	vld [tilespmem:s28+$0xFFFFFF50]  }
0x34c: {  	s0 =	sadd.s32 $0x1, s30  }
0x34d: {  	v9 =	vmov s0  }
0x34e: {  	v9 =	vand.u32 $0x7D, v9  }
0x34f: {  	v10 =	vadd.s32 v0, v9  }
0x350: {  	v8 =	vmul.f32 $8.000000000e+00, v8;
	_ =	sdelay $0x1  }
0x351: {  	v8 =	vadd.f32 v8, v4;
	_ =	sdelay $0x1  }
0x352: {  	[tilespmem:v10+s21+$0x0] =	vst.idx.msk $0xffff, v8  }
0x353: {  	v8 =	vld [tilespmem:s28+$0xFFFFFF60];
	_ =	sdelay $0x3  }
0x354: {  	v10 =	vadd.s32 v1, v9  }
0x355: {  	v8 =	vmul.f32 $8.000000000e+00, v8;
	_ =	sdelay $0x1  }
0x356: {  	v8 =	vadd.f32 v8, v5;
	_ =	sdelay $0x1  }
0x357: {  	[tilespmem:v10+s21+$0x0] =	vst.idx.msk $0xffff, v8  }
0x358: {  	v8 =	vld [tilespmem:s28+$0xFFFFFF70];
	_ =	sdelay $0x3  }
0x359: {  	v10 =	vadd.s32 v2, v9  }
0x35a: {  	v8 =	vmul.f32 $8.000000000e+00, v8;
	_ =	sdelay $0x1  }
0x35b: {  	v8 =	vadd.f32 v8, v6;
	_ =	sdelay $0x1  }
0x35c: {  	[tilespmem:v10+s21+$0x0] =	vst.idx.msk $0xffff, v8  }
0x35d: {  	v8 =	vld [tilespmem:s28+$0xFFFFFF80];
	_ =	sdelay $0x3  }
0x35e: {  	v9 =	vadd.s32 v3, v9  }
0x35f: {  	v8 =	vmul.f32 $8.000000000e+00, v8;
	_ =	sdelay $0x1  }
0x360: {  	v8 =	vadd.f32 v8, v7;
	_ =	sdelay $0x1  }
0x361: {  	[tilespmem:v9+s21+$0x0] =	vst.idx.msk $0xffff, v8  }
0x362: {  	v8 =	vld [tilespmem:s28+$0xFFFFFF90]  }
0x363: {  	s0 =	sadd.s32 $0x2, s30  }
0x364: {  	v9 =	vmov s0  }
0x365: {  	v9 =	vand.u32 $0x7E, v9  }
0x366: {  	v10 =	vadd.s32 v0, v9  }
0x367: {  	v8 =	vmul.f32 $8.000000000e+00, v8;
	_ =	sdelay $0x1  }
0x368: {  	v8 =	vadd.f32 v8, v4;
	_ =	sdelay $0x1  }
0x369: {  	[tilespmem:v10+s21+$0x0] =	vst.idx.msk $0xffff, v8  }
0x36a: {  	v8 =	vld [tilespmem:s28+$0xFFFFFFA0];
	_ =	sdelay $0x3  }
0x36b: {  	v10 =	vadd.s32 v1, v9  }
0x36c: {  	v8 =	vmul.f32 $8.000000000e+00, v8;
	_ =	sdelay $0x1  }
0x36d: {  	v8 =	vadd.f32 v8, v5;
	_ =	sdelay $0x1  }
0x36e: {  	[tilespmem:v10+s21+$0x0] =	vst.idx.msk $0xffff, v8  }
0x36f: {  	v8 =	vld [tilespmem:s28+$0xFFFFFFB0];
	_ =	sdelay $0x3  }
0x370: {  	v10 =	vadd.s32 v2, v9  }
0x371: {  	v8 =	vmul.f32 $8.000000000e+00, v8;
	_ =	sdelay $0x1  }
0x372: {  	v8 =	vadd.f32 v8, v6;
	_ =	sdelay $0x1  }
0x373: {  	[tilespmem:v10+s21+$0x0] =	vst.idx.msk $0xffff, v8  }
0x374: {  	v8 =	vld [tilespmem:s28+$0xFFFFFFC0];
	_ =	sdelay $0x3  }
0x375: {  	v9 =	vadd.s32 v3, v9  }
0x376: {  	v8 =	vmul.f32 $8.000000000e+00, v8;
	_ =	sdelay $0x1  }
0x377: {  	v8 =	vadd.f32 v8, v7;
	_ =	sdelay $0x1  }
0x378: {  	[tilespmem:v9+s21+$0x0] =	vst.idx.msk $0xffff, v8  }
0x379: {  	v8 =	vld [tilespmem:s28+$0xFFFFFFD0]  }
0x37a: {  	s0 =	sadd.s32 $0x3, s30  }
0x37b: {  	v9 =	vmov s0  }
0x37c: {  	v9 =	vand.u32 $0x7F, v9  }
0x37d: {  	v10 =	vadd.s32 v0, v9  }
0x37e: {  	v8 =	vmul.f32 $8.000000000e+00, v8;
	_ =	sdelay $0x1  }
0x37f: {  	v8 =	vadd.f32 v8, v4;
	_ =	sdelay $0x1  }
0x380: {  	[tilespmem:v10+s21+$0x0] =	vst.idx.msk $0xffff, v8  }
0x381: {  	v8 =	vld [tilespmem:s28+$0xFFFFFFE0];
	_ =	sdelay $0x3  }
0x382: {  	v10 =	vadd.s32 v1, v9  }
0x383: {  	v8 =	vmul.f32 $8.000000000e+00, v8;
	_ =	sdelay $0x1  }
0x384: {  	v8 =	vadd.f32 v8, v5;
	_ =	sdelay $0x1  }
0x385: {  	[tilespmem:v10+s21+$0x0] =	vst.idx.msk $0xffff, v8  }
0x386: {  	v8 =	vld [tilespmem:s28+$0xFFFFFFF0];
	_ =	sdelay $0x3  }
0x387: {  	v10 =	vadd.s32 v2, v9  }
0x388: {  	v8 =	vmul.f32 $8.000000000e+00, v8;
	_ =	sdelay $0x1  }
0x389: {  	v8 =	vadd.f32 v8, v6;
	_ =	sdelay $0x1  }
0x38a: {  	[tilespmem:v10+s21+$0x0] =	vst.idx.msk $0xffff, v8  }
0x38b: {  	v10 =	vld [tilespmem:s28+$0x0];
	_ =	sdelay $0x2  }
.Ltmp10:
0x38c: {  	(pc) =	sbr.rel @p0 .LBB2_21-.Ltmp10, $3  }
0x38d: {  	v8 =	vadd.s32 v3, v9  }
0x38e: {  	v9 =	vmul.f32 $8.000000000e+00, v10;
	_ =	sdelay $0x1  }
0x38f: {  	v9 =	vadd.f32 v9, v7  }
0x390: {  	_ = 	snop  }
0x391: {  	s0 =	sshll.u32 s25, $0x13  }
0x392: {  	s0 =	sor.u32 s6, s0  }
0x393: {  	s0 =	sshrl.u32 s0, $0x3  }
0x394: {  	s31 =	simm.s32 $0x12800;
	[tilespmem:v8+s21+$0x0] =	vst.idx.msk $0xffff, v9;
	s1 =	sadd.s32 s2, s0  }
0x395: {  	[hbm4b:s1+s3] =	stream.linear.scatter [tilespmem:s31], [sflag:$0x4], $0x80, $0x38;
	[tilespmem:$0x19E00] =	vst v63  }
0x396: {  	s25 =	simm.s32 $0x12888;
	s31 =	sadd.s32 $0x10, s1  }
0x397: {  	[hbm4b:s31+s3] =	stream.linear.scatter [tilespmem:s25], [sflag:$0x4], $0x80, $0x38;
	[tilespmem:$0x19E00] =	vst v63  }
0x398: {  	s25 =	simm.s32 $0x12910;
	s31 =	sadd.s32 $0x20, s1  }
0x399: {  	[hbm4b:s31+s3] =	stream.linear.scatter [tilespmem:s25], [sflag:$0x4], $0x80, $0x38;
	[tilespmem:$0x19E00] =	vst v63  }
0x39a: {  	s25 =	simm.s32 $0x12998;
	s31 =	sadd.s32 $0x30, s1  }
0x39b: {  	[hbm4b:s31+s3] =	stream.linear.scatter [tilespmem:s25], [sflag:$0x4], $0x80, $0x38;
	[tilespmem:$0x19E00] =	vst v63  }
0x39c: {  	s25 =	simm.s32 $0x12A20;
	s31 =	sadd.s32 $0x40, s1  }
0x39d: {  	[hbm4b:s31+s3] =	stream.linear.scatter [tilespmem:s25], [sflag:$0x4], $0x80, $0x38;
	[tilespmem:$0x19E00] =	vst v63  }
0x39e: {  	s29 =	simm.s32 $0x2200;
	s25 =	simm.s32 $0x12AA8;
	s31 =	sadd.s32 $0x50, s1  }
0x39f: {  	[hbm4b:s31+s3] =	stream.linear.scatter [tilespmem:s25], [sflag:$0x4], $0x80, $0x38;
	[tilespmem:$0x19E00] =	vst v63  }
0x3a0: {  	s30 =	simm.s32 $0x12BB8;
	s25 =	simm.s32 $0x12B30;
	s31 =	sadd.s32 $0x60, s1  }
0x3a1: {  	[hbm4b:s31+s3] =	stream.linear.scatter [tilespmem:s25], [sflag:$0x4], $0x80, $0x38;
	[tilespmem:$0x19E00] =	vst v63  }
0x3a2: {  	s0 =	sadd.s32 $0x70, s1;
	s28 =	sadd.s32 $0x1000, s1;
	s25 =	simm.s32 $0x440  }
.LBB2_23:
0x3a3: {  	[hbm4b:s0+s3] =	stream.linear.scatter [tilespmem:s30], [sflag:$0x4], $0x80, $0x38;
	[tilespmem:$0x19E00] =	vst v63  }
0x3a4: {  	s0 =	smov.u32 s25;
	s1 =	smov.u32 s29  }
0x3a5: {  	s25 =	sshra.s32 s1, $0x2;
	s1 =	sadd.s32 $0x1100, s29;
	s30 =	sadd.s32 $0x12800, s0  }
0x3a6: {  	[hbm4b:s28+s3] =	stream.linear.scatter [tilespmem:s30], [sflag:$0x4], $0x80, $0x38;
	[tilespmem:$0x19E00] =	vst v63  }
0x3a7: {  	p0 =	sne.s32 s29, $0x7700;
	s29 =	sadd.s32 $0x12888, s0;
	s30 =	sadd.s32 $0x10, s28  }
0x3a8: {  	[hbm4b:s30+s3] =	stream.linear.scatter [tilespmem:s29], [sflag:$0x4], $0x80, $0x38;
	[tilespmem:$0x19E00] =	vst v63  }
0x3a9: {  	s29 =	sadd.s32 $0x12910, s0;
	s30 =	sadd.s32 $0x20, s28  }
0x3aa: {  	[hbm4b:s30+s3] =	stream.linear.scatter [tilespmem:s29], [sflag:$0x4], $0x80, $0x38;
	[tilespmem:$0x19E00] =	vst v63  }
0x3ab: {  	s29 =	sadd.s32 $0x12998, s0;
	s30 =	sadd.s32 $0x30, s28  }
0x3ac: {  	[hbm4b:s30+s3] =	stream.linear.scatter [tilespmem:s29], [sflag:$0x4], $0x80, $0x38;
	[tilespmem:$0x19E00] =	vst v63  }
0x3ad: {  	s29 =	sadd.s32 $0x12A20, s0;
	s30 =	sadd.s32 $0x40, s28  }
0x3ae: {  	[hbm4b:s30+s3] =	stream.linear.scatter [tilespmem:s29], [sflag:$0x4], $0x80, $0x38;
	[tilespmem:$0x19E00] =	vst v63  }
0x3af: {  	s29 =	sadd.s32 $0x12AA8, s0;
	s30 =	sadd.s32 $0x50, s28  }
0x3b0: {  	[hbm4b:s30+s3] =	stream.linear.scatter [tilespmem:s29], [sflag:$0x4], $0x80, $0x38;
	[tilespmem:$0x19E00] =	vst v63  }
.Ltmp11:
0x3b1: {  	_ = 	snop;
	(pc) =	sbr.rel @p0 .LBB2_23-.Ltmp11, $4  }
0x3b2: {  	s29 =	sadd.s32 $0x12B30, s0;
	s30 =	sadd.s32 $0x60, s28  }
0x3b3: {  	[hbm4b:s30+s3] =	stream.linear.scatter [tilespmem:s29], [sflag:$0x4], $0x80, $0x38;
	[tilespmem:$0x19E00] =	vst v63  }
0x3b4: {  	s30 =	sadd.s32 $0x12BB8, s0  }
0x3b5: {  	s0 =	sadd.s32 $0x70, s28;
	s28 =	sadd.s32 $0x1000, s28;
	s29 =	smov.u32 s1  }
0x3b6: {  	[hbm4b:s0+s3] =	stream.linear.scatter [tilespmem:s30], [sflag:$0x4], $0x80, $0x38;
	[tilespmem:$0x19E00] =	vst v63  }
0x3b7: {  	s30 =	sadd.s32 $0x12800, s25  }
0x3b8: {  	[hbm4b:s28+s3] =	stream.linear.scatter [tilespmem:s30], [sflag:$0x4], $0x80, $0x38;
	[tilespmem:$0x19E00] =	vst v63  }
0x3b9: {  	s31 =	sadd.s32 $0x12888, s25;
	s1 =	sadd.s32 $0x10, s28  }
0x3ba: {  	[hbm4b:s1+s3] =	stream.linear.scatter [tilespmem:s31], [sflag:$0x4], $0x80, $0x38;
	[tilespmem:$0x19E00] =	vst v63  }
0x3bb: {  	s30 =	sadd.s32 $0x12910, s25;
	s31 =	sadd.s32 $0x20, s28  }
0x3bc: {  	[hbm4b:s31+s3] =	stream.linear.scatter [tilespmem:s30], [sflag:$0x4], $0x80, $0x38;
	[tilespmem:$0x19E00] =	vst v63  }
0x3bd: {  	s30 =	sadd.s32 $0x12998, s25;
	s31 =	sadd.s32 $0x30, s28  }
0x3be: {  	[hbm4b:s31+s3] =	stream.linear.scatter [tilespmem:s30], [sflag:$0x4], $0x80, $0x38;
	[tilespmem:$0x19E00] =	vst v63  }
0x3bf: {  	s30 =	sadd.s32 $0x12A20, s25;
	s31 =	sadd.s32 $0x40, s28  }
0x3c0: {  	[hbm4b:s31+s3] =	stream.linear.scatter [tilespmem:s30], [sflag:$0x4], $0x80, $0x38;
	[tilespmem:$0x19E00] =	vst v63  }
0x3c1: {  	s30 =	sadd.s32 $0x12AA8, s25;
	s31 =	sadd.s32 $0x50, s28  }
0x3c2: {  	[hbm4b:s31+s3] =	stream.linear.scatter [tilespmem:s30], [sflag:$0x4], $0x80, $0x38;
	[tilespmem:$0x19E00] =	vst v63  }
0x3c3: {  	s30 =	sadd.s32 $0x12B30, s25;
	s31 =	sadd.s32 $0x60, s28  }
0x3c4: {  	[hbm4b:s31+s3] =	stream.linear.scatter [tilespmem:s30], [sflag:$0x4], $0x80, $0x38;
	[tilespmem:$0x19E00] =	vst v63  }
0x3c5: {  	s30 =	sshll.u32 s26, $0x12  }
0x3c6: {  	s1 =	sadd.s32 $0x12BB8, s25;
	s25 =	sadd.s32 $0x70, s28;
	s0 =	sor.u32 s6, s30  }
0x3c7: {  	[hbm4b:s25+s3] =	stream.linear.scatter [tilespmem:s1], [sflag:$0x4], $0x80, $0x38;
	[tilespmem:$0x19E00] =	vst v63  }
0x3c8: {  	s0 =	sshrl.u32 s0, $0x3  }
0x3c9: {  	s31 =	simm.s32 $0x14A00;
	s1 =	sadd.s32 s2, s0  }
0x3ca: {  	[hbm4b:s1+s3] =	stream.linear.scatter [tilespmem:s31], [sflag:$0x4], $0x80, $0x38;
	[tilespmem:$0x19E00] =	vst v63  }
0x3cb: {  	s25 =	simm.s32 $0x14A88;
	s26 =	sadd.s32 $0x10, s1  }
0x3cc: {  	[hbm4b:s26+s3] =	stream.linear.scatter [tilespmem:s25], [sflag:$0x4], $0x80, $0x38;
	[tilespmem:$0x19E00] =	vst v63  }
0x3cd: {  	s29 =	simm.s32 $0x14DB8;
	s30 =	simm.s32 $0x14B10;
	s31 =	sadd.s32 $0x20, s1  }
0x3ce: {  	[hbm4b:s31+s3] =	stream.linear.scatter [tilespmem:s30], [sflag:$0x4], $0x80, $0x38;
	[tilespmem:$0x19E00] =	vst v63  }
0x3cf: {  	s28 =	simm.s32 $0x2200;
	s25 =	simm.s32 $0x14B98;
	s26 =	sadd.s32 $0x30, s1  }
0x3d0: {  	[hbm4b:s26+s3] =	stream.linear.scatter [tilespmem:s25], [sflag:$0x4], $0x80, $0x38;
	[tilespmem:$0x19E00] =	vst v63  }
0x3d1: {  	s0 =	sadd.s32 $0x70, s1;
	s30 =	simm.s32 $0x14C20;
	s31 =	sadd.s32 $0x40, s1  }
0x3d2: {  	[hbm4b:s31+s3] =	stream.linear.scatter [tilespmem:s30], [sflag:$0x4], $0x80, $0x38;
	[tilespmem:$0x19E00] =	vst v63  }
0x3d3: {  	s25 =	simm.s32 $0x14CA8;
	s26 =	sadd.s32 $0x50, s1;
	s30 =	simm.s32 $0x14D30  }
0x3d4: {  	[hbm4b:s26+s3] =	stream.linear.scatter [tilespmem:s25], [sflag:$0x4], $0x80, $0x38;
	[tilespmem:$0x19E00] =	vst v63  }
0x3d5: {  	s31 =	sadd.s32 $0x60, s1;
	s25 =	simm.s32 $0x440;
	s26 =	sadd.s32 $0x1000, s1  }
0x3d6: {  	[hbm4b:s31+s3] =	stream.linear.scatter [tilespmem:s30], [sflag:$0x4], $0x80, $0x38;
	[tilespmem:$0x19E00] =	vst v63  }
.LBB2_25:
0x3d7: {  	[hbm4b:s0+s3] =	stream.linear.scatter [tilespmem:s29], [sflag:$0x4], $0x80, $0x38;
	[tilespmem:$0x19E00] =	vst v63  }
0x3d8: {  	s0 =	smov.u32 s25;
	s1 =	smov.u32 s28  }
0x3d9: {  	s25 =	sshra.s32 s1, $0x2;
	s1 =	sadd.s32 $0x1100, s28;
	s29 =	sadd.s32 $0x14A00, s0  }
0x3da: {  	[hbm4b:s26+s3] =	stream.linear.scatter [tilespmem:s29], [sflag:$0x4], $0x80, $0x38;
	[tilespmem:$0x19E00] =	vst v63  }
0x3db: {  	p0 =	sne.s32 s28, $0x7700;
	s28 =	sadd.s32 $0x14A88, s0;
	s29 =	sadd.s32 $0x10, s26  }
0x3dc: {  	[hbm4b:s29+s3] =	stream.linear.scatter [tilespmem:s28], [sflag:$0x4], $0x80, $0x38;
	[tilespmem:$0x19E00] =	vst v63  }
0x3dd: {  	s28 =	sadd.s32 $0x14B10, s0;
	s29 =	sadd.s32 $0x20, s26  }
0x3de: {  	[hbm4b:s29+s3] =	stream.linear.scatter [tilespmem:s28], [sflag:$0x4], $0x80, $0x38;
	[tilespmem:$0x19E00] =	vst v63  }
0x3df: {  	s28 =	sadd.s32 $0x14B98, s0;
	s29 =	sadd.s32 $0x30, s26  }
0x3e0: {  	[hbm4b:s29+s3] =	stream.linear.scatter [tilespmem:s28], [sflag:$0x4], $0x80, $0x38;
	[tilespmem:$0x19E00] =	vst v63  }
0x3e1: {  	s28 =	sadd.s32 $0x14C20, s0;
	s29 =	sadd.s32 $0x40, s26  }
0x3e2: {  	[hbm4b:s29+s3] =	stream.linear.scatter [tilespmem:s28], [sflag:$0x4], $0x80, $0x38;
	[tilespmem:$0x19E00] =	vst v63  }
0x3e3: {  	s28 =	sadd.s32 $0x14CA8, s0;
	s29 =	sadd.s32 $0x50, s26  }
0x3e4: {  	[hbm4b:s29+s3] =	stream.linear.scatter [tilespmem:s28], [sflag:$0x4], $0x80, $0x38;
	[tilespmem:$0x19E00] =	vst v63  }
.Ltmp12:
0x3e5: {  	_ = 	snop;
	(pc) =	sbr.rel @p0 .LBB2_25-.Ltmp12, $4  }
0x3e6: {  	s28 =	sadd.s32 $0x14D30, s0;
	s29 =	sadd.s32 $0x60, s26  }
0x3e7: {  	[hbm4b:s29+s3] =	stream.linear.scatter [tilespmem:s28], [sflag:$0x4], $0x80, $0x38;
	[tilespmem:$0x19E00] =	vst v63  }
0x3e8: {  	s29 =	sadd.s32 $0x14DB8, s0  }
0x3e9: {  	s0 =	sadd.s32 $0x70, s26;
	s26 =	sadd.s32 $0x1000, s26;
	s28 =	smov.u32 s1  }
0x3ea: {  	[hbm4b:s0+s3] =	stream.linear.scatter [tilespmem:s29], [sflag:$0x4], $0x80, $0x38;
	[tilespmem:$0x19E00] =	vst v63  }
0x3eb: {  	s30 =	sadd.s32 $0x14A00, s25  }
0x3ec: {  	[hbm4b:s26+s3] =	stream.linear.scatter [tilespmem:s30], [sflag:$0x4], $0x80, $0x38;
	[tilespmem:$0x19E00] =	vst v63  }
0x3ed: {  	s31 =	sadd.s32 $0x14A88, s25;
	s1 =	sadd.s32 $0x10, s26  }
0x3ee: {  	[hbm4b:s1+s3] =	stream.linear.scatter [tilespmem:s31], [sflag:$0x4], $0x80, $0x38;
	[tilespmem:$0x19E00] =	vst v63  }
0x3ef: {  	s28 =	sadd.s32 $0x14B10, s25;
	s29 =	sadd.s32 $0x20, s26  }
0x3f0: {  	[hbm4b:s29+s3] =	stream.linear.scatter [tilespmem:s28], [sflag:$0x4], $0x80, $0x38;
	[tilespmem:$0x19E00] =	vst v63  }
0x3f1: {  	s30 =	sadd.s32 $0x14B98, s25;
	s31 =	sadd.s32 $0x30, s26  }
0x3f2: {  	[hbm4b:s31+s3] =	stream.linear.scatter [tilespmem:s30], [sflag:$0x4], $0x80, $0x38;
	[tilespmem:$0x19E00] =	vst v63  }
0x3f3: {  	s24 =	sadd.s32 $0x1, s24;
	s28 =	sadd.s32 $0x14C20, s25;
	s29 =	sadd.s32 $0x40, s26  }
0x3f4: {  	[hbm4b:s29+s3] =	stream.linear.scatter [tilespmem:s28], [sflag:$0x4], $0x80, $0x38;
	[tilespmem:$0x19E00] =	vst v63  }
0x3f5: {  	p0 =	sne.s32 s24, $0x32;
	s30 =	sadd.s32 $0x14CA8, s25;
	s31 =	sadd.s32 $0x50, s26  }
0x3f6: {  	[hbm4b:s31+s3] =	stream.linear.scatter [tilespmem:s30], [sflag:$0x4], $0x80, $0x38;
	[tilespmem:$0x19E00] =	vst v63  }
.Ltmp13:
0x3f7: {  	_ = 	snop;
	(pc) =	sbr.rel @p0 .LBB2_6-.Ltmp13, $4  }
0x3f8: {  	s28 =	sadd.s32 $0x14D30, s25;
	s29 =	sadd.s32 $0x60, s26  }
0x3f9: {  	[hbm4b:s29+s3] =	stream.linear.scatter [tilespmem:s28], [sflag:$0x4], $0x80, $0x38;
	[tilespmem:$0x19E00] =	vst v63  }
0x3fa: {  	s30 =	sadd.s32 $0x14DB8, s25;
	s31 =	sadd.s32 $0x70, s26  }
0x3fb: {  	[hbm4b:s31+s3] =	stream.linear.scatter [tilespmem:s30], [sflag:$0x4], $0x80, $0x38;
	[tilespmem:$0x19E00] =	vst v63  }
0x3fc: {  	_ =	swait.ge [sflag:s11], $0x2000  }
0x3fd: {  	[sflag:s11] =	ssyncset.done $0x0  }
0x3fe: {  	[sflag:s11] =	ssyncadd.s32 $0xFFFFE000  }
0x3ff: {  	_ =	swait.ge [sflag:s11], $0x2000  }
0x400: {  	[sflag:s11] =	ssyncset.done $0x0  }
0x401: {  	s22 =	sadd.s32 $0x1, s22;
	[sflag:s11] =	ssyncadd.s32 $0xFFFFE000  }
0x402: {  	p0 =	sne.s32 s22, s7;
	_ =	swait.ge [sflag:s19], $0x2000  }
.Ltmp14:
0x403: {  	[sflag:s19] =	ssyncset.done $0x0;
	(pc) =	sbr.rel @p0 .LBB2_1-.Ltmp14, $4  }
0x404: {  	[sflag:s19] =	ssyncadd.s32 $0xFFFFE000  }
0x405: {  	_ =	swait.ge [sflag:s19], $0x2000  }
0x406: {  	[sflag:s19] =	ssyncset.done $0x0  }
0x407: {  	[sflag:s19] =	ssyncadd.s32 $0xFFFFE000  }
0x408: {  	_ =	sfence.sel $0x180000  }
0x409: {  	[bflag:$0x0] =	sbarrier.arrive $0xFFFF  }
0x40a: {  	_ =	strace $0x90000047  }
0x40b: {  	s0 =	stileid.u32;
	[bflag:$0x2] =	sbarrier.arrive $0xFFFF  }
0x40c: {  	p0 =	sne.s32 s0, $0x0;
	s0 =	rddreg [dreg:$0x2]  }
0x40d: {  	s0 =	sadd.s32 @!p0 $0x100000, s0  }
0x40e: {  	[sflag:s0] =	ssyncadd.tile.s32 @!p0 $0x1;
	_ =	shalt  }
.Lfunc_end2:
_tile_overlayer_lowered:
.L_overlay_start_2:
0x40f: {  	(tag) =	ssettag $0x2  }
0x410: {  	s0 =	rddreg [dreg:$0x0];
	s2 =	stileid.u32  }
0x411: {  	s1 =	rddreg [dreg:$0x1];
	p0 =	sne.s32 s2, $0x0  }
0x412: {  	s3 =	rddreg [dreg:$0x2];
	[bflag:$0x3] =	sbarrier.arrive $0xFFFF;
	s2 =	simm.s32 @!p0 $0x1C05  }
0x413: {  	[timem:s3], [sflag:s2] =	dma.local @!p0 [hbm:s0], s1  }
0x414: {  	s0 =	simm.s32 @!p0 $0x5  }
0x415: {  	_ =	swait.ge @!p0 [sflag:s0], s1  }
0x416: {  	s1 =	ssub.s32 @!p0 $0x0, s1;
	[sflag:s0] =	ssyncset.done @!p0 $0x0  }
0x417: {  	[sflag:s0] =	ssyncadd.s32 @!p0 s1  }
0x418: {  	[bflag:$0x3] =	sbarrier.arrive $0xFFFF  }
0x419: {  	_ =	shalt  }

</sc_bundles>
